<compile_context>
chip_gen: v7x
topology: tpu7x:2x2x1
jax: 0.10.2.dev20260603
libtpu: 0.0.44.dev20260713+nightly
codegen_flags: <defaults>
</compile_context>

<pallas_src>
import jax
import jax.numpy as jnp
from jax import lax
from jax.experimental import pallas as pl
from jax.experimental.pallas import tpu as pltpu
from jax.experimental.pallas import tpu_sc as plsc

N = 10000
D = 128
EPS = 1e-5

NACC = 10240
NPAD = 10240
NW = 32
CH = 128
NSTEP = 80
HSTEP = NSTEP // 2
EPW = NSTEP * CH
EPAD = NW * EPW
RPT = NACC // 16

_mesh = plsc.VectorSubcoreMesh(core_axis_name="c", subcore_axis_name="s")



def _sc_deg_body(idx_hbm, ones_hbm, zeros_hbm, out_hbm, acc_sh, slab, ones_v):
    c = lax.axis_index("c")
    s = lax.axis_index("s")
    pltpu.sync_copy(zeros_hbm.at[pl.ds(s * RPT, RPT)], acc_sh.at[pl.ds(s * RPT, RPT)])
    pltpu.sync_copy(ones_hbm, ones_v)
    w = s * 2 + c
    pltpu.sync_copy(idx_hbm.at[w], slab)
    plsc.subcore_barrier()

    def step(j, carry):
        pltpu.sync_copy(ones_v, acc_sh.at[slab.at[2 * j + 1]], add=True)
        return carry

    lax.fori_loop(0, NSTEP, step, 0)
    plsc.subcore_barrier()
    pltpu.sync_copy(acc_sh.at[pl.ds(s * RPT, RPT)], out_hbm.at[c, pl.ds(s * RPT, RPT)])


def _sc_deg(idx3, ones16, zeros16):
    return pl.kernel(
        _sc_deg_body,
        out_type=jax.ShapeDtypeStruct((2, NPAD, 16), jnp.float32),
        mesh=_mesh,
        scratch_types=[
            pltpu.VMEM_SHARED((NACC, 16), jnp.float32),
            pltpu.VMEM((NSTEP * 2, CH), jnp.int32),
            pltpu.VMEM((CH, 16), jnp.float32),
        ],
    )(idx3, ones16, zeros16)


def _sc_agg_body(y_hbm, idx_hbm, zeros_hbm, out_hbm,
                 acc_sh, slab, rows, rsems, ssems):
    c = lax.axis_index("c")
    s = lax.axis_index("s")
    w = s * 2 + c

    pltpu.sync_copy(zeros_hbm.at[pl.ds(s * RPT, RPT)], acc_sh.at[pl.ds(s * RPT, RPT)])
    plsc.subcore_barrier()

    for hb in range(2):
        pltpu.sync_copy(idx_hbm.at[w, pl.ds(hb * 2 * HSTEP, 2 * HSTEP)], slab)
        pltpu.async_copy(y_hbm.at[slab.at[0]], rows[0], rsems[0])

        def step(i2, carry):
            for b in range(2):
                l = i2 * 2 + b
                p = b
                pn = 1 - b

                @pl.when(l + 1 < HSTEP)
                def _():
                    @pl.when(l >= 1)
                    def _():
                        pltpu.make_async_copy(
                            rows[pn], acc_sh.at[slab.at[2 * (l - 1) + 1]],
                            ssems[pn]).wait()

                    pltpu.async_copy(
                        y_hbm.at[slab.at[2 * (l + 1)]], rows[pn], rsems[pn])

                pltpu.make_async_copy(
                    y_hbm.at[slab.at[2 * l]], rows[p], rsems[p]).wait()
                pltpu.async_copy(rows[p], acc_sh.at[slab.at[2 * l + 1]],
                                 ssems[p], add=True)
            return carry

        lax.fori_loop(0, HSTEP // 2, step, 0)

        for k in range(2):
            l = HSTEP - 2 + k
            pltpu.make_async_copy(
                rows[l % 2], acc_sh.at[slab.at[2 * l + 1]], ssems[l % 2]).wait()

    plsc.subcore_barrier()
    pltpu.sync_copy(acc_sh.at[pl.ds(s * RPT, RPT)], out_hbm.at[c, pl.ds(s * RPT, RPT)])


def _sc_agg(y, idx3, zeros):
    return pl.kernel(
        _sc_agg_body,
        out_type=jax.ShapeDtypeStruct((2, NPAD, D), jnp.float32),
        mesh=_mesh,
        scratch_types=[
            pltpu.VMEM_SHARED((NACC, D), jnp.float32),
            pltpu.VMEM((2 * HSTEP, CH), jnp.int32),
            [pltpu.VMEM((CH, D), jnp.float32) for _ in range(2)],
            [pltpu.SemaphoreType.DMA for _ in range(2)],
            [pltpu.SemaphoreType.DMA for _ in range(2)],
        ],
    )(y, idx3, zeros)



R = 2048
_GRID = NPAD // R


def _dot(a, b):
    return lax.dot_general(a, b, (((1,), (0,)), ((), ())),
                           precision=lax.Precision.HIGHEST,
                           preferred_element_type=jnp.float32)


def _rowmask(j):
    rows = lax.broadcasted_iota(jnp.int32, (R, 1), 0) + j * R
    return rows < N


def _k0_body(x_ref, w_ref, p0_ref, p1_ref, pc_ref, y_ref, dv_ref):
    deg = p0_ref[...] + p1_ref[...] + 1.0 - pc_ref[...]
    dv = lax.rsqrt(deg)
    dv_ref[...] = dv
    xw = _dot(x_ref[...], w_ref[...])
    y_ref[...] = jnp.where(_rowmask(pl.program_id(0)), xw * dv[:, 0:1], 0.0)


def _k0(xpad, w1, p0, p1, padc):
    return pl.pallas_call(
        _k0_body,
        grid=(_GRID,),
        in_specs=[
            pl.BlockSpec((R, D), lambda j: (j, 0)),
            pl.BlockSpec((D, D), lambda j: (0, 0)),
            pl.BlockSpec((R, 16), lambda j: (j, 0)),
            pl.BlockSpec((R, 16), lambda j: (j, 0)),
            pl.BlockSpec((R, 16), lambda j: (j, 0)),
        ],
        out_specs=[
            pl.BlockSpec((R, D), lambda j: (j, 0)),
            pl.BlockSpec((R, 16), lambda j: (j, 0)),
        ],
        out_shape=[
            jax.ShapeDtypeStruct((NPAD, D), jnp.float32),
            jax.ShapeDtypeStruct((NPAD, 16), jnp.float32),
        ],
    )(xpad, w1, p0, p1, padc)


def _b1_body(pa_ref, pb_ref, y_ref, dv_ref, b_ref, t_ref, s1_ref, s2_ref):
    j = pl.program_id(0)
    dv = dv_ref[:, 0:1]
    t = dv * (pa_ref[...] + pb_ref[...] + y_ref[...]) + b_ref[...]
    t_ref[...] = t
    tm = jnp.where(_rowmask(j), t, 0.0)
    s1 = jnp.sum(tm, axis=0, keepdims=True)
    s2 = jnp.sum(tm * tm, axis=0, keepdims=True)

    @pl.when(j == 0)
    def _():
        s1_ref[...] = s1
        s2_ref[...] = s2

    @pl.when(j > 0)
    def _():
        s1_ref[...] += s1
        s2_ref[...] += s2


def _b1(pa, pb, y, dv16, b):
    return pl.pallas_call(
        _b1_body,
        grid=(_GRID,),
        in_specs=[
            pl.BlockSpec((R, D), lambda j: (j, 0)),
            pl.BlockSpec((R, D), lambda j: (j, 0)),
            pl.BlockSpec((R, D), lambda j: (j, 0)),
            pl.BlockSpec((R, 16), lambda j: (j, 0)),
            pl.BlockSpec((1, D), lambda j: (0, 0)),
        ],
        out_specs=[
            pl.BlockSpec((R, D), lambda j: (j, 0)),
            pl.BlockSpec((1, D), lambda j: (0, 0)),
            pl.BlockSpec((1, D), lambda j: (0, 0)),
        ],
        out_shape=[
            jax.ShapeDtypeStruct((NPAD, D), jnp.float32),
            jax.ShapeDtypeStruct((1, D), jnp.float32),
            jax.ShapeDtypeStruct((1, D), jnp.float32),
        ],
    )(pa, pb, y, dv16, b)


def _b2_body(t_ref, s1_ref, s2_ref, g_ref, be_ref, w_ref, dv_ref, y_ref):
    mu = s1_ref[...] * (1.0 / N)
    var = s2_ref[...] * (1.0 / N) - mu * mu
    sc = g_ref[...] * lax.rsqrt(var + EPS)
    h = jnp.maximum((t_ref[...] - mu) * sc + be_ref[...], 0.0)
    xw = _dot(h, w_ref[...])
    y_ref[...] = jnp.where(_rowmask(pl.program_id(0)), xw * dv_ref[:, 0:1], 0.0)


def _b2(t, s1, s2, g, be, wn, dv16):
    return pl.pallas_call(
        _b2_body,
        grid=(_GRID,),
        in_specs=[
            pl.BlockSpec((R, D), lambda j: (j, 0)),
            pl.BlockSpec((1, D), lambda j: (0, 0)),
            pl.BlockSpec((1, D), lambda j: (0, 0)),
            pl.BlockSpec((1, D), lambda j: (0, 0)),
            pl.BlockSpec((1, D), lambda j: (0, 0)),
            pl.BlockSpec((D, D), lambda j: (0, 0)),
            pl.BlockSpec((R, 16), lambda j: (j, 0)),
        ],
        out_specs=[pl.BlockSpec((R, D), lambda j: (j, 0))],
        out_shape=[jax.ShapeDtypeStruct((NPAD, D), jnp.float32)],
    )(t, s1, s2, g, be, wn, dv16)[0]


def _k2_body(pa_ref, pb_ref, y_ref, dv_ref, b_ref, wc1_ref, bc1_ref,
             wc2_ref, bc2_ref, o_ref):
    t = dv_ref[:, 0:1] * (pa_ref[...] + pb_ref[...] + y_ref[...]) + b_ref[...]
    h = jnp.maximum(_dot(t, wc1_ref[...]) + bc1_ref[...], 0.0)
    logits = _dot(h, wc2_ref[...]) + bc2_ref[...]
    mx = jnp.max(logits, axis=1, keepdims=True)
    ex = jnp.exp(logits - mx)
    lse = jnp.log(jnp.sum(ex, axis=1, keepdims=True)) + mx
    o_ref[...] = logits - lse


def _k2(pa, pb, y, dv16, b3, wc1, bc1, wc2, bc2):
    return pl.pallas_call(
        _k2_body,
        grid=(_GRID,),
        in_specs=[
            pl.BlockSpec((R, D), lambda j: (j, 0)),
            pl.BlockSpec((R, D), lambda j: (j, 0)),
            pl.BlockSpec((R, D), lambda j: (j, 0)),
            pl.BlockSpec((R, 16), lambda j: (j, 0)),
            pl.BlockSpec((1, D), lambda j: (0, 0)),
            pl.BlockSpec((D, 64), lambda j: (0, 0)),
            pl.BlockSpec((1, 64), lambda j: (0, 0)),
            pl.BlockSpec((64, 3), lambda j: (0, 0)),
            pl.BlockSpec((1, 3), lambda j: (0, 0)),
        ],
        out_specs=[pl.BlockSpec((R, 3), lambda j: (j, 0))],
        out_shape=[jax.ShapeDtypeStruct((NPAD, 3), jnp.float32)],
    )(pa, pb, y, dv16, b3, wc1, bc1, wc2, bc2)[0]



def kernel(x, edge_index, W1, b1, W2, b2, W3, b3, g1, be1, g2, be2,
           Wc1, bc1, Wc2, bc2):
    e = edge_index.shape[1]
    pad_e = EPAD - e
    src = jnp.concatenate([edge_index[0], jnp.full((pad_e,), N, jnp.int32)])
    dst = jnp.concatenate(
        [edge_index[1], jnp.arange(pad_e, dtype=jnp.int32) % NACC])
    src3 = src.reshape(NW, NSTEP, 1, CH)
    dst3 = dst.reshape(NW, NSTEP, 1, CH)
    idx3 = jnp.concatenate([src3, dst3], axis=2).reshape(NW, NSTEP * 2, CH)

    full, rem = pad_e // NACC, pad_e % NACC
    r = jnp.arange(NPAD)
    padcol = jnp.where(r < NACC, full + (r < rem), 0).astype(jnp.float32)
    padc = jnp.broadcast_to(padcol[:, None], (NPAD, 16))

    xpad = jnp.pad(x, ((0, NPAD - N), (0, 0)))
    zeros = jnp.zeros((NACC, D), jnp.float32)
    zeros16 = jnp.zeros((NACC, 16), jnp.float32)
    ones16 = jnp.ones((CH, 16), jnp.float32)

    b1r = b1.reshape(1, D)
    b2r = b2.reshape(1, D)
    b3r = b3.reshape(1, D)
    g1r = g1.reshape(1, D)
    be1r = be1.reshape(1, D)
    g2r = g2.reshape(1, D)
    be2r = be2.reshape(1, D)
    bc1r = bc1.reshape(1, 64)
    bc2r = bc2.reshape(1, 3)

    degp = _sc_deg(idx3, ones16, zeros16)

    y1, dv16 = _k0(xpad, W1, degp[0], degp[1], padc)

    q = _sc_agg(y1, idx3, zeros)
    t1, s1a, s2a = _b1(q[0], q[1], y1, dv16, b1r)
    y2 = _b2(t1, s1a, s2a, g1r, be1r, W2, dv16)

    u = _sc_agg(y2, idx3, zeros)
    t2, s1b, s2b = _b1(u[0], u[1], y2, dv16, b2r)
    y3 = _b2(t2, s1b, s2b, g2r, be2r, W3, dv16)

    v = _sc_agg(y3, idx3, zeros)
    out = _k2(v[0], v[1], y3, dv16, b3r, Wc1, bc1r, Wc2, bc2r)
    return out[:N]

# --- scband reference (transcript-rebuilt; emitter-appended) ---
"""Pipeline reference for scband-fraud-gnn-85968065396899 (READ-ONLY COPY).

The authoritative reference and input builder live on the scoring server;
editing this copy changes nothing except your own understanding.
"""

import jax, jax.numpy as jnp
import numpy as np

N = 10000
E = 320000
D = 128
H = 128
C = 3
EPS = 1e-5


def setup_inputs(seed: int = 0):
    key = jax.random.key(seed)
    ks = jax.random.split(key, 20)
    x = jax.random.normal(ks[0], (N, D), dtype=jnp.float32)
    edge_index = jax.random.randint(ks[1], (2, E), 0, N, dtype=jnp.int32)
    def lin(k, fi, fo):
        return jax.random.normal(k, (fi, fo), dtype=jnp.float32) * (1.0 / np.sqrt(fi))
    inp = {
        'x': x,
        'edge_index': edge_index,
        'W1': lin(ks[2], D, H), 'b1': jnp.zeros((H,), jnp.float32),
        'W2': lin(ks[3], H, H), 'b2': jnp.zeros((H,), jnp.float32),
        'W3': lin(ks[4], H, H), 'b3': jnp.zeros((H,), jnp.float32),
        'g1': jnp.ones((H,), jnp.float32), 'be1': jnp.zeros((H,), jnp.float32),
        'g2': jnp.ones((H,), jnp.float32), 'be2': jnp.zeros((H,), jnp.float32),
        'Wc1': lin(ks[5], H, H // 2), 'bc1': jnp.zeros((H // 2,), jnp.float32),
        'Wc2': lin(ks[6], H // 2, C), 'bc2': jnp.zeros((C,), jnp.float32),
    }
    return inp


def _gcn_conv(x, src, dst, W, b):
    # GCNConv with added self-loops and symmetric normalization:
    # out = D^{-1/2} (A + I) D^{-1/2} X W + b
    n = x.shape[0]
    xw = x @ W
    deg = jnp.zeros((n,), jnp.float32).at[dst].add(1.0)
    dinv = jnp.where(deg > 0, 1.0 / jnp.sqrt(deg), 0.0)
    norm = dinv[src] * dinv[dst]
    msg = xw[src] * norm[:, None]
    out = jnp.zeros_like(xw).at[dst].add(msg)
    return out + b


def _batchnorm(x, gamma, beta):
    mu = jnp.mean(x, axis=0)
    var = jnp.var(x, axis=0)
    return gamma * (x - mu) / jnp.sqrt(var + EPS) + beta


def reference(x, edge_index, W1, b1, W2, b2, W3, b3, g1, be1, g2, be2, Wc1, bc1, Wc2, bc2):
    n = x.shape[0]
    loop = jnp.arange(n, dtype=edge_index.dtype)
    src = jnp.concatenate([edge_index[0], loop])
    dst = jnp.concatenate([edge_index[1], loop])
    # layer 1
    h = _gcn_conv(x, src, dst, W1, b1)
    h = _batchnorm(h, g1, be1)
    h = jax.nn.relu(h)
    # dropout is identity in eval / deterministic mode
    # layer 2
    h = _gcn_conv(h, src, dst, W2, b2)
    h = _batchnorm(h, g2, be2)
    h = jax.nn.relu(h)
    # layer 3 (no BN/relu)
    h = _gcn_conv(h, src, dst, W3, b3)
    # classifier MLP
    h = jax.nn.relu(h @ Wc1 + bc1)
    h = h @ Wc2 + bc2
    return jax.nn.log_softmax(h, axis=1)

if __name__ == "__main__":
    import jax
    _d = setup_inputs()
    print(jax.jit(kernel)(*tuple(_d.values())))

</pallas_src>

<mosaic_0001>
#map = affine_map<(d0, d1) -> (0, 0)>
#map1 = affine_map<(d0, d1) -> (0, 0, 0)>
module attributes {stable_mosaic.version = 14 : i64} {
  func.func @_sc_agg_body(%arg0: i32, %arg1: i32, %arg2: memref<10240x128xf32, #tpu.memory_space<hbm>>, %arg3: memref<32x160x128xi32, #tpu.memory_space<hbm>>, %arg4: memref<10240x128xf32, #tpu.memory_space<hbm>>, %arg5: memref<2x10240x128xf32, #tpu.memory_space<hbm>>, %arg6: memref<10240x128xf32, #tpu.memory_space<vmem_shared>>, %arg7: memref<80x128xi32, #tpu.memory_space<vmem>>, %arg8: memref<128x128xf32, #tpu.memory_space<vmem>>, %arg9: memref<128x128xf32, #tpu.memory_space<vmem>>, %arg10: memref<!tpu.dma_semaphore, #tpu.memory_space<semaphore_mem>>, %arg11: memref<!tpu.dma_semaphore, #tpu.memory_space<semaphore_mem>>, %arg12: memref<!tpu.dma_semaphore, #tpu.memory_space<semaphore_mem>>, %arg13: memref<!tpu.dma_semaphore, #tpu.memory_space<semaphore_mem>>) attributes {dimension_semantics = [#tpu.dimension_semantics<core_parallel>, #tpu.dimension_semantics<subcore_parallel>], iteration_bounds = array<i64: 2, 16>, scalar_prefetch = 0 : i64, scratch_operands = 8 : i64, tpu.core_type = #tpu.core_type<sc_vector_subcore>, window_params = [{transform_indices = #map}, {transform_indices = #map1}, {transform_indices = #map}, {transform_indices = #map1}]} {
    %mul3A = arith.constant 2 : i32
    %mul3A_0 = arith.muli %arg1, %mul3A : i32
    %add3A = arith.addi %mul3A_0, %arg0 : i32
    %mul3A_1 = arith.constant 640 : i32
    %mul3A_2 = arith.muli %arg1, %mul3A_1 : i32
    %mul3A_3 = arith.constant 640 : i32
    %mul3A_4 = arith.muli %arg1, %mul3A_3 : i32
    "tpu.region"() ({
      %run_scoped3A = tpu.sem_alloc : memref<!tpu.dma_semaphore, #tpu.memory_space<semaphore_mem>>
      %dma_start3A_61 = arith.constant 0 : i32
      %dma_start3A_62 = tpu.memref_slice %arg6[%mul3A_4, %dma_start3A_61] : memref<10240x128xf32, #tpu.memory_space<vmem_shared>> -> memref<640x128xf32, #tpu.memory_space<vmem_shared>>
      %dma_start3A_63 = arith.constant 0 : i32
      %dma_start3A_64 = tpu.memref_slice %arg4[%mul3A_2, %dma_start3A_63] : memref<10240x128xf32, #tpu.memory_space<hbm>> -> memref<640x128xf32, #tpu.memory_space<hbm>>
      tpu.enqueue_dma source(%dma_start3A_64 : memref<640x128xf32, #tpu.memory_space<hbm>>) target(%dma_start3A_62 : memref<640x128xf32, #tpu.memory_space<vmem_shared>>) target_semaphore(%run_scoped3A : memref<!tpu.dma_semaphore, #tpu.memory_space<semaphore_mem>>)
      %dma_wait3A_65 = arith.constant 0 : i32
      %dma_wait3A_66 = tpu.memref_slice %arg6[%mul3A_4, %dma_wait3A_65] : memref<10240x128xf32, #tpu.memory_space<vmem_shared>> -> memref<640x128xf32, #tpu.memory_space<vmem_shared>>
      %dma_wait3A_67 = arith.constant 0 : i32
      %dma_wait3A_68 = tpu.memref_slice %arg4[%mul3A_2, %dma_wait3A_67] : memref<10240x128xf32, #tpu.memory_space<hbm>> -> memref<640x128xf32, #tpu.memory_space<hbm>>
      tpu.wait_dma2 semaphore(%run_scoped3A : memref<!tpu.dma_semaphore, #tpu.memory_space<semaphore_mem>>) src(%dma_wait3A_68 : memref<640x128xf32, #tpu.memory_space<hbm>>) dst(%dma_wait3A_66 : memref<640x128xf32, #tpu.memory_space<vmem_shared>>)
      tpu.yield
    }) : () -> ()
    %barrier3A = arith.constant 0 : index
    tpu.barrier barrier_id(%barrier3A)
    "tpu.region"() ({
      %run_scoped3A = tpu.sem_alloc : memref<!tpu.dma_semaphore, #tpu.memory_space<semaphore_mem>>
      %dma_start3A_61 = arith.constant 0 : i32
      %dma_start3A_62 = arith.constant 0 : i32
      %dma_start3A_63 = tpu.memref_slice %arg3[%add3A, %dma_start3A_61, %dma_start3A_62] : memref<32x160x128xi32, #tpu.memory_space<hbm>> -> memref<1x80x128xi32, #tpu.memory_space<hbm>>
      %dma_start3A_64 = tpu.memref_squeeze %dma_start3A_63 : memref<1x80x128xi32, #tpu.memory_space<hbm>> -> memref<80x128xi32, #tpu.memory_space<hbm>>
      %dma_start3A_65 = arith.constant 0 : i32
      %dma_start3A_66 = arith.constant 0 : i32
      %dma_start3A_67 = tpu.memref_slice %arg3[%add3A, %dma_start3A_65, %dma_start3A_66] : memref<32x160x128xi32, #tpu.memory_space<hbm>> -> memref<1x80x128xi32, #tpu.memory_space<hbm>>
      %dma_start3A_68 = tpu.memref_squeeze %dma_start3A_67 : memref<1x80x128xi32, #tpu.memory_space<hbm>> -> memref<80x128xi32, #tpu.memory_space<hbm>>
      tpu.enqueue_dma source(%dma_start3A_68 : memref<80x128xi32, #tpu.memory_space<hbm>>) target(%arg7 : memref<80x128xi32, #tpu.memory_space<vmem>>) target_semaphore(%run_scoped3A : memref<!tpu.dma_semaphore, #tpu.memory_space<semaphore_mem>>)
      %dma_wait3A_69 = arith.constant 0 : i32
      %dma_wait3A_70 = arith.constant 0 : i32
      %dma_wait3A_71 = tpu.memref_slice %arg3[%add3A, %dma_wait3A_69, %dma_wait3A_70] : memref<32x160x128xi32, #tpu.memory_space<hbm>> -> memref<1x80x128xi32, #tpu.memory_space<hbm>>
      %dma_wait3A_72 = tpu.memref_squeeze %dma_wait3A_71 : memref<1x80x128xi32, #tpu.memory_space<hbm>> -> memref<80x128xi32, #tpu.memory_space<hbm>>
      %dma_wait3A_73 = arith.constant 0 : i32
      %dma_wait3A_74 = arith.constant 0 : i32
      %dma_wait3A_75 = tpu.memref_slice %arg3[%add3A, %dma_wait3A_73, %dma_wait3A_74] : memref<32x160x128xi32, #tpu.memory_space<hbm>> -> memref<1x80x128xi32, #tpu.memory_space<hbm>>
      %dma_wait3A_76 = tpu.memref_squeeze %dma_wait3A_75 : memref<1x80x128xi32, #tpu.memory_space<hbm>> -> memref<80x128xi32, #tpu.memory_space<hbm>>
      tpu.wait_dma2 semaphore(%run_scoped3A : memref<!tpu.dma_semaphore, #tpu.memory_space<semaphore_mem>>) src(%dma_wait3A_76 : memref<80x128xi32, #tpu.memory_space<hbm>>) dst(%arg7 : memref<80x128xi32, #tpu.memory_space<vmem>>)
      tpu.yield
    }) : () -> ()
    %dma_start3A = arith.constant 0 : i32
    %dma_start3A_5 = arith.constant 0 : i32
    %dma_start3A_6 = tpu.memref_slice %arg7[%dma_start3A, %dma_start3A_5] : memref<80x128xi32, #tpu.memory_space<vmem>> -> memref<1x128xi32, #tpu.memory_space<vmem>>
    %dma_start3A_7 = tpu.memref_squeeze %dma_start3A_6 : memref<1x128xi32, #tpu.memory_space<vmem>> -> memref<128xi32, #tpu.memory_space<vmem>>
    %dma_start3A_8 = arith.constant 0 : i32
    %dma_start3A_9 = arith.constant 0 : i32
    %dma_start3A_10 = tpu.memref_slice %arg2[%dma_start3A_8, %dma_start3A_9] : memref<10240x128xf32, #tpu.memory_space<hbm>> -> memref<10240x128xf32, #tpu.memory_space<hbm>>
    tpu.enqueue_indirect_dma source(%dma_start3A_10 : memref<10240x128xf32, #tpu.memory_space<hbm>>) target(%arg8 : memref<128x128xf32, #tpu.memory_space<vmem>>) offsets(%dma_start3A_7 : memref<128xi32, #tpu.memory_space<vmem>>) semaphore(%arg10 : memref<!tpu.dma_semaphore, #tpu.memory_space<semaphore_mem>>)
    %scan3A = arith.constant 0 : i32
    %scan3A_11 = arith.constant 0 : i32
    %scan3A_12 = arith.constant 20 : i32
    %scan3A_13 = arith.addi %scan3A_11, %scan3A_12 : i32
    %scan3A_14 = arith.constant 1 : i32
    scf.for %scan3A_61 = %scan3A_11 to %scan3A_13 step %scan3A_14  : i32 {
      %mul3A_62 = arith.constant 2 : i32
      %mul3A_63 = arith.muli %scan3A_61, %mul3A_62 : i32
      %add3A_64 = arith.constant 0 : i32
      %add3A_65 = arith.addi %mul3A_63, %add3A_64 : i32
      %add3A_66 = arith.constant 1 : i32
      %add3A_67 = arith.addi %add3A_65, %add3A_66 : i32
      %lt3A = arith.constant 40 : i32
      %lt3A_68 = arith.cmpi slt, %add3A_67, %lt3A : i32
      %convert_element_type3A = arith.extui %lt3A_68 : i1 to i32
      %cond3A = arith.constant 0 : i32
      %cond3A_69 = arith.cmpi ne, %convert_element_type3A, %cond3A : i32
      scf.if %cond3A_69 {
        %ge3A = arith.constant 1 : i32
        %ge3A_117 = arith.cmpi sge, %add3A_65, %ge3A : i32
        %convert_element_type3A_118 = arith.extui %ge3A_117 : i1 to i32
        %cond3A_119 = arith.constant 0 : i32
        %cond3A_120 = arith.cmpi ne, %convert_element_type3A_118, %cond3A_119 : i32
        scf.if %cond3A_120 {
          %sub3A = arith.constant 1 : i32
          %sub3A_131 = arith.subi %add3A_65, %sub3A : i32
          %mul3A_132 = arith.constant 2 : i32
          %mul3A_133 = arith.muli %mul3A_132, %sub3A_131 : i32
          %add3A_134 = arith.constant 1 : i32
          %add3A_135 = arith.addi %mul3A_133, %add3A_134 : i32
          %dma_wait3A_136 = arith.constant 0 : i32
          %dma_wait3A_137 = tpu.memref_slice %arg7[%add3A_135, %dma_wait3A_136] : memref<80x128xi32, #tpu.memory_space<vmem>> -> memref<1x128xi32, #tpu.memory_space<vmem>>
          %dma_wait3A_138 = tpu.memref_squeeze %dma_wait3A_137 : memref<1x128xi32, #tpu.memory_space<vmem>> -> memref<128xi32, #tpu.memory_space<vmem>>
          %dma_wait3A_139 = arith.constant 0 : i32
          %dma_wait3A_140 = arith.constant 0 : i32
          %dma_wait3A_141 = tpu.memref_slice %arg6[%dma_wait3A_139, %dma_wait3A_140] : memref<10240x128xf32, #tpu.memory_space<vmem_shared>> -> memref<10240x128xf32, #tpu.memory_space<vmem_shared>>
          tpu.wait_indirect_dma semaphore(%arg13 : memref<!tpu.dma_semaphore, #tpu.memory_space<semaphore_mem>>) src(%arg9 : memref<128x128xf32, #tpu.memory_space<vmem>>) dst(%dma_wait3A_141 : memref<10240x128xf32, #tpu.memory_space<vmem_shared>>)
        } else {
        }
        %add3A_121 = arith.constant 1 : i32
        %add3A_122 = arith.addi %add3A_65, %add3A_121 : i32
        %mul3A_123 = arith.constant 2 : i32
        %mul3A_124 = arith.muli %mul3A_123, %add3A_122 : i32
        %dma_start3A_125 = arith.constant 0 : i32
        %dma_start3A_126 = tpu.memref_slice %arg7[%mul3A_124, %dma_start3A_125] : memref<80x128xi32, #tpu.memory_space<vmem>> -> memref<1x128xi32, #tpu.memory_space<vmem>>
        %dma_start3A_127 = tpu.memref_squeeze %dma_start3A_126 : memref<1x128xi32, #tpu.memory_space<vmem>> -> memref<128xi32, #tpu.memory_space<vmem>>
        %dma_start3A_128 = arith.constant 0 : i32
        %dma_start3A_129 = arith.constant 0 : i32
        %dma_start3A_130 = tpu.memref_slice %arg2[%dma_start3A_128, %dma_start3A_129] : memref<10240x128xf32, #tpu.memory_space<hbm>> -> memref<10240x128xf32, #tpu.memory_space<hbm>>
        tpu.enqueue_indirect_dma source(%dma_start3A_130 : memref<10240x128xf32, #tpu.memory_space<hbm>>) target(%arg9 : memref<128x128xf32, #tpu.memory_space<vmem>>) offsets(%dma_start3A_127 : memref<128xi32, #tpu.memory_space<vmem>>) semaphore(%arg11 : memref<!tpu.dma_semaphore, #tpu.memory_space<semaphore_mem>>)
      } else {
      }
      %mul3A_70 = arith.constant 2 : i32
      %mul3A_71 = arith.muli %mul3A_70, %add3A_65 : i32
      %dma_wait3A_72 = arith.constant 0 : i32
      %dma_wait3A_73 = tpu.memref_slice %arg7[%mul3A_71, %dma_wait3A_72] : memref<80x128xi32, #tpu.memory_space<vmem>> -> memref<1x128xi32, #tpu.memory_space<vmem>>
      %dma_wait3A_74 = tpu.memref_squeeze %dma_wait3A_73 : memref<1x128xi32, #tpu.memory_space<vmem>> -> memref<128xi32, #tpu.memory_space<vmem>>
      %dma_wait3A_75 = arith.constant 0 : i32
      %dma_wait3A_76 = arith.constant 0 : i32
      %dma_wait3A_77 = tpu.memref_slice %arg2[%dma_wait3A_75, %dma_wait3A_76] : memref<10240x128xf32, #tpu.memory_space<hbm>> -> memref<10240x128xf32, #tpu.memory_space<hbm>>
      tpu.wait_indirect_dma semaphore(%arg10 : memref<!tpu.dma_semaphore, #tpu.memory_space<semaphore_mem>>) src(%dma_wait3A_77 : memref<10240x128xf32, #tpu.memory_space<hbm>>) dst(%arg8 : memref<128x128xf32, #tpu.memory_space<vmem>>)
      %mul3A_78 = arith.constant 2 : i32
      %mul3A_79 = arith.muli %mul3A_78, %add3A_65 : i32
      %add3A_80 = arith.constant 1 : i32
      %add3A_81 = arith.addi %mul3A_79, %add3A_80 : i32
      %dma_start3A_82 = arith.constant 0 : i32
      %dma_start3A_83 = tpu.memref_slice %arg7[%add3A_81, %dma_start3A_82] : memref<80x128xi32, #tpu.memory_space<vmem>> -> memref<1x128xi32, #tpu.memory_space<vmem>>
      %dma_start3A_84 = tpu.memref_squeeze %dma_start3A_83 : memref<1x128xi32, #tpu.memory_space<vmem>> -> memref<128xi32, #tpu.memory_space<vmem>>
      %dma_start3A_85 = arith.constant 0 : i32
      %dma_start3A_86 = arith.constant 0 : i32
      %dma_start3A_87 = tpu.memref_slice %arg6[%dma_start3A_85, %dma_start3A_86] : memref<10240x128xf32, #tpu.memory_space<vmem_shared>> -> memref<10240x128xf32, #tpu.memory_space<vmem_shared>>
      tpu.enqueue_indirect_dma source(%arg8 : memref<128x128xf32, #tpu.memory_space<vmem>>) target(%dma_start3A_87 : memref<10240x128xf32, #tpu.memory_space<vmem_shared>>) offsets(%dma_start3A_84 : memref<128xi32, #tpu.memory_space<vmem>>) semaphore(%arg12 : memref<!tpu.dma_semaphore, #tpu.memory_space<semaphore_mem>>) {add = true}
      %mul3A_88 = arith.constant 2 : i32
      %mul3A_89 = arith.muli %scan3A_61, %mul3A_88 : i32
      %add3A_90 = arith.constant 1 : i32
      %add3A_91 = arith.addi %mul3A_89, %add3A_90 : i32
      %add3A_92 = arith.constant 1 : i32
      %add3A_93 = arith.addi %add3A_91, %add3A_92 : i32
      %lt3A_94 = arith.constant 40 : i32
      %lt3A_95 = arith.cmpi slt, %add3A_93, %lt3A_94 : i32
      %convert_element_type3A_96 = arith.extui %lt3A_95 : i1 to i32
      %cond3A_97 = arith.constant 0 : i32
      %cond3A_98 = arith.cmpi ne, %convert_element_type3A_96, %cond3A_97 : i32
      scf.if %cond3A_98 {
        %ge3A = arith.constant 1 : i32
        %ge3A_117 = arith.cmpi sge, %add3A_91, %ge3A : i32
        %convert_element_type3A_118 = arith.extui %ge3A_117 : i1 to i32
        %cond3A_119 = arith.constant 0 : i32
        %cond3A_120 = arith.cmpi ne, %convert_element_type3A_118, %cond3A_119 : i32
        scf.if %cond3A_120 {
          %sub3A = arith.constant 1 : i32
          %sub3A_131 = arith.subi %add3A_91, %sub3A : i32
          %mul3A_132 = arith.constant 2 : i32
          %mul3A_133 = arith.muli %mul3A_132, %sub3A_131 : i32
          %add3A_134 = arith.constant 1 : i32
          %add3A_135 = arith.addi %mul3A_133, %add3A_134 : i32
          %dma_wait3A_136 = arith.constant 0 : i32
          %dma_wait3A_137 = tpu.memref_slice %arg7[%add3A_135, %dma_wait3A_136] : memref<80x128xi32, #tpu.memory_space<vmem>> -> memref<1x128xi32, #tpu.memory_space<vmem>>
          %dma_wait3A_138 = tpu.memref_squeeze %dma_wait3A_137 : memref<1x128xi32, #tpu.memory_space<vmem>> -> memref<128xi32, #tpu.memory_space<vmem>>
          %dma_wait3A_139 = arith.constant 0 : i32
          %dma_wait3A_140 = arith.constant 0 : i32
          %dma_wait3A_141 = tpu.memref_slice %arg6[%dma_wait3A_139, %dma_wait3A_140] : memref<10240x128xf32, #tpu.memory_space<vmem_shared>> -> memref<10240x128xf32, #tpu.memory_space<vmem_shared>>
          tpu.wait_indirect_dma semaphore(%arg12 : memref<!tpu.dma_semaphore, #tpu.memory_space<semaphore_mem>>) src(%arg8 : memref<128x128xf32, #tpu.memory_space<vmem>>) dst(%dma_wait3A_141 : memref<10240x128xf32, #tpu.memory_space<vmem_shared>>)
        } else {
        }
        %add3A_121 = arith.constant 1 : i32
        %add3A_122 = arith.addi %add3A_91, %add3A_121 : i32
        %mul3A_123 = arith.constant 2 : i32
        %mul3A_124 = arith.muli %mul3A_123, %add3A_122 : i32
        %dma_start3A_125 = arith.constant 0 : i32
        %dma_start3A_126 = tpu.memref_slice %arg7[%mul3A_124, %dma_start3A_125] : memref<80x128xi32, #tpu.memory_space<vmem>> -> memref<1x128xi32, #tpu.memory_space<vmem>>
        %dma_start3A_127 = tpu.memref_squeeze %dma_start3A_126 : memref<1x128xi32, #tpu.memory_space<vmem>> -> memref<128xi32, #tpu.memory_space<vmem>>
        %dma_start3A_128 = arith.constant 0 : i32
        %dma_start3A_129 = arith.constant 0 : i32
        %dma_start3A_130 = tpu.memref_slice %arg2[%dma_start3A_128, %dma_start3A_129] : memref<10240x128xf32, #tpu.memory_space<hbm>> -> memref<10240x128xf32, #tpu.memory_space<hbm>>
        tpu.enqueue_indirect_dma source(%dma_start3A_130 : memref<10240x128xf32, #tpu.memory_space<hbm>>) target(%arg8 : memref<128x128xf32, #tpu.memory_space<vmem>>) offsets(%dma_start3A_127 : memref<128xi32, #tpu.memory_space<vmem>>) semaphore(%arg10 : memref<!tpu.dma_semaphore, #tpu.memory_space<semaphore_mem>>)
      } else {
      }
      %mul3A_99 = arith.constant 2 : i32
      %mul3A_100 = arith.muli %mul3A_99, %add3A_91 : i32
      %dma_wait3A_101 = arith.constant 0 : i32
      %dma_wait3A_102 = tpu.memref_slice %arg7[%mul3A_100, %dma_wait3A_101] : memref<80x128xi32, #tpu.memory_space<vmem>> -> memref<1x128xi32, #tpu.memory_space<vmem>>
      %dma_wait3A_103 = tpu.memref_squeeze %dma_wait3A_102 : memref<1x128xi32, #tpu.memory_space<vmem>> -> memref<128xi32, #tpu.memory_space<vmem>>
      %dma_wait3A_104 = arith.constant 0 : i32
      %dma_wait3A_105 = arith.constant 0 : i32
      %dma_wait3A_106 = tpu.memref_slice %arg2[%dma_wait3A_104, %dma_wait3A_105] : memref<10240x128xf32, #tpu.memory_space<hbm>> -> memref<10240x128xf32, #tpu.memory_space<hbm>>
      tpu.wait_indirect_dma semaphore(%arg11 : memref<!tpu.dma_semaphore, #tpu.memory_space<semaphore_mem>>) src(%dma_wait3A_106 : memref<10240x128xf32, #tpu.memory_space<hbm>>) dst(%arg9 : memref<128x128xf32, #tpu.memory_space<vmem>>)
      %mul3A_107 = arith.constant 2 : i32
      %mul3A_108 = arith.muli %mul3A_107, %add3A_91 : i32
      %add3A_109 = arith.constant 1 : i32
      %add3A_110 = arith.addi %mul3A_108, %add3A_109 : i32
      %dma_start3A_111 = arith.constant 0 : i32
      %dma_start3A_112 = tpu.memref_slice %arg7[%add3A_110, %dma_start3A_111] : memref<80x128xi32, #tpu.memory_space<vmem>> -> memref<1x128xi32, #tpu.memory_space<vmem>>
      %dma_start3A_113 = tpu.memref_squeeze %dma_start3A_112 : memref<1x128xi32, #tpu.memory_space<vmem>> -> memref<128xi32, #tpu.memory_space<vmem>>
      %dma_start3A_114 = arith.constant 0 : i32
      %dma_start3A_115 = arith.constant 0 : i32
      %dma_start3A_116 = tpu.memref_slice %arg6[%dma_start3A_114, %dma_start3A_115] : memref<10240x128xf32, #tpu.memory_space<vmem_shared>> -> memref<10240x128xf32, #tpu.memory_space<vmem_shared>>
      tpu.enqueue_indirect_dma source(%arg9 : memref<128x128xf32, #tpu.memory_space<vmem>>) target(%dma_start3A_116 : memref<10240x128xf32, #tpu.memory_space<vmem_shared>>) offsets(%dma_start3A_113 : memref<128xi32, #tpu.memory_space<vmem>>) semaphore(%arg13 : memref<!tpu.dma_semaphore, #tpu.memory_space<semaphore_mem>>) {add = true}
    }
    %scan3A_15 = arith.constant 20 : i32
    %dma_wait3A = arith.constant 77 : i32
    %dma_wait3A_16 = arith.constant 0 : i32
    %dma_wait3A_17 = tpu.memref_slice %arg7[%dma_wait3A, %dma_wait3A_16] : memref<80x128xi32, #tpu.memory_space<vmem>> -> memref<1x128xi32, #tpu.memory_space<vmem>>
    %dma_wait3A_18 = tpu.memref_squeeze %dma_wait3A_17 : memref<1x128xi32, #tpu.memory_space<vmem>> -> memref<128xi32, #tpu.memory_space<vmem>>
    %dma_wait3A_19 = arith.constant 0 : i32
    %dma_wait3A_20 = arith.constant 0 : i32
    %dma_wait3A_21 = tpu.memref_slice %arg6[%dma_wait3A_19, %dma_wait3A_20] : memref<10240x128xf32, #tpu.memory_space<vmem_shared>> -> memref<10240x128xf32, #tpu.memory_space<vmem_shared>>
    tpu.wait_indirect_dma semaphore(%arg12 : memref<!tpu.dma_semaphore, #tpu.memory_space<semaphore_mem>>) src(%arg8 : memref<128x128xf32, #tpu.memory_space<vmem>>) dst(%dma_wait3A_21 : memref<10240x128xf32, #tpu.memory_space<vmem_shared>>)
    %dma_wait3A_22 = arith.constant 79 : i32
    %dma_wait3A_23 = arith.constant 0 : i32
    %dma_wait3A_24 = tpu.memref_slice %arg7[%dma_wait3A_22, %dma_wait3A_23] : memref<80x128xi32, #tpu.memory_space<vmem>> -> memref<1x128xi32, #tpu.memory_space<vmem>>
    %dma_wait3A_25 = tpu.memref_squeeze %dma_wait3A_24 : memref<1x128xi32, #tpu.memory_space<vmem>> -> memref<128xi32, #tpu.memory_space<vmem>>
    %dma_wait3A_26 = arith.constant 0 : i32
    %dma_wait3A_27 = arith.constant 0 : i32
    %dma_wait3A_28 = tpu.memref_slice %arg6[%dma_wait3A_26, %dma_wait3A_27] : memref<10240x128xf32, #tpu.memory_space<vmem_shared>> -> memref<10240x128xf32, #tpu.memory_space<vmem_shared>>
    tpu.wait_indirect_dma semaphore(%arg13 : memref<!tpu.dma_semaphore, #tpu.memory_space<semaphore_mem>>) src(%arg9 : memref<128x128xf32, #tpu.memory_space<vmem>>) dst(%dma_wait3A_28 : memref<10240x128xf32, #tpu.memory_space<vmem_shared>>)
    "tpu.region"() ({
      %run_scoped3A = tpu.sem_alloc : memref<!tpu.dma_semaphore, #tpu.memory_space<semaphore_mem>>
      %dma_start3A_61 = arith.constant 80 : i32
      %dma_start3A_62 = arith.constant 0 : i32
      %dma_start3A_63 = tpu.memref_slice %arg3[%add3A, %dma_start3A_61, %dma_start3A_62] : memref<32x160x128xi32, #tpu.memory_space<hbm>> -> memref<1x80x128xi32, #tpu.memory_space<hbm>>
      %dma_start3A_64 = tpu.memref_squeeze %dma_start3A_63 : memref<1x80x128xi32, #tpu.memory_space<hbm>> -> memref<80x128xi32, #tpu.memory_space<hbm>>
      %dma_start3A_65 = arith.constant 80 : i32
      %dma_start3A_66 = arith.constant 0 : i32
      %dma_start3A_67 = tpu.memref_slice %arg3[%add3A, %dma_start3A_65, %dma_start3A_66] : memref<32x160x128xi32, #tpu.memory_space<hbm>> -> memref<1x80x128xi32, #tpu.memory_space<hbm>>
      %dma_start3A_68 = tpu.memref_squeeze %dma_start3A_67 : memref<1x80x128xi32, #tpu.memory_space<hbm>> -> memref<80x128xi32, #tpu.memory_space<hbm>>
      tpu.enqueue_dma source(%dma_start3A_68 : memref<80x128xi32, #tpu.memory_space<hbm>>) target(%arg7 : memref<80x128xi32, #tpu.memory_space<vmem>>) target_semaphore(%run_scoped3A : memref<!tpu.dma_semaphore, #tpu.memory_space<semaphore_mem>>)
      %dma_wait3A_69 = arith.constant 80 : i32
      %dma_wait3A_70 = arith.constant 0 : i32
      %dma_wait3A_71 = tpu.memref_slice %arg3[%add3A, %dma_wait3A_69, %dma_wait3A_70] : memref<32x160x128xi32, #tpu.memory_space<hbm>> -> memref<1x80x128xi32, #tpu.memory_space<hbm>>
      %dma_wait3A_72 = tpu.memref_squeeze %dma_wait3A_71 : memref<1x80x128xi32, #tpu.memory_space<hbm>> -> memref<80x128xi32, #tpu.memory_space<hbm>>
      %dma_wait3A_73 = arith.constant 80 : i32
      %dma_wait3A_74 = arith.constant 0 : i32
      %dma_wait3A_75 = tpu.memref_slice %arg3[%add3A, %dma_wait3A_73, %dma_wait3A_74] : memref<32x160x128xi32, #tpu.memory_space<hbm>> -> memref<1x80x128xi32, #tpu.memory_space<hbm>>
      %dma_wait3A_76 = tpu.memref_squeeze %dma_wait3A_75 : memref<1x80x128xi32, #tpu.memory_space<hbm>> -> memref<80x128xi32, #tpu.memory_space<hbm>>
      tpu.wait_dma2 semaphore(%run_scoped3A : memref<!tpu.dma_semaphore, #tpu.memory_space<semaphore_mem>>) src(%dma_wait3A_76 : memref<80x128xi32, #tpu.memory_space<hbm>>) dst(%arg7 : memref<80x128xi32, #tpu.memory_space<vmem>>)
      tpu.yield
    }) : () -> ()
    %dma_start3A_29 = arith.constant 0 : i32
    %dma_start3A_30 = arith.constant 0 : i32
    %dma_start3A_31 = tpu.memref_slice %arg7[%dma_start3A_29, %dma_start3A_30] : memref<80x128xi32, #tpu.memory_space<vmem>> -> memref<1x128xi32, #tpu.memory_space<vmem>>
    %dma_start3A_32 = tpu.memref_squeeze %dma_start3A_31 : memref<1x128xi32, #tpu.memory_space<vmem>> -> memref<128xi32, #tpu.memory_space<vmem>>
    %dma_start3A_33 = arith.constant 0 : i32
    %dma_start3A_34 = arith.constant 0 : i32
    %dma_start3A_35 = tpu.memref_slice %arg2[%dma_start3A_33, %dma_start3A_34] : memref<10240x128xf32, #tpu.memory_space<hbm>> -> memref<10240x128xf32, #tpu.memory_space<hbm>>
    tpu.enqueue_indirect_dma source(%dma_start3A_35 : memref<10240x128xf32, #tpu.memory_space<hbm>>) target(%arg8 : memref<128x128xf32, #tpu.memory_space<vmem>>) offsets(%dma_start3A_32 : memref<128xi32, #tpu.memory_space<vmem>>) semaphore(%arg10 : memref<!tpu.dma_semaphore, #tpu.memory_space<semaphore_mem>>)
    %scan3A_36 = arith.constant 0 : i32
    %scan3A_37 = arith.constant 0 : i32
    %scan3A_38 = arith.constant 20 : i32
    %scan3A_39 = arith.addi %scan3A_37, %scan3A_38 : i32
    %scan3A_40 = arith.constant 1 : i32
    scf.for %scan3A_61 = %scan3A_37 to %scan3A_39 step %scan3A_40  : i32 {
      %mul3A_62 = arith.constant 2 : i32
      %mul3A_63 = arith.muli %scan3A_61, %mul3A_62 : i32
      %add3A_64 = arith.constant 0 : i32
      %add3A_65 = arith.addi %mul3A_63, %add3A_64 : i32
      %add3A_66 = arith.constant 1 : i32
      %add3A_67 = arith.addi %add3A_65, %add3A_66 : i32
      %lt3A = arith.constant 40 : i32
      %lt3A_68 = arith.cmpi slt, %add3A_67, %lt3A : i32
      %convert_element_type3A = arith.extui %lt3A_68 : i1 to i32
      %cond3A = arith.constant 0 : i32
      %cond3A_69 = arith.cmpi ne, %convert_element_type3A, %cond3A : i32
      scf.if %cond3A_69 {
        %ge3A = arith.constant 1 : i32
        %ge3A_117 = arith.cmpi sge, %add3A_65, %ge3A : i32
        %convert_element_type3A_118 = arith.extui %ge3A_117 : i1 to i32
        %cond3A_119 = arith.constant 0 : i32
        %cond3A_120 = arith.cmpi ne, %convert_element_type3A_118, %cond3A_119 : i32
        scf.if %cond3A_120 {
          %sub3A = arith.constant 1 : i32
          %sub3A_131 = arith.subi %add3A_65, %sub3A : i32
          %mul3A_132 = arith.constant 2 : i32
          %mul3A_133 = arith.muli %mul3A_132, %sub3A_131 : i32
          %add3A_134 = arith.constant 1 : i32
          %add3A_135 = arith.addi %mul3A_133, %add3A_134 : i32
          %dma_wait3A_136 = arith.constant 0 : i32
          %dma_wait3A_137 = tpu.memref_slice %arg7[%add3A_135, %dma_wait3A_136] : memref<80x128xi32, #tpu.memory_space<vmem>> -> memref<1x128xi32, #tpu.memory_space<vmem>>
          %dma_wait3A_138 = tpu.memref_squeeze %dma_wait3A_137 : memref<1x128xi32, #tpu.memory_space<vmem>> -> memref<128xi32, #tpu.memory_space<vmem>>
          %dma_wait3A_139 = arith.constant 0 : i32
          %dma_wait3A_140 = arith.constant 0 : i32
          %dma_wait3A_141 = tpu.memref_slice %arg6[%dma_wait3A_139, %dma_wait3A_140] : memref<10240x128xf32, #tpu.memory_space<vmem_shared>> -> memref<10240x128xf32, #tpu.memory_space<vmem_shared>>
          tpu.wait_indirect_dma semaphore(%arg13 : memref<!tpu.dma_semaphore, #tpu.memory_space<semaphore_mem>>) src(%arg9 : memref<128x128xf32, #tpu.memory_space<vmem>>) dst(%dma_wait3A_141 : memref<10240x128xf32, #tpu.memory_space<vmem_shared>>)
        } else {
        }
        %add3A_121 = arith.constant 1 : i32
        %add3A_122 = arith.addi %add3A_65, %add3A_121 : i32
        %mul3A_123 = arith.constant 2 : i32
        %mul3A_124 = arith.muli %mul3A_123, %add3A_122 : i32
        %dma_start3A_125 = arith.constant 0 : i32
        %dma_start3A_126 = tpu.memref_slice %arg7[%mul3A_124, %dma_start3A_125] : memref<80x128xi32, #tpu.memory_space<vmem>> -> memref<1x128xi32, #tpu.memory_space<vmem>>
        %dma_start3A_127 = tpu.memref_squeeze %dma_start3A_126 : memref<1x128xi32, #tpu.memory_space<vmem>> -> memref<128xi32, #tpu.memory_space<vmem>>
        %dma_start3A_128 = arith.constant 0 : i32
        %dma_start3A_129 = arith.constant 0 : i32
        %dma_start3A_130 = tpu.memref_slice %arg2[%dma_start3A_128, %dma_start3A_129] : memref<10240x128xf32, #tpu.memory_space<hbm>> -> memref<10240x128xf32, #tpu.memory_space<hbm>>
        tpu.enqueue_indirect_dma source(%dma_start3A_130 : memref<10240x128xf32, #tpu.memory_space<hbm>>) target(%arg9 : memref<128x128xf32, #tpu.memory_space<vmem>>) offsets(%dma_start3A_127 : memref<128xi32, #tpu.memory_space<vmem>>) semaphore(%arg11 : memref<!tpu.dma_semaphore, #tpu.memory_space<semaphore_mem>>)
      } else {
      }
      %mul3A_70 = arith.constant 2 : i32
      %mul3A_71 = arith.muli %mul3A_70, %add3A_65 : i32
      %dma_wait3A_72 = arith.constant 0 : i32
      %dma_wait3A_73 = tpu.memref_slice %arg7[%mul3A_71, %dma_wait3A_72] : memref<80x128xi32, #tpu.memory_space<vmem>> -> memref<1x128xi32, #tpu.memory_space<vmem>>
      %dma_wait3A_74 = tpu.memref_squeeze %dma_wait3A_73 : memref<1x128xi32, #tpu.memory_space<vmem>> -> memref<128xi32, #tpu.memory_space<vmem>>
      %dma_wait3A_75 = arith.constant 0 : i32
      %dma_wait3A_76 = arith.constant 0 : i32
      %dma_wait3A_77 = tpu.memref_slice %arg2[%dma_wait3A_75, %dma_wait3A_76] : memref<10240x128xf32, #tpu.memory_space<hbm>> -> memref<10240x128xf32, #tpu.memory_space<hbm>>
      tpu.wait_indirect_dma semaphore(%arg10 : memref<!tpu.dma_semaphore, #tpu.memory_space<semaphore_mem>>) src(%dma_wait3A_77 : memref<10240x128xf32, #tpu.memory_space<hbm>>) dst(%arg8 : memref<128x128xf32, #tpu.memory_space<vmem>>)
      %mul3A_78 = arith.constant 2 : i32
      %mul3A_79 = arith.muli %mul3A_78, %add3A_65 : i32
      %add3A_80 = arith.constant 1 : i32
      %add3A_81 = arith.addi %mul3A_79, %add3A_80 : i32
      %dma_start3A_82 = arith.constant 0 : i32
      %dma_start3A_83 = tpu.memref_slice %arg7[%add3A_81, %dma_start3A_82] : memref<80x128xi32, #tpu.memory_space<vmem>> -> memref<1x128xi32, #tpu.memory_space<vmem>>
      %dma_start3A_84 = tpu.memref_squeeze %dma_start3A_83 : memref<1x128xi32, #tpu.memory_space<vmem>> -> memref<128xi32, #tpu.memory_space<vmem>>
      %dma_start3A_85 = arith.constant 0 : i32
      %dma_start3A_86 = arith.constant 0 : i32
      %dma_start3A_87 = tpu.memref_slice %arg6[%dma_start3A_85, %dma_start3A_86] : memref<10240x128xf32, #tpu.memory_space<vmem_shared>> -> memref<10240x128xf32, #tpu.memory_space<vmem_shared>>
      tpu.enqueue_indirect_dma source(%arg8 : memref<128x128xf32, #tpu.memory_space<vmem>>) target(%dma_start3A_87 : memref<10240x128xf32, #tpu.memory_space<vmem_shared>>) offsets(%dma_start3A_84 : memref<128xi32, #tpu.memory_space<vmem>>) semaphore(%arg12 : memref<!tpu.dma_semaphore, #tpu.memory_space<semaphore_mem>>) {add = true}
      %mul3A_88 = arith.constant 2 : i32
      %mul3A_89 = arith.muli %scan3A_61, %mul3A_88 : i32
      %add3A_90 = arith.constant 1 : i32
      %add3A_91 = arith.addi %mul3A_89, %add3A_90 : i32
      %add3A_92 = arith.constant 1 : i32
      %add3A_93 = arith.addi %add3A_91, %add3A_92 : i32
      %lt3A_94 = arith.constant 40 : i32
      %lt3A_95 = arith.cmpi slt, %add3A_93, %lt3A_94 : i32
      %convert_element_type3A_96 = arith.extui %lt3A_95 : i1 to i32
      %cond3A_97 = arith.constant 0 : i32
      %cond3A_98 = arith.cmpi ne, %convert_element_type3A_96, %cond3A_97 : i32
      scf.if %cond3A_98 {
        %ge3A = arith.constant 1 : i32
        %ge3A_117 = arith.cmpi sge, %add3A_91, %ge3A : i32
        %convert_element_type3A_118 = arith.extui %ge3A_117 : i1 to i32
        %cond3A_119 = arith.constant 0 : i32
        %cond3A_120 = arith.cmpi ne, %convert_element_type3A_118, %cond3A_119 : i32
        scf.if %cond3A_120 {
          %sub3A = arith.constant 1 : i32
          %sub3A_131 = arith.subi %add3A_91, %sub3A : i32
          %mul3A_132 = arith.constant 2 : i32
          %mul3A_133 = arith.muli %mul3A_132, %sub3A_131 : i32
          %add3A_134 = arith.constant 1 : i32
          %add3A_135 = arith.addi %mul3A_133, %add3A_134 : i32
          %dma_wait3A_136 = arith.constant 0 : i32
          %dma_wait3A_137 = tpu.memref_slice %arg7[%add3A_135, %dma_wait3A_136] : memref<80x128xi32, #tpu.memory_space<vmem>> -> memref<1x128xi32, #tpu.memory_space<vmem>>
          %dma_wait3A_138 = tpu.memref_squeeze %dma_wait3A_137 : memref<1x128xi32, #tpu.memory_space<vmem>> -> memref<128xi32, #tpu.memory_space<vmem>>
          %dma_wait3A_139 = arith.constant 0 : i32
          %dma_wait3A_140 = arith.constant 0 : i32
          %dma_wait3A_141 = tpu.memref_slice %arg6[%dma_wait3A_139, %dma_wait3A_140] : memref<10240x128xf32, #tpu.memory_space<vmem_shared>> -> memref<10240x128xf32, #tpu.memory_space<vmem_shared>>
          tpu.wait_indirect_dma semaphore(%arg12 : memref<!tpu.dma_semaphore, #tpu.memory_space<semaphore_mem>>) src(%arg8 : memref<128x128xf32, #tpu.memory_space<vmem>>) dst(%dma_wait3A_141 : memref<10240x128xf32, #tpu.memory_space<vmem_shared>>)
        } else {
        }
        %add3A_121 = arith.constant 1 : i32
        %add3A_122 = arith.addi %add3A_91, %add3A_121 : i32
        %mul3A_123 = arith.constant 2 : i32
        %mul3A_124 = arith.muli %mul3A_123, %add3A_122 : i32
        %dma_start3A_125 = arith.constant 0 : i32
        %dma_start3A_126 = tpu.memref_slice %arg7[%mul3A_124, %dma_start3A_125] : memref<80x128xi32, #tpu.memory_space<vmem>> -> memref<1x128xi32, #tpu.memory_space<vmem>>
        %dma_start3A_127 = tpu.memref_squeeze %dma_start3A_126 : memref<1x128xi32, #tpu.memory_space<vmem>> -> memref<128xi32, #tpu.memory_space<vmem>>
        %dma_start3A_128 = arith.constant 0 : i32
        %dma_start3A_129 = arith.constant 0 : i32
        %dma_start3A_130 = tpu.memref_slice %arg2[%dma_start3A_128, %dma_start3A_129] : memref<10240x128xf32, #tpu.memory_space<hbm>> -> memref<10240x128xf32, #tpu.memory_space<hbm>>
        tpu.enqueue_indirect_dma source(%dma_start3A_130 : memref<10240x128xf32, #tpu.memory_space<hbm>>) target(%arg8 : memref<128x128xf32, #tpu.memory_space<vmem>>) offsets(%dma_start3A_127 : memref<128xi32, #tpu.memory_space<vmem>>) semaphore(%arg10 : memref<!tpu.dma_semaphore, #tpu.memory_space<semaphore_mem>>)
      } else {
      }
      %mul3A_99 = arith.constant 2 : i32
      %mul3A_100 = arith.muli %mul3A_99, %add3A_91 : i32
      %dma_wait3A_101 = arith.constant 0 : i32
      %dma_wait3A_102 = tpu.memref_slice %arg7[%mul3A_100, %dma_wait3A_101] : memref<80x128xi32, #tpu.memory_space<vmem>> -> memref<1x128xi32, #tpu.memory_space<vmem>>
      %dma_wait3A_103 = tpu.memref_squeeze %dma_wait3A_102 : memref<1x128xi32, #tpu.memory_space<vmem>> -> memref<128xi32, #tpu.memory_space<vmem>>
      %dma_wait3A_104 = arith.constant 0 : i32
      %dma_wait3A_105 = arith.constant 0 : i32
      %dma_wait3A_106 = tpu.memref_slice %arg2[%dma_wait3A_104, %dma_wait3A_105] : memref<10240x128xf32, #tpu.memory_space<hbm>> -> memref<10240x128xf32, #tpu.memory_space<hbm>>
      tpu.wait_indirect_dma semaphore(%arg11 : memref<!tpu.dma_semaphore, #tpu.memory_space<semaphore_mem>>) src(%dma_wait3A_106 : memref<10240x128xf32, #tpu.memory_space<hbm>>) dst(%arg9 : memref<128x128xf32, #tpu.memory_space<vmem>>)
      %mul3A_107 = arith.constant 2 : i32
      %mul3A_108 = arith.muli %mul3A_107, %add3A_91 : i32
      %add3A_109 = arith.constant 1 : i32
      %add3A_110 = arith.addi %mul3A_108, %add3A_109 : i32
      %dma_start3A_111 = arith.constant 0 : i32
      %dma_start3A_112 = tpu.memref_slice %arg7[%add3A_110, %dma_start3A_111] : memref<80x128xi32, #tpu.memory_space<vmem>> -> memref<1x128xi32, #tpu.memory_space<vmem>>
      %dma_start3A_113 = tpu.memref_squeeze %dma_start3A_112 : memref<1x128xi32, #tpu.memory_space<vmem>> -> memref<128xi32, #tpu.memory_space<vmem>>
      %dma_start3A_114 = arith.constant 0 : i32
      %dma_start3A_115 = arith.constant 0 : i32
      %dma_start3A_116 = tpu.memref_slice %arg6[%dma_start3A_114, %dma_start3A_115] : memref<10240x128xf32, #tpu.memory_space<vmem_shared>> -> memref<10240x128xf32, #tpu.memory_space<vmem_shared>>
      tpu.enqueue_indirect_dma source(%arg9 : memref<128x128xf32, #tpu.memory_space<vmem>>) target(%dma_start3A_116 : memref<10240x128xf32, #tpu.memory_space<vmem_shared>>) offsets(%dma_start3A_113 : memref<128xi32, #tpu.memory_space<vmem>>) semaphore(%arg13 : memref<!tpu.dma_semaphore, #tpu.memory_space<semaphore_mem>>) {add = true}
    }
    %scan3A_41 = arith.constant 20 : i32
    %dma_wait3A_42 = arith.constant 77 : i32
    %dma_wait3A_43 = arith.constant 0 : i32
    %dma_wait3A_44 = tpu.memref_slice %arg7[%dma_wait3A_42, %dma_wait3A_43] : memref<80x128xi32, #tpu.memory_space<vmem>> -> memref<1x128xi32, #tpu.memory_space<vmem>>
    %dma_wait3A_45 = tpu.memref_squeeze %dma_wait3A_44 : memref<1x128xi32, #tpu.memory_space<vmem>> -> memref<128xi32, #tpu.memory_space<vmem>>
    %dma_wait3A_46 = arith.constant 0 : i32
    %dma_wait3A_47 = arith.constant 0 : i32
    %dma_wait3A_48 = tpu.memref_slice %arg6[%dma_wait3A_46, %dma_wait3A_47] : memref<10240x128xf32, #tpu.memory_space<vmem_shared>> -> memref<10240x128xf32, #tpu.memory_space<vmem_shared>>
    tpu.wait_indirect_dma semaphore(%arg12 : memref<!tpu.dma_semaphore, #tpu.memory_space<semaphore_mem>>) src(%arg8 : memref<128x128xf32, #tpu.memory_space<vmem>>) dst(%dma_wait3A_48 : memref<10240x128xf32, #tpu.memory_space<vmem_shared>>)
    %dma_wait3A_49 = arith.constant 79 : i32
    %dma_wait3A_50 = arith.constant 0 : i32
    %dma_wait3A_51 = tpu.memref_slice %arg7[%dma_wait3A_49, %dma_wait3A_50] : memref<80x128xi32, #tpu.memory_space<vmem>> -> memref<1x128xi32, #tpu.memory_space<vmem>>
    %dma_wait3A_52 = tpu.memref_squeeze %dma_wait3A_51 : memref<1x128xi32, #tpu.memory_space<vmem>> -> memref<128xi32, #tpu.memory_space<vmem>>
    %dma_wait3A_53 = arith.constant 0 : i32
    %dma_wait3A_54 = arith.constant 0 : i32
    %dma_wait3A_55 = tpu.memref_slice %arg6[%dma_wait3A_53, %dma_wait3A_54] : memref<10240x128xf32, #tpu.memory_space<vmem_shared>> -> memref<10240x128xf32, #tpu.memory_space<vmem_shared>>
    tpu.wait_indirect_dma semaphore(%arg13 : memref<!tpu.dma_semaphore, #tpu.memory_space<semaphore_mem>>) src(%arg9 : memref<128x128xf32, #tpu.memory_space<vmem>>) dst(%dma_wait3A_55 : memref<10240x128xf32, #tpu.memory_space<vmem_shared>>)
    %barrier3A_56 = arith.constant 0 : index
    tpu.barrier barrier_id(%barrier3A_56)
    %mul3A_57 = arith.constant 640 : i32
    %mul3A_58 = arith.muli %arg1, %mul3A_57 : i32
    %mul3A_59 = arith.constant 640 : i32
    %mul3A_60 = arith.muli %arg1, %mul3A_59 : i32
    "tpu.region"() ({
      %run_scoped3A = tpu.sem_alloc : memref<!tpu.dma_semaphore, #tpu.memory_space<semaphore_mem>>
      %dma_start3A_61 = arith.constant 0 : i32
      %dma_start3A_62 = tpu.memref_slice %arg5[%arg0, %mul3A_60, %dma_start3A_61] : memref<2x10240x128xf32, #tpu.memory_space<hbm>> -> memref<1x640x128xf32, #tpu.memory_space<hbm>>
      %dma_start3A_63 = tpu.memref_squeeze %dma_start3A_62 : memref<1x640x128xf32, #tpu.memory_space<hbm>> -> memref<640x128xf32, #tpu.memory_space<hbm>>
      %dma_start3A_64 = arith.constant 0 : i32
      %dma_start3A_65 = tpu.memref_slice %arg6[%mul3A_58, %dma_start3A_64] : memref<10240x128xf32, #tpu.memory_space<vmem_shared>> -> memref<640x128xf32, #tpu.memory_space<vmem_shared>>
      tpu.enqueue_dma source(%dma_start3A_65 : memref<640x128xf32, #tpu.memory_space<vmem_shared>>) target(%dma_start3A_63 : memref<640x128xf32, #tpu.memory_space<hbm>>) target_semaphore(%run_scoped3A : memref<!tpu.dma_semaphore, #tpu.memory_space<semaphore_mem>>)
      %dma_wait3A_66 = arith.constant 0 : i32
      %dma_wait3A_67 = tpu.memref_slice %arg5[%arg0, %mul3A_60, %dma_wait3A_66] : memref<2x10240x128xf32, #tpu.memory_space<hbm>> -> memref<1x640x128xf32, #tpu.memory_space<hbm>>
      %dma_wait3A_68 = tpu.memref_squeeze %dma_wait3A_67 : memref<1x640x128xf32, #tpu.memory_space<hbm>> -> memref<640x128xf32, #tpu.memory_space<hbm>>
      %dma_wait3A_69 = arith.constant 0 : i32
      %dma_wait3A_70 = tpu.memref_slice %arg6[%mul3A_58, %dma_wait3A_69] : memref<10240x128xf32, #tpu.memory_space<vmem_shared>> -> memref<640x128xf32, #tpu.memory_space<vmem_shared>>
      tpu.wait_dma2 semaphore(%run_scoped3A : memref<!tpu.dma_semaphore, #tpu.memory_space<semaphore_mem>>) src(%dma_wait3A_70 : memref<640x128xf32, #tpu.memory_space<vmem_shared>>) dst(%dma_wait3A_68 : memref<640x128xf32, #tpu.memory_space<hbm>>)
      tpu.yield
    }) : () -> ()
    return
  }
}

#map = affine_map<(d0, d1) -> (0, 0)>
#map1 = affine_map<(d0, d1) -> (0, 0, 0)>
module attributes {stable_mosaic.version = 14 : i64} {
  func.func @_sc_agg_body(%arg0: i32, %arg1: i32, %arg2: memref<10240x128xf32, #tpu.memory_space<hbm>>, %arg3: memref<32x160x128xi32, #tpu.memory_space<hbm>>, %arg4: memref<10240x128xf32, #tpu.memory_space<hbm>>, %arg5: memref<2x10240x128xf32, #tpu.memory_space<hbm>>, %arg6: memref<10240x128xf32, #tpu.memory_space<vmem_shared>>, %arg7: memref<80x128xi32, #tpu.memory_space<vmem>>, %arg8: memref<128x128xf32, #tpu.memory_space<vmem>>, %arg9: memref<128x128xf32, #tpu.memory_space<vmem>>, %arg10: memref<!tpu.dma_semaphore, #tpu.memory_space<semaphore_mem>>, %arg11: memref<!tpu.dma_semaphore, #tpu.memory_space<semaphore_mem>>, %arg12: memref<!tpu.dma_semaphore, #tpu.memory_space<semaphore_mem>>, %arg13: memref<!tpu.dma_semaphore, #tpu.memory_space<semaphore_mem>>) attributes {dimension_semantics = [#tpu.dimension_semantics<core_parallel>, #tpu.dimension_semantics<subcore_parallel>], iteration_bounds = array<i64: 2, 16>, scalar_prefetch = 0 : i64, scratch_operands = 8 : i64, tpu.core_type = #tpu.core_type<sc_vector_subcore>, window_params = [{transform_indices = #map}, {transform_indices = #map1}, {transform_indices = #map}, {transform_indices = #map1}]} {
    %mul3A = arith.constant 2 : i32
    %mul3A_0 = arith.muli %arg1, %mul3A : i32
    %add3A = arith.addi %mul3A_0, %arg0 : i32
    %mul3A_1 = arith.constant 640 : i32
    %mul3A_2 = arith.muli %arg1, %mul3A_1 : i32
    %mul3A_3 = arith.constant 640 : i32
    %mul3A_4 = arith.muli %arg1, %mul3A_3 : i32
    "tpu.region"() ({
      %run_scoped3A = tpu.sem_alloc : memref<!tpu.dma_semaphore, #tpu.memory_space<semaphore_mem>>
      %dma_start3A_61 = arith.constant 0 : i32
      %dma_start3A_62 = tpu.memref_slice %arg6[%mul3A_4, %dma_start3A_61] : memref<10240x128xf32, #tpu.memory_space<vmem_shared>> -> memref<640x128xf32, #tpu.memory_space<vmem_shared>>
      %dma_start3A_63 = arith.constant 0 : i32
      %dma_start3A_64 = tpu.memref_slice %arg4[%mul3A_2, %dma_start3A_63] : memref<10240x128xf32, #tpu.memory_space<hbm>> -> memref<640x128xf32, #tpu.memory_space<hbm>>
      tpu.enqueue_dma source(%dma_start3A_64 : memref<640x128xf32, #tpu.memory_space<hbm>>) target(%dma_start3A_62 : memref<640x128xf32, #tpu.memory_space<vmem_shared>>) target_semaphore(%run_scoped3A : memref<!tpu.dma_semaphore, #tpu.memory_space<semaphore_mem>>)
      %dma_wait3A_65 = arith.constant 0 : i32
      %dma_wait3A_66 = tpu.memref_slice %arg6[%mul3A_4, %dma_wait3A_65] : memref<10240x128xf32, #tpu.memory_space<vmem_shared>> -> memref<640x128xf32, #tpu.memory_space<vmem_shared>>
      %dma_wait3A_67 = arith.constant 0 : i32
      %dma_wait3A_68 = tpu.memref_slice %arg4[%mul3A_2, %dma_wait3A_67] : memref<10240x128xf32, #tpu.memory_space<hbm>> -> memref<640x128xf32, #tpu.memory_space<hbm>>
      tpu.wait_dma2 semaphore(%run_scoped3A : memref<!tpu.dma_semaphore, #tpu.memory_space<semaphore_mem>>) src(%dma_wait3A_68 : memref<640x128xf32, #tpu.memory_space<hbm>>) dst(%dma_wait3A_66 : memref<640x128xf32, #tpu.memory_space<vmem_shared>>)
      tpu.yield
    }) : () -> ()
    %barrier3A = arith.constant 0 : index
    tpu.barrier barrier_id(%barrier3A)
    "tpu.region"() ({
      %run_scoped3A = tpu.sem_alloc : memref<!tpu.dma_semaphore, #tpu.memory_space<semaphore_mem>>
      %dma_start3A_61 = arith.constant 0 : i32
      %dma_start3A_62 = arith.constant 0 : i32
      %dma_start3A_63 = tpu.memref_slice %arg3[%add3A, %dma_start3A_61, %dma_start3A_62] : memref<32x160x128xi32, #tpu.memory_space<hbm>> -> memref<1x80x128xi32, #tpu.memory_space<hbm>>
      %dma_start3A_64 = tpu.memref_squeeze %dma_start3A_63 : memref<1x80x128xi32, #tpu.memory_space<hbm>> -> memref<80x128xi32, #tpu.memory_space<hbm>>
      %dma_start3A_65 = arith.constant 0 : i32
      %dma_start3A_66 = arith.constant 0 : i32
      %dma_start3A_67 = tpu.memref_slice %arg3[%add3A, %dma_start3A_65, %dma_start3A_66] : memref<32x160x128xi32, #tpu.memory_space<hbm>> -> memref<1x80x128xi32, #tpu.memory_space<hbm>>
      %dma_start3A_68 = tpu.memref_squeeze %dma_start3A_67 : memref<1x80x128xi32, #tpu.memory_space<hbm>> -> memref<80x128xi32, #tpu.memory_space<hbm>>
      tpu.enqueue_dma source(%dma_start3A_68 : memref<80x128xi32, #tpu.memory_space<hbm>>) target(%arg7 : memref<80x128xi32, #tpu.memory_space<vmem>>) target_semaphore(%run_scoped3A : memref<!tpu.dma_semaphore, #tpu.memory_space<semaphore_mem>>)
      %dma_wait3A_69 = arith.constant 0 : i32
      %dma_wait3A_70 = arith.constant 0 : i32
      %dma_wait3A_71 = tpu.memref_slice %arg3[%add3A, %dma_wait3A_69, %dma_wait3A_70] : memref<32x160x128xi32, #tpu.memory_space<hbm>> -> memref<1x80x128xi32, #tpu.memory_space<hbm>>
      %dma_wait3A_72 = tpu.memref_squeeze %dma_wait3A_71 : memref<1x80x128xi32, #tpu.memory_space<hbm>> -> memref<80x128xi32, #tpu.memory_space<hbm>>
      %dma_wait3A_73 = arith.constant 0 : i32
      %dma_wait3A_74 = arith.constant 0 : i32
      %dma_wait3A_75 = tpu.memref_slice %arg3[%add3A, %dma_wait3A_73, %dma_wait3A_74] : memref<32x160x128xi32, #tpu.memory_space<hbm>> -> memref<1x80x128xi32, #tpu.memory_space<hbm>>
      %dma_wait3A_76 = tpu.memref_squeeze %dma_wait3A_75 : memref<1x80x128xi32, #tpu.memory_space<hbm>> -> memref<80x128xi32, #tpu.memory_space<hbm>>
      tpu.wait_dma2 semaphore(%run_scoped3A : memref<!tpu.dma_semaphore, #tpu.memory_space<semaphore_mem>>) src(%dma_wait3A_76 : memref<80x128xi32, #tpu.memory_space<hbm>>) dst(%arg7 : memref<80x128xi32, #tpu.memory_space<vmem>>)
      tpu.yield
    }) : () -> ()
    %dma_start3A = arith.constant 0 : i32
    %dma_start3A_5 = arith.constant 0 : i32
    %dma_start3A_6 = tpu.memref_slice %arg7[%dma_start3A, %dma_start3A_5] : memref<80x128xi32, #tpu.memory_space<vmem>> -> memref<1x128xi32, #tpu.memory_space<vmem>>
    %dma_start3A_7 = tpu.memref_squeeze %dma_start3A_6 : memref<1x128xi32, #tpu.memory_space<vmem>> -> memref<128xi32, #tpu.memory_space<vmem>>
    %dma_start3A_8 = arith.constant 0 : i32
    %dma_start3A_9 = arith.constant 0 : i32
    %dma_start3A_10 = tpu.memref_slice %arg2[%dma_start3A_8, %dma_start3A_9] : memref<10240x128xf32, #tpu.memory_space<hbm>> -> memref<10240x128xf32, #tpu.memory_space<hbm>>
    tpu.enqueue_indirect_dma source(%dma_start3A_10 : memref<10240x128xf32, #tpu.memory_space<hbm>>) target(%arg8 : memref<128x128xf32, #tpu.memory_space<vmem>>) offsets(%dma_start3A_7 : memref<128xi32, #tpu.memory_space<vmem>>) semaphore(%arg10 : memref<!tpu.dma_semaphore, #tpu.memory_space<semaphore_mem>>)
    %scan3A = arith.constant 0 : i32
    %scan3A_11 = arith.constant 0 : i32
    %scan3A_12 = arith.constant 20 : i32
    %scan3A_13 = arith.addi %scan3A_11, %scan3A_12 : i32
    %scan3A_14 = arith.constant 1 : i32
    scf.for %scan3A_61 = %scan3A_11 to %scan3A_13 step %scan3A_14  : i32 {
      %mul3A_62 = arith.constant 2 : i32
      %mul3A_63 = arith.muli %scan3A_61, %mul3A_62 : i32
      %add3A_64 = arith.constant 0 : i32
      %add3A_65 = arith.addi %mul3A_63, %add3A_64 : i32
      %add3A_66 = arith.constant 1 : i32
      %add3A_67 = arith.addi %add3A_65, %add3A_66 : i32
      %lt3A = arith.constant 40 : i32
      %lt3A_68 = arith.cmpi slt, %add3A_67, %lt3A : i32
      %convert_element_type3A = arith.extui %lt3A_68 : i1 to i32
      %cond3A = arith.constant 0 : i32
      %cond3A_69 = arith.cmpi ne, %convert_element_type3A, %cond3A : i32
      scf.if %cond3A_69 {
        %ge3A = arith.constant 1 : i32
        %ge3A_117 = arith.cmpi sge, %add3A_65, %ge3A : i32
        %convert_element_type3A_118 = arith.extui %ge3A_117 : i1 to i32
        %cond3A_119 = arith.constant 0 : i32
        %cond3A_120 = arith.cmpi ne, %convert_element_type3A_118, %cond3A_119 : i32
        scf.if %cond3A_120 {
          %sub3A = arith.constant 1 : i32
          %sub3A_131 = arith.subi %add3A_65, %sub3A : i32
          %mul3A_132 = arith.constant 2 : i32
          %mul3A_133 = arith.muli %mul3A_132, %sub3A_131 : i32
          %add3A_134 = arith.constant 1 : i32
          %add3A_135 = arith.addi %mul3A_133, %add3A_134 : i32
          %dma_wait3A_136 = arith.constant 0 : i32
          %dma_wait3A_137 = tpu.memref_slice %arg7[%add3A_135, %dma_wait3A_136] : memref<80x128xi32, #tpu.memory_space<vmem>> -> memref<1x128xi32, #tpu.memory_space<vmem>>
          %dma_wait3A_138 = tpu.memref_squeeze %dma_wait3A_137 : memref<1x128xi32, #tpu.memory_space<vmem>> -> memref<128xi32, #tpu.memory_space<vmem>>
          %dma_wait3A_139 = arith.constant 0 : i32
          %dma_wait3A_140 = arith.constant 0 : i32
          %dma_wait3A_141 = tpu.memref_slice %arg6[%dma_wait3A_139, %dma_wait3A_140] : memref<10240x128xf32, #tpu.memory_space<vmem_shared>> -> memref<10240x128xf32, #tpu.memory_space<vmem_shared>>
          tpu.wait_indirect_dma semaphore(%arg13 : memref<!tpu.dma_semaphore, #tpu.memory_space<semaphore_mem>>) src(%arg9 : memref<128x128xf32, #tpu.memory_space<vmem>>) dst(%dma_wait3A_141 : memref<10240x128xf32, #tpu.memory_space<vmem_shared>>)
        } else {
        }
        %add3A_121 = arith.constant 1 : i32
        %add3A_122 = arith.addi %add3A_65, %add3A_121 : i32
        %mul3A_123 = arith.constant 2 : i32
        %mul3A_124 = arith.muli %mul3A_123, %add3A_122 : i32
        %dma_start3A_125 = arith.constant 0 : i32
        %dma_start3A_126 = tpu.memref_slice %arg7[%mul3A_124, %dma_start3A_125] : memref<80x128xi32, #tpu.memory_space<vmem>> -> memref<1x128xi32, #tpu.memory_space<vmem>>
        %dma_start3A_127 = tpu.memref_squeeze %dma_start3A_126 : memref<1x128xi32, #tpu.memory_space<vmem>> -> memref<128xi32, #tpu.memory_space<vmem>>
        %dma_start3A_128 = arith.constant 0 : i32
        %dma_start3A_129 = arith.constant 0 : i32
        %dma_start3A_130 = tpu.memref_slice %arg2[%dma_start3A_128, %dma_start3A_129] : memref<10240x128xf32, #tpu.memory_space<hbm>> -> memref<10240x128xf32, #tpu.memory_space<hbm>>
        tpu.enqueue_indirect_dma source(%dma_start3A_130 : memref<10240x128xf32, #tpu.memory_space<hbm>>) target(%arg9 : memref<128x128xf32, #tpu.memory_space<vmem>>) offsets(%dma_start3A_127 : memref<128xi32, #tpu.memory_space<vmem>>) semaphore(%arg11 : memref<!tpu.dma_semaphore, #tpu.memory_space<semaphore_mem>>)
      } else {
      }
      %mul3A_70 = arith.constant 2 : i32
      %mul3A_71 = arith.muli %mul3A_70, %add3A_65 : i32
      %dma_wait3A_72 = arith.constant 0 : i32
      %dma_wait3A_73 = tpu.memref_slice %arg7[%mul3A_71, %dma_wait3A_72] : memref<80x128xi32, #tpu.memory_space<vmem>> -> memref<1x128xi32, #tpu.memory_space<vmem>>
      %dma_wait3A_74 = tpu.memref_squeeze %dma_wait3A_73 : memref<1x128xi32, #tpu.memory_space<vmem>> -> memref<128xi32, #tpu.memory_space<vmem>>
      %dma_wait3A_75 = arith.constant 0 : i32
      %dma_wait3A_76 = arith.constant 0 : i32
      %dma_wait3A_77 = tpu.memref_slice %arg2[%dma_wait3A_75, %dma_wait3A_76] : memref<10240x128xf32, #tpu.memory_space<hbm>> -> memref<10240x128xf32, #tpu.memory_space<hbm>>
      tpu.wait_indirect_dma semaphore(%arg10 : memref<!tpu.dma_semaphore, #tpu.memory_space<semaphore_mem>>) src(%dma_wait3A_77 : memref<10240x128xf32, #tpu.memory_space<hbm>>) dst(%arg8 : memref<128x128xf32, #tpu.memory_space<vmem>>)
      %mul3A_78 = arith.constant 2 : i32
      %mul3A_79 = arith.muli %mul3A_78, %add3A_65 : i32
      %add3A_80 = arith.constant 1 : i32
      %add3A_81 = arith.addi %mul3A_79, %add3A_80 : i32
      %dma_start3A_82 = arith.constant 0 : i32
      %dma_start3A_83 = tpu.memref_slice %arg7[%add3A_81, %dma_start3A_82] : memref<80x128xi32, #tpu.memory_space<vmem>> -> memref<1x128xi32, #tpu.memory_space<vmem>>
      %dma_start3A_84 = tpu.memref_squeeze %dma_start3A_83 : memref<1x128xi32, #tpu.memory_space<vmem>> -> memref<128xi32, #tpu.memory_space<vmem>>
      %dma_start3A_85 = arith.constant 0 : i32
      %dma_start3A_86 = arith.constant 0 : i32
      %dma_start3A_87 = tpu.memref_slice %arg6[%dma_start3A_85, %dma_start3A_86] : memref<10240x128xf32, #tpu.memory_space<vmem_shared>> -> memref<10240x128xf32, #tpu.memory_space<vmem_shared>>
      tpu.enqueue_indirect_dma source(%arg8 : memref<128x128xf32, #tpu.memory_space<vmem>>) target(%dma_start3A_87 : memref<10240x128xf32, #tpu.memory_space<vmem_shared>>) offsets(%dma_start3A_84 : memref<128xi32, #tpu.memory_space<vmem>>) semaphore(%arg12 : memref<!tpu.dma_semaphore, #tpu.memory_space<semaphore_mem>>) {add = true}
      %mul3A_88 = arith.constant 2 : i32
      %mul3A_89 = arith.muli %scan3A_61, %mul3A_88 : i32
      %add3A_90 = arith.constant 1 : i32
      %add3A_91 = arith.addi %mul3A_89, %add3A_90 : i32
      %add3A_92 = arith.constant 1 : i32
      %add3A_93 = arith.addi %add3A_91, %add3A_92 : i32
      %lt3A_94 = arith.constant 40 : i32
      %lt3A_95 = arith.cmpi slt, %add3A_93, %lt3A_94 : i32
      %convert_element_type3A_96 = arith.extui %lt3A_95 : i1 to i32
      %cond3A_97 = arith.constant 0 : i32
      %cond3A_98 = arith.cmpi ne, %convert_element_type3A_96, %cond3A_97 : i32
      scf.if %cond3A_98 {
        %ge3A = arith.constant 1 : i32
        %ge3A_117 = arith.cmpi sge, %add3A_91, %ge3A : i32
        %convert_element_type3A_118 = arith.extui %ge3A_117 : i1 to i32
        %cond3A_119 = arith.constant 0 : i32
        %cond3A_120 = arith.cmpi ne, %convert_element_type3A_118, %cond3A_119 : i32
        scf.if %cond3A_120 {
          %sub3A = arith.constant 1 : i32
          %sub3A_131 = arith.subi %add3A_91, %sub3A : i32
          %mul3A_132 = arith.constant 2 : i32
          %mul3A_133 = arith.muli %mul3A_132, %sub3A_131 : i32
          %add3A_134 = arith.constant 1 : i32
          %add3A_135 = arith.addi %mul3A_133, %add3A_134 : i32
          %dma_wait3A_136 = arith.constant 0 : i32
          %dma_wait3A_137 = tpu.memref_slice %arg7[%add3A_135, %dma_wait3A_136] : memref<80x128xi32, #tpu.memory_space<vmem>> -> memref<1x128xi32, #tpu.memory_space<vmem>>
          %dma_wait3A_138 = tpu.memref_squeeze %dma_wait3A_137 : memref<1x128xi32, #tpu.memory_space<vmem>> -> memref<128xi32, #tpu.memory_space<vmem>>
          %dma_wait3A_139 = arith.constant 0 : i32
          %dma_wait3A_140 = arith.constant 0 : i32
          %dma_wait3A_141 = tpu.memref_slice %arg6[%dma_wait3A_139, %dma_wait3A_140] : memref<10240x128xf32, #tpu.memory_space<vmem_shared>> -> memref<10240x128xf32, #tpu.memory_space<vmem_shared>>
          tpu.wait_indirect_dma semaphore(%arg12 : memref<!tpu.dma_semaphore, #tpu.memory_space<semaphore_mem>>) src(%arg8 : memref<128x128xf32, #tpu.memory_space<vmem>>) dst(%dma_wait3A_141 : memref<10240x128xf32, #tpu.memory_space<vmem_shared>>)
        } else {
        }
        %add3A_121 = arith.constant 1 : i32
        %add3A_122 = arith.addi %add3A_91, %add3A_121 : i32
        %mul3A_123 = arith.constant 2 : i32
        %mul3A_124 = arith.muli %mul3A_123, %add3A_122 : i32
        %dma_start3A_125 = arith.constant 0 : i32
        %dma_start3A_126 = tpu.memref_slice %arg7[%mul3A_124, %dma_start3A_125] : memref<80x128xi32, #tpu.memory_space<vmem>> -> memref<1x128xi32, #tpu.memory_space<vmem>>
        %dma_start3A_127 = tpu.memref_squeeze %dma_start3A_126 : memref<1x128xi32, #tpu.memory_space<vmem>> -> memref<128xi32, #tpu.memory_space<vmem>>
        %dma_start3A_128 = arith.constant 0 : i32
        %dma_start3A_129 = arith.constant 0 : i32
        %dma_start3A_130 = tpu.memref_slice %arg2[%dma_start3A_128, %dma_start3A_129] : memref<10240x128xf32, #tpu.memory_space<hbm>> -> memref<10240x128xf32, #tpu.memory_space<hbm>>
        tpu.enqueue_indirect_dma source(%dma_start3A_130 : memref<10240x128xf32, #tpu.memory_space<hbm>>) target(%arg8 : memref<128x128xf32, #tpu.memory_space<vmem>>) offsets(%dma_start3A_127 : memref<128xi32, #tpu.memory_space<vmem>>) semaphore(%arg10 : memref<!tpu.dma_semaphore, #tpu.memory_space<semaphore_mem>>)
      } else {
      }
      %mul3A_99 = arith.constant 2 : i32
      %mul3A_100 = arith.muli %mul3A_99, %add3A_91 : i32
      %dma_wait3A_101 = arith.constant 0 : i32
      %dma_wait3A_102 = tpu.memref_slice %arg7[%mul3A_100, %dma_wait3A_101] : memref<80x128xi32, #tpu.memory_space<vmem>> -> memref<1x128xi32, #tpu.memory_space<vmem>>
      %dma_wait3A_103 = tpu.memref_squeeze %dma_wait3A_102 : memref<1x128xi32, #tpu.memory_space<vmem>> -> memref<128xi32, #tpu.memory_space<vmem>>
      %dma_wait3A_104 = arith.constant 0 : i32
      %dma_wait3A_105 = arith.constant 0 : i32
      %dma_wait3A_106 = tpu.memref_slice %arg2[%dma_wait3A_104, %dma_wait3A_105] : memref<10240x128xf32, #tpu.memory_space<hbm>> -> memref<10240x128xf32, #tpu.memory_space<hbm>>
      tpu.wait_indirect_dma semaphore(%arg11 : memref<!tpu.dma_semaphore, #tpu.memory_space<semaphore_mem>>) src(%dma_wait3A_106 : memref<10240x128xf32, #tpu.memory_space<hbm>>) dst(%arg9 : memref<128x128xf32, #tpu.memory_space<vmem>>)
      %mul3A_107 = arith.constant 2 : i32
      %mul3A_108 = arith.muli %mul3A_107, %add3A_91 : i32
      %add3A_109 = arith.constant 1 : i32
      %add3A_110 = arith.addi %mul3A_108, %add3A_109 : i32
      %dma_start3A_111 = arith.constant 0 : i32
      %dma_start3A_112 = tpu.memref_slice %arg7[%add3A_110, %dma_start3A_111] : memref<80x128xi32, #tpu.memory_space<vmem>> -> memref<1x128xi32, #tpu.memory_space<vmem>>
      %dma_start3A_113 = tpu.memref_squeeze %dma_start3A_112 : memref<1x128xi32, #tpu.memory_space<vmem>> -> memref<128xi32, #tpu.memory_space<vmem>>
      %dma_start3A_114 = arith.constant 0 : i32
      %dma_start3A_115 = arith.constant 0 : i32
      %dma_start3A_116 = tpu.memref_slice %arg6[%dma_start3A_114, %dma_start3A_115] : memref<10240x128xf32, #tpu.memory_space<vmem_shared>> -> memref<10240x128xf32, #tpu.memory_space<vmem_shared>>
      tpu.enqueue_indirect_dma source(%arg9 : memref<128x128xf32, #tpu.memory_space<vmem>>) target(%dma_start3A_116 : memref<10240x128xf32, #tpu.memory_space<vmem_shared>>) offsets(%dma_start3A_113 : memref<128xi32, #tpu.memory_space<vmem>>) semaphore(%arg13 : memref<!tpu.dma_semaphore, #tpu.memory_space<semaphore_mem>>) {add = true}
    }
    %scan3A_15 = arith.constant 20 : i32
    %dma_wait3A = arith.constant 77 : i32
    %dma_wait3A_16 = arith.constant 0 : i32
    %dma_wait3A_17 = tpu.memref_slice %arg7[%dma_wait3A, %dma_wait3A_16] : memref<80x128xi32, #tpu.memory_space<vmem>> -> memref<1x128xi32, #tpu.memory_space<vmem>>
    %dma_wait3A_18 = tpu.memref_squeeze %dma_wait3A_17 : memref<1x128xi32, #tpu.memory_space<vmem>> -> memref<128xi32, #tpu.memory_space<vmem>>
    %dma_wait3A_19 = arith.constant 0 : i32
    %dma_wait3A_20 = arith.constant 0 : i32
    %dma_wait3A_21 = tpu.memref_slice %arg6[%dma_wait3A_19, %dma_wait3A_20] : memref<10240x128xf32, #tpu.memory_space<vmem_shared>> -> memref<10240x128xf32, #tpu.memory_space<vmem_shared>>
    tpu.wait_indirect_dma semaphore(%arg12 : memref<!tpu.dma_semaphore, #tpu.memory_space<semaphore_mem>>) src(%arg8 : memref<128x128xf32, #tpu.memory_space<vmem>>) dst(%dma_wait3A_21 : memref<10240x128xf32, #tpu.memory_space<vmem_shared>>)
    %dma_wait3A_22 = arith.constant 79 : i32
    %dma_wait3A_23 = arith.constant 0 : i32
    %dma_wait3A_24 = tpu.memref_slice %arg7[%dma_wait3A_22, %dma_wait3A_23] : memref<80x128xi32, #tpu.memory_space<vmem>> -> memref<1x128xi32, #tpu.memory_space<vmem>>
    %dma_wait3A_25 = tpu.memref_squeeze %dma_wait3A_24 : memref<1x128xi32, #tpu.memory_space<vmem>> -> memref<128xi32, #tpu.memory_space<vmem>>
    %dma_wait3A_26 = arith.constant 0 : i32
    %dma_wait3A_27 = arith.constant 0 : i32
    %dma_wait3A_28 = tpu.memref_slice %arg6[%dma_wait3A_26, %dma_wait3A_27] : memref<10240x128xf32, #tpu.memory_space<vmem_shared>> -> memref<10240x128xf32, #tpu.memory_space<vmem_shared>>
    tpu.wait_indirect_dma semaphore(%arg13 : memref<!tpu.dma_semaphore, #tpu.memory_space<semaphore_mem>>) src(%arg9 : memref<128x128xf32, #tpu.memory_space<vmem>>) dst(%dma_wait3A_28 : memref<10240x128xf32, #tpu.memory_space<vmem_shared>>)
    "tpu.region"() ({
      %run_scoped3A = tpu.sem_alloc : memref<!tpu.dma_semaphore, #tpu.memory_space<semaphore_mem>>
      %dma_start3A_61 = arith.constant 80 : i32
      %dma_start3A_62 = arith.constant 0 : i32
      %dma_start3A_63 = tpu.memref_slice %arg3[%add3A, %dma_start3A_61, %dma_start3A_62] : memref<32x160x128xi32, #tpu.memory_space<hbm>> -> memref<1x80x128xi32, #tpu.memory_space<hbm>>
      %dma_start3A_64 = tpu.memref_squeeze %dma_start3A_63 : memref<1x80x128xi32, #tpu.memory_space<hbm>> -> memref<80x128xi32, #tpu.memory_space<hbm>>
      %dma_start3A_65 = arith.constant 80 : i32
      %dma_start3A_66 = arith.constant 0 : i32
      %dma_start3A_67 = tpu.memref_slice %arg3[%add3A, %dma_start3A_65, %dma_start3A_66] : memref<32x160x128xi32, #tpu.memory_space<hbm>> -> memref<1x80x128xi32, #tpu.memory_space<hbm>>
      %dma_start3A_68 = tpu.memref_squeeze %dma_start3A_67 : memref<1x80x128xi32, #tpu.memory_space<hbm>> -> memref<80x128xi32, #tpu.memory_space<hbm>>
      tpu.enqueue_dma source(%dma_start3A_68 : memref<80x128xi32, #tpu.memory_space<hbm>>) target(%arg7 : memref<80x128xi32, #tpu.memory_space<vmem>>) target_semaphore(%run_scoped3A : memref<!tpu.dma_semaphore, #tpu.memory_space<semaphore_mem>>)
      %dma_wait3A_69 = arith.constant 80 : i32
      %dma_wait3A_70 = arith.constant 0 : i32
      %dma_wait3A_71 = tpu.memref_slice %arg3[%add3A, %dma_wait3A_69, %dma_wait3A_70] : memref<32x160x128xi32, #tpu.memory_space<hbm>> -> memref<1x80x128xi32, #tpu.memory_space<hbm>>
      %dma_wait3A_72 = tpu.memref_squeeze %dma_wait3A_71 : memref<1x80x128xi32, #tpu.memory_space<hbm>> -> memref<80x128xi32, #tpu.memory_space<hbm>>
      %dma_wait3A_73 = arith.constant 80 : i32
      %dma_wait3A_74 = arith.constant 0 : i32
      %dma_wait3A_75 = tpu.memref_slice %arg3[%add3A, %dma_wait3A_73, %dma_wait3A_74] : memref<32x160x128xi32, #tpu.memory_space<hbm>> -> memref<1x80x128xi32, #tpu.memory_space<hbm>>
      %dma_wait3A_76 = tpu.memref_squeeze %dma_wait3A_75 : memref<1x80x128xi32, #tpu.memory_space<hbm>> -> memref<80x128xi32, #tpu.memory_space<hbm>>
      tpu.wait_dma2 semaphore(%run_scoped3A : memref<!tpu.dma_semaphore, #tpu.memory_space<semaphore_mem>>) src(%dma_wait3A_76 : memref<80x128xi32, #tpu.memory_space<hbm>>) dst(%arg7 : memref<80x128xi32, #tpu.memory_space<vmem>>)
      tpu.yield
    }) : () -> ()
    %dma_start3A_29 = arith.constant 0 : i32
    %dma_start3A_30 = arith.constant 0 : i32
    %dma_start3A_31 = tpu.memref_slice %arg7[%dma_start3A_29, %dma_start3A_30] : memref<80x128xi32, #tpu.memory_space<vmem>> -> memref<1x128xi32, #tpu.memory_space<vmem>>
    %dma_start3A_32 = tpu.memref_squeeze %dma_start3A_31 : memref<1x128xi32, #tpu.memory_space<vmem>> -> memref<128xi32, #tpu.memory_space<vmem>>
    %dma_start3A_33 = arith.constant 0 : i32
    %dma_start3A_34 = arith.constant 0 : i32
    %dma_start3A_35 = tpu.memref_slice %arg2[%dma_start3A_33, %dma_start3A_34] : memref<10240x128xf32, #tpu.memory_space<hbm>> -> memref<10240x128xf32, #tpu.memory_space<hbm>>
    tpu.enqueue_indirect_dma source(%dma_start3A_35 : memref<10240x128xf32, #tpu.memory_space<hbm>>) target(%arg8 : memref<128x128xf32, #tpu.memory_space<vmem>>) offsets(%dma_start3A_32 : memref<128xi32, #tpu.memory_space<vmem>>) semaphore(%arg10 : memref<!tpu.dma_semaphore, #tpu.memory_space<semaphore_mem>>)
    %scan3A_36 = arith.constant 0 : i32
    %scan3A_37 = arith.constant 0 : i32
    %scan3A_38 = arith.constant 20 : i32
    %scan3A_39 = arith.addi %scan3A_37, %scan3A_38 : i32
    %scan3A_40 = arith.constant 1 : i32
    scf.for %scan3A_61 = %scan3A_37 to %scan3A_39 step %scan3A_40  : i32 {
      %mul3A_62 = arith.constant 2 : i32
      %mul3A_63 = arith.muli %scan3A_61, %mul3A_62 : i32
      %add3A_64 = arith.constant 0 : i32
      %add3A_65 = arith.addi %mul3A_63, %add3A_64 : i32
      %add3A_66 = arith.constant 1 : i32
      %add3A_67 = arith.addi %add3A_65, %add3A_66 : i32
      %lt3A = arith.constant 40 : i32
      %lt3A_68 = arith.cmpi slt, %add3A_67, %lt3A : i32
      %convert_element_type3A = arith.extui %lt3A_68 : i1 to i32
      %cond3A = arith.constant 0 : i32
      %cond3A_69 = arith.cmpi ne, %convert_element_type3A, %cond3A : i32
      scf.if %cond3A_69 {
        %ge3A = arith.constant 1 : i32
        %ge3A_117 = arith.cmpi sge, %add3A_65, %ge3A : i32
        %convert_element_type3A_118 = arith.extui %ge3A_117 : i1 to i32
        %cond3A_119 = arith.constant 0 : i32
        %cond3A_120 = arith.cmpi ne, %convert_element_type3A_118, %cond3A_119 : i32
        scf.if %cond3A_120 {
          %sub3A = arith.constant 1 : i32
          %sub3A_131 = arith.subi %add3A_65, %sub3A : i32
          %mul3A_132 = arith.constant 2 : i32
          %mul3A_133 = arith.muli %mul3A_132, %sub3A_131 : i32
          %add3A_134 = arith.constant 1 : i32
          %add3A_135 = arith.addi %mul3A_133, %add3A_134 : i32
          %dma_wait3A_136 = arith.constant 0 : i32
          %dma_wait3A_137 = tpu.memref_slice %arg7[%add3A_135, %dma_wait3A_136] : memref<80x128xi32, #tpu.memory_space<vmem>> -> memref<1x128xi32, #tpu.memory_space<vmem>>
          %dma_wait3A_138 = tpu.memref_squeeze %dma_wait3A_137 : memref<1x128xi32, #tpu.memory_space<vmem>> -> memref<128xi32, #tpu.memory_space<vmem>>
          %dma_wait3A_139 = arith.constant 0 : i32
          %dma_wait3A_140 = arith.constant 0 : i32
          %dma_wait3A_141 = tpu.memref_slice %arg6[%dma_wait3A_139, %dma_wait3A_140] : memref<10240x128xf32, #tpu.memory_space<vmem_shared>> -> memref<10240x128xf32, #tpu.memory_space<vmem_shared>>
          tpu.wait_indirect_dma semaphore(%arg13 : memref<!tpu.dma_semaphore, #tpu.memory_space<semaphore_mem>>) src(%arg9 : memref<128x128xf32, #tpu.memory_space<vmem>>) dst(%dma_wait3A_141 : memref<10240x128xf32, #tpu.memory_space<vmem_shared>>)
        } else {
        }
        %add3A_121 = arith.constant 1 : i32
        %add3A_122 = arith.addi %add3A_65, %add3A_121 : i32
        %mul3A_123 = arith.constant 2 : i32
        %mul3A_124 = arith.muli %mul3A_123, %add3A_122 : i32
        %dma_start3A_125 = arith.constant 0 : i32
        %dma_start3A_126 = tpu.memref_slice %arg7[%mul3A_124, %dma_start3A_125] : memref<80x128xi32, #tpu.memory_space<vmem>> -> memref<1x128xi32, #tpu.memory_space<vmem>>
        %dma_start3A_127 = tpu.memref_squeeze %dma_start3A_126 : memref<1x128xi32, #tpu.memory_space<vmem>> -> memref<128xi32, #tpu.memory_space<vmem>>
        %dma_start3A_128 = arith.constant 0 : i32
        %dma_start3A_129 = arith.constant 0 : i32
        %dma_start3A_130 = tpu.memref_slice %arg2[%dma_start3A_128, %dma_start3A_129] : memref<10240x128xf32, #tpu.memory_space<hbm>> -> memref<10240x128xf32, #tpu.memory_space<hbm>>
        tpu.enqueue_indirect_dma source(%dma_start3A_130 : memref<10240x128xf32, #tpu.memory_space<hbm>>) target(%arg9 : memref<128x128xf32, #tpu.memory_space<vmem>>) offsets(%dma_start3A_127 : memref<128xi32, #tpu.memory_space<vmem>>) semaphore(%arg11 : memref<!tpu.dma_semaphore, #tpu.memory_space<semaphore_mem>>)
      } else {
      }
      %mul3A_70 = arith.constant 2 : i32
      %mul3A_71 = arith.muli %mul3A_70, %add3A_65 : i32
      %dma_wait3A_72 = arith.constant 0 : i32
      %dma_wait3A_73 = tpu.memref_slice %arg7[%mul3A_71, %dma_wait3A_72] : memref<80x128xi32, #tpu.memory_space<vmem>> -> memref<1x128xi32, #tpu.memory_space<vmem>>
      %dma_wait3A_74 = tpu.memref_squeeze %dma_wait3A_73 : memref<1x128xi32, #tpu.memory_space<vmem>> -> memref<128xi32, #tpu.memory_space<vmem>>
      %dma_wait3A_75 = arith.constant 0 : i32
      %dma_wait3A_76 = arith.constant 0 : i32
      %dma_wait3A_77 = tpu.memref_slice %arg2[%dma_wait3A_75, %dma_wait3A_76] : memref<10240x128xf32, #tpu.memory_space<hbm>> -> memref<10240x128xf32, #tpu.memory_space<hbm>>
      tpu.wait_indirect_dma semaphore(%arg10 : memref<!tpu.dma_semaphore, #tpu.memory_space<semaphore_mem>>) src(%dma_wait3A_77 : memref<10240x128xf32, #tpu.memory_space<hbm>>) dst(%arg8 : memref<128x128xf32, #tpu.memory_space<vmem>>)
      %mul3A_78 = arith.constant 2 : i32
      %mul3A_79 = arith.muli %mul3A_78, %add3A_65 : i32
      %add3A_80 = arith.constant 1 : i32
      %add3A_81 = arith.addi %mul3A_79, %add3A_80 : i32
      %dma_start3A_82 = arith.constant 0 : i32
      %dma_start3A_83 = tpu.memref_slice %arg7[%add3A_81, %dma_start3A_82] : memref<80x128xi32, #tpu.memory_space<vmem>> -> memref<1x128xi32, #tpu.memory_space<vmem>>
      %dma_start3A_84 = tpu.memref_squeeze %dma_start3A_83 : memref<1x128xi32, #tpu.memory_space<vmem>> -> memref<128xi32, #tpu.memory_space<vmem>>
      %dma_start3A_85 = arith.constant 0 : i32
      %dma_start3A_86 = arith.constant 0 : i32
      %dma_start3A_87 = tpu.memref_slice %arg6[%dma_start3A_85, %dma_start3A_86] : memref<10240x128xf32, #tpu.memory_space<vmem_shared>> -> memref<10240x128xf32, #tpu.memory_space<vmem_shared>>
      tpu.enqueue_indirect_dma source(%arg8 : memref<128x128xf32, #tpu.memory_space<vmem>>) target(%dma_start3A_87 : memref<10240x128xf32, #tpu.memory_space<vmem_shared>>) offsets(%dma_start3A_84 : memref<128xi32, #tpu.memory_space<vmem>>) semaphore(%arg12 : memref<!tpu.dma_semaphore, #tpu.memory_space<semaphore_mem>>) {add = true}
      %mul3A_88 = arith.constant 2 : i32
      %mul3A_89 = arith.muli %scan3A_61, %mul3A_88 : i32
      %add3A_90 = arith.constant 1 : i32
      %add3A_91 = arith.addi %mul3A_89, %add3A_90 : i32
      %add3A_92 = arith.constant 1 : i32
      %add3A_93 = arith.addi %add3A_91, %add3A_92 : i32
      %lt3A_94 = arith.constant 40 : i32
      %lt3A_95 = arith.cmpi slt, %add3A_93, %lt3A_94 : i32
      %convert_element_type3A_96 = arith.extui %lt3A_95 : i1 to i32
      %cond3A_97 = arith.constant 0 : i32
      %cond3A_98 = arith.cmpi ne, %convert_element_type3A_96, %cond3A_97 : i32
      scf.if %cond3A_98 {
        %ge3A = arith.constant 1 : i32
        %ge3A_117 = arith.cmpi sge, %add3A_91, %ge3A : i32
        %convert_element_type3A_118 = arith.extui %ge3A_117 : i1 to i32
        %cond3A_119 = arith.constant 0 : i32
        %cond3A_120 = arith.cmpi ne, %convert_element_type3A_118, %cond3A_119 : i32
        scf.if %cond3A_120 {
          %sub3A = arith.constant 1 : i32
          %sub3A_131 = arith.subi %add3A_91, %sub3A : i32
          %mul3A_132 = arith.constant 2 : i32
          %mul3A_133 = arith.muli %mul3A_132, %sub3A_131 : i32
          %add3A_134 = arith.constant 1 : i32
          %add3A_135 = arith.addi %mul3A_133, %add3A_134 : i32
          %dma_wait3A_136 = arith.constant 0 : i32
          %dma_wait3A_137 = tpu.memref_slice %arg7[%add3A_135, %dma_wait3A_136] : memref<80x128xi32, #tpu.memory_space<vmem>> -> memref<1x128xi32, #tpu.memory_space<vmem>>
          %dma_wait3A_138 = tpu.memref_squeeze %dma_wait3A_137 : memref<1x128xi32, #tpu.memory_space<vmem>> -> memref<128xi32, #tpu.memory_space<vmem>>
          %dma_wait3A_139 = arith.constant 0 : i32
          %dma_wait3A_140 = arith.constant 0 : i32
          %dma_wait3A_141 = tpu.memref_slice %arg6[%dma_wait3A_139, %dma_wait3A_140] : memref<10240x128xf32, #tpu.memory_space<vmem_shared>> -> memref<10240x128xf32, #tpu.memory_space<vmem_shared>>
          tpu.wait_indirect_dma semaphore(%arg12 : memref<!tpu.dma_semaphore, #tpu.memory_space<semaphore_mem>>) src(%arg8 : memref<128x128xf32, #tpu.memory_space<vmem>>) dst(%dma_wait3A_141 : memref<10240x128xf32, #tpu.memory_space<vmem_shared>>)
        } else {
        }
        %add3A_121 = arith.constant 1 : i32
        %add3A_122 = arith.addi %add3A_91, %add3A_121 : i32
        %mul3A_123 = arith.constant 2 : i32
        %mul3A_124 = arith.muli %mul3A_123, %add3A_122 : i32
        %dma_start3A_125 = arith.constant 0 : i32
        %dma_start3A_126 = tpu.memref_slice %arg7[%mul3A_124, %dma_start3A_125] : memref<80x128xi32, #tpu.memory_space<vmem>> -> memref<1x128xi32, #tpu.memory_space<vmem>>
        %dma_start3A_127 = tpu.memref_squeeze %dma_start3A_126 : memref<1x128xi32, #tpu.memory_space<vmem>> -> memref<128xi32, #tpu.memory_space<vmem>>
        %dma_start3A_128 = arith.constant 0 : i32
        %dma_start3A_129 = arith.constant 0 : i32
        %dma_start3A_130 = tpu.memref_slice %arg2[%dma_start3A_128, %dma_start3A_129] : memref<10240x128xf32, #tpu.memory_space<hbm>> -> memref<10240x128xf32, #tpu.memory_space<hbm>>
        tpu.enqueue_indirect_dma source(%dma_start3A_130 : memref<10240x128xf32, #tpu.memory_space<hbm>>) target(%arg8 : memref<128x128xf32, #tpu.memory_space<vmem>>) offsets(%dma_start3A_127 : memref<128xi32, #tpu.memory_space<vmem>>) semaphore(%arg10 : memref<!tpu.dma_semaphore, #tpu.memory_space<semaphore_mem>>)
      } else {
      }
      %mul3A_99 = arith.constant 2 : i32
      %mul3A_100 = arith.muli %mul3A_99, %add3A_91 : i32
      %dma_wait3A_101 = arith.constant 0 : i32
      %dma_wait3A_102 = tpu.memref_slice %arg7[%mul3A_100, %dma_wait3A_101] : memref<80x128xi32, #tpu.memory_space<vmem>> -> memref<1x128xi32, #tpu.memory_space<vmem>>
      %dma_wait3A_103 = tpu.memref_squeeze %dma_wait3A_102 : memref<1x128xi32, #tpu.memory_space<vmem>> -> memref<128xi32, #tpu.memory_space<vmem>>
      %dma_wait3A_104 = arith.constant 0 : i32
      %dma_wait3A_105 = arith.constant 0 : i32
      %dma_wait3A_106 = tpu.memref_slice %arg2[%dma_wait3A_104, %dma_wait3A_105] : memref<10240x128xf32, #tpu.memory_space<hbm>> -> memref<10240x128xf32, #tpu.memory_space<hbm>>
      tpu.wait_indirect_dma semaphore(%arg11 : memref<!tpu.dma_semaphore, #tpu.memory_space<semaphore_mem>>) src(%dma_wait3A_106 : memref<10240x128xf32, #tpu.memory_space<hbm>>) dst(%arg9 : memref<128x128xf32, #tpu.memory_space<vmem>>)
      %mul3A_107 = arith.constant 2 : i32
      %mul3A_108 = arith.muli %mul3A_107, %add3A_91 : i32
      %add3A_109 = arith.constant 1 : i32
      %add3A_110 = arith.addi %mul3A_108, %add3A_109 : i32
      %dma_start3A_111 = arith.constant 0 : i32
      %dma_start3A_112 = tpu.memref_slice %arg7[%add3A_110, %dma_start3A_111] : memref<80x128xi32, #tpu.memory_space<vmem>> -> memref<1x128xi32, #tpu.memory_space<vmem>>
      %dma_start3A_113 = tpu.memref_squeeze %dma_start3A_112 : memref<1x128xi32, #tpu.memory_space<vmem>> -> memref<128xi32, #tpu.memory_space<vmem>>
      %dma_start3A_114 = arith.constant 0 : i32
      %dma_start3A_115 = arith.constant 0 : i32
      %dma_start3A_116 = tpu.memref_slice %arg6[%dma_start3A_114, %dma_start3A_115] : memref<10240x128xf32, #tpu.memory_space<vmem_shared>> -> memref<10240x128xf32, #tpu.memory_space<vmem_shared>>
      tpu.enqueue_indirect_dma source(%arg9 : memref<128x128xf32, #tpu.memory_space<vmem>>) target(%dma_start3A_116 : memref<10240x128xf32, #tpu.memory_space<vmem_shared>>) offsets(%dma_start3A_113 : memref<128xi32, #tpu.memory_space<vmem>>) semaphore(%arg13 : memref<!tpu.dma_semaphore, #tpu.memory_space<semaphore_mem>>) {add = true}
    }
    %scan3A_41 = arith.constant 20 : i32
    %dma_wait3A_42 = arith.constant 77 : i32
    %dma_wait3A_43 = arith.constant 0 : i32
    %dma_wait3A_44 = tpu.memref_slice %arg7[%dma_wait3A_42, %dma_wait3A_43] : memref<80x128xi32, #tpu.memory_space<vmem>> -> memref<1x128xi32, #tpu.memory_space<vmem>>
    %dma_wait3A_45 = tpu.memref_squeeze %dma_wait3A_44 : memref<1x128xi32, #tpu.memory_space<vmem>> -> memref<128xi32, #tpu.memory_space<vmem>>
    %dma_wait3A_46 = arith.constant 0 : i32
    %dma_wait3A_47 = arith.constant 0 : i32
    %dma_wait3A_48 = tpu.memref_slice %arg6[%dma_wait3A_46, %dma_wait3A_47] : memref<10240x128xf32, #tpu.memory_space<vmem_shared>> -> memref<10240x128xf32, #tpu.memory_space<vmem_shared>>
    tpu.wait_indirect_dma semaphore(%arg12 : memref<!tpu.dma_semaphore, #tpu.memory_space<semaphore_mem>>) src(%arg8 : memref<128x128xf32, #tpu.memory_space<vmem>>) dst(%dma_wait3A_48 : memref<10240x128xf32, #tpu.memory_space<vmem_shared>>)
    %dma_wait3A_49 = arith.constant 79 : i32
    %dma_wait3A_50 = arith.constant 0 : i32
    %dma_wait3A_51 = tpu.memref_slice %arg7[%dma_wait3A_49, %dma_wait3A_50] : memref<80x128xi32, #tpu.memory_space<vmem>> -> memref<1x128xi32, #tpu.memory_space<vmem>>
    %dma_wait3A_52 = tpu.memref_squeeze %dma_wait3A_51 : memref<1x128xi32, #tpu.memory_space<vmem>> -> memref<128xi32, #tpu.memory_space<vmem>>
    %dma_wait3A_53 = arith.constant 0 : i32
    %dma_wait3A_54 = arith.constant 0 : i32
    %dma_wait3A_55 = tpu.memref_slice %arg6[%dma_wait3A_53, %dma_wait3A_54] : memref<10240x128xf32, #tpu.memory_space<vmem_shared>> -> memref<10240x128xf32, #tpu.memory_space<vmem_shared>>
    tpu.wait_indirect_dma semaphore(%arg13 : memref<!tpu.dma_semaphore, #tpu.memory_space<semaphore_mem>>) src(%arg9 : memref<128x128xf32, #tpu.memory_space<vmem>>) dst(%dma_wait3A_55 : memref<10240x128xf32, #tpu.memory_space<vmem_shared>>)
    %barrier3A_56 = arith.constant 0 : index
    tpu.barrier barrier_id(%barrier3A_56)
    %mul3A_57 = arith.constant 640 : i32
    %mul3A_58 = arith.muli %arg1, %mul3A_57 : i32
    %mul3A_59 = arith.constant 640 : i32
    %mul3A_60 = arith.muli %arg1, %mul3A_59 : i32
    "tpu.region"() ({
      %run_scoped3A = tpu.sem_alloc : memref<!tpu.dma_semaphore, #tpu.memory_space<semaphore_mem>>
      %dma_start3A_61 = arith.constant 0 : i32
      %dma_start3A_62 = tpu.memref_slice %arg5[%arg0, %mul3A_60, %dma_start3A_61] : memref<2x10240x128xf32, #tpu.memory_space<hbm>> -> memref<1x640x128xf32, #tpu.memory_space<hbm>>
      %dma_start3A_63 = tpu.memref_squeeze %dma_start3A_62 : memref<1x640x128xf32, #tpu.memory_space<hbm>> -> memref<640x128xf32, #tpu.memory_space<hbm>>
      %dma_start3A_64 = arith.constant 0 : i32
      %dma_start3A_65 = tpu.memref_slice %arg6[%mul3A_58, %dma_start3A_64] : memref<10240x128xf32, #tpu.memory_space<vmem_shared>> -> memref<640x128xf32, #tpu.memory_space<vmem_shared>>
      tpu.enqueue_dma source(%dma_start3A_65 : memref<640x128xf32, #tpu.memory_space<vmem_shared>>) target(%dma_start3A_63 : memref<640x128xf32, #tpu.memory_space<hbm>>) target_semaphore(%run_scoped3A : memref<!tpu.dma_semaphore, #tpu.memory_space<semaphore_mem>>)
      %dma_wait3A_66 = arith.constant 0 : i32
      %dma_wait3A_67 = tpu.memref_slice %arg5[%arg0, %mul3A_60, %dma_wait3A_66] : memref<2x10240x128xf32, #tpu.memory_space<hbm>> -> memref<1x640x128xf32, #tpu.memory_space<hbm>>
      %dma_wait3A_68 = tpu.memref_squeeze %dma_wait3A_67 : memref<1x640x128xf32, #tpu.memory_space<hbm>> -> memref<640x128xf32, #tpu.memory_space<hbm>>
      %dma_wait3A_69 = arith.constant 0 : i32
      %dma_wait3A_70 = tpu.memref_slice %arg6[%mul3A_58, %dma_wait3A_69] : memref<10240x128xf32, #tpu.memory_space<vmem_shared>> -> memref<640x128xf32, #tpu.memory_space<vmem_shared>>
      tpu.wait_dma2 semaphore(%run_scoped3A : memref<!tpu.dma_semaphore, #tpu.memory_space<semaphore_mem>>) src(%dma_wait3A_70 : memref<640x128xf32, #tpu.memory_space<vmem_shared>>) dst(%dma_wait3A_68 : memref<640x128xf32, #tpu.memory_space<hbm>>)
      tpu.yield
    }) : () -> ()
    return
  }
}

#map = affine_map<(d0, d1) -> (0, 0, 0)>
#map1 = affine_map<(d0, d1) -> (0, 0)>
module attributes {stable_mosaic.version = 14 : i64} {
  func.func @_sc_deg_body(%arg0: i32, %arg1: i32, %arg2: memref<32x160x128xi32, #tpu.memory_space<hbm>>, %arg3: memref<128x16xf32, #tpu.memory_space<hbm>>, %arg4: memref<10240x16xf32, #tpu.memory_space<hbm>>, %arg5: memref<2x10240x16xf32, #tpu.memory_space<hbm>>, %arg6: memref<10240x16xf32, #tpu.memory_space<vmem_shared>>, %arg7: memref<160x128xi32, #tpu.memory_space<vmem>>, %arg8: memref<128x16xf32, #tpu.memory_space<vmem>>) attributes {dimension_semantics = [#tpu.dimension_semantics<core_parallel>, #tpu.dimension_semantics<subcore_parallel>], iteration_bounds = array<i64: 2, 16>, scalar_prefetch = 0 : i64, scratch_operands = 3 : i64, tpu.core_type = #tpu.core_type<sc_vector_subcore>, window_params = [{transform_indices = #map}, {transform_indices = #map1}, {transform_indices = #map1}, {transform_indices = #map}]} {
    %mul3A = arith.constant 640 : i32
    %mul3A_0 = arith.muli %arg1, %mul3A : i32
    %mul3A_1 = arith.constant 640 : i32
    %mul3A_2 = arith.muli %arg1, %mul3A_1 : i32
    "tpu.region"() ({
      %run_scoped3A = tpu.sem_alloc : memref<!tpu.dma_semaphore, #tpu.memory_space<semaphore_mem>>
      %dma_start3A = arith.constant 0 : i32
      %dma_start3A_15 = tpu.memref_slice %arg6[%mul3A_2, %dma_start3A] : memref<10240x16xf32, #tpu.memory_space<vmem_shared>> -> memref<640x16xf32, #tpu.memory_space<vmem_shared>>
      %dma_start3A_16 = arith.constant 0 : i32
      %dma_start3A_17 = tpu.memref_slice %arg4[%mul3A_0, %dma_start3A_16] : memref<10240x16xf32, #tpu.memory_space<hbm>> -> memref<640x16xf32, #tpu.memory_space<hbm>>
      tpu.enqueue_dma source(%dma_start3A_17 : memref<640x16xf32, #tpu.memory_space<hbm>>) target(%dma_start3A_15 : memref<640x16xf32, #tpu.memory_space<vmem_shared>>) target_semaphore(%run_scoped3A : memref<!tpu.dma_semaphore, #tpu.memory_space<semaphore_mem>>)
      %dma_wait3A = arith.constant 0 : i32
      %dma_wait3A_18 = tpu.memref_slice %arg6[%mul3A_2, %dma_wait3A] : memref<10240x16xf32, #tpu.memory_space<vmem_shared>> -> memref<640x16xf32, #tpu.memory_space<vmem_shared>>
      %dma_wait3A_19 = arith.constant 0 : i32
      %dma_wait3A_20 = tpu.memref_slice %arg4[%mul3A_0, %dma_wait3A_19] : memref<10240x16xf32, #tpu.memory_space<hbm>> -> memref<640x16xf32, #tpu.memory_space<hbm>>
      tpu.wait_dma2 semaphore(%run_scoped3A : memref<!tpu.dma_semaphore, #tpu.memory_space<semaphore_mem>>) src(%dma_wait3A_20 : memref<640x16xf32, #tpu.memory_space<hbm>>) dst(%dma_wait3A_18 : memref<640x16xf32, #tpu.memory_space<vmem_shared>>)
      tpu.yield
    }) : () -> ()
    "tpu.region"() ({
      %run_scoped3A = tpu.sem_alloc : memref<!tpu.dma_semaphore, #tpu.memory_space<semaphore_mem>>
      tpu.enqueue_dma source(%arg3 : memref<128x16xf32, #tpu.memory_space<hbm>>) target(%arg8 : memref<128x16xf32, #tpu.memory_space<vmem>>) target_semaphore(%run_scoped3A : memref<!tpu.dma_semaphore, #tpu.memory_space<semaphore_mem>>)
      tpu.wait_dma2 semaphore(%run_scoped3A : memref<!tpu.dma_semaphore, #tpu.memory_space<semaphore_mem>>) src(%arg3 : memref<128x16xf32, #tpu.memory_space<hbm>>) dst(%arg8 : memref<128x16xf32, #tpu.memory_space<vmem>>)
      tpu.yield
    }) : () -> ()
    %mul3A_3 = arith.constant 2 : i32
    %mul3A_4 = arith.muli %arg1, %mul3A_3 : i32
    %add3A = arith.addi %mul3A_4, %arg0 : i32
    "tpu.region"() ({
      %run_scoped3A = tpu.sem_alloc : memref<!tpu.dma_semaphore, #tpu.memory_space<semaphore_mem>>
      %dma_start3A = arith.constant 0 : i32
      %dma_start3A_15 = arith.constant 0 : i32
      %dma_start3A_16 = tpu.memref_slice %arg2[%add3A, %dma_start3A, %dma_start3A_15] : memref<32x160x128xi32, #tpu.memory_space<hbm>> -> memref<1x160x128xi32, #tpu.memory_space<hbm>>
      %dma_start3A_17 = tpu.memref_squeeze %dma_start3A_16 : memref<1x160x128xi32, #tpu.memory_space<hbm>> -> memref<160x128xi32, #tpu.memory_space<hbm>>
      %dma_start3A_18 = arith.constant 0 : i32
      %dma_start3A_19 = arith.constant 0 : i32
      %dma_start3A_20 = tpu.memref_slice %arg2[%add3A, %dma_start3A_18, %dma_start3A_19] : memref<32x160x128xi32, #tpu.memory_space<hbm>> -> memref<1x160x128xi32, #tpu.memory_space<hbm>>
      %dma_start3A_21 = tpu.memref_squeeze %dma_start3A_20 : memref<1x160x128xi32, #tpu.memory_space<hbm>> -> memref<160x128xi32, #tpu.memory_space<hbm>>
      tpu.enqueue_dma source(%dma_start3A_21 : memref<160x128xi32, #tpu.memory_space<hbm>>) target(%arg7 : memref<160x128xi32, #tpu.memory_space<vmem>>) target_semaphore(%run_scoped3A : memref<!tpu.dma_semaphore, #tpu.memory_space<semaphore_mem>>)
      %dma_wait3A = arith.constant 0 : i32
      %dma_wait3A_22 = arith.constant 0 : i32
      %dma_wait3A_23 = tpu.memref_slice %arg2[%add3A, %dma_wait3A, %dma_wait3A_22] : memref<32x160x128xi32, #tpu.memory_space<hbm>> -> memref<1x160x128xi32, #tpu.memory_space<hbm>>
      %dma_wait3A_24 = tpu.memref_squeeze %dma_wait3A_23 : memref<1x160x128xi32, #tpu.memory_space<hbm>> -> memref<160x128xi32, #tpu.memory_space<hbm>>
      %dma_wait3A_25 = arith.constant 0 : i32
      %dma_wait3A_26 = arith.constant 0 : i32
      %dma_wait3A_27 = tpu.memref_slice %arg2[%add3A, %dma_wait3A_25, %dma_wait3A_26] : memref<32x160x128xi32, #tpu.memory_space<hbm>> -> memref<1x160x128xi32, #tpu.memory_space<hbm>>
      %dma_wait3A_28 = tpu.memref_squeeze %dma_wait3A_27 : memref<1x160x128xi32, #tpu.memory_space<hbm>> -> memref<160x128xi32, #tpu.memory_space<hbm>>
      tpu.wait_dma2 semaphore(%run_scoped3A : memref<!tpu.dma_semaphore, #tpu.memory_space<semaphore_mem>>) src(%dma_wait3A_28 : memref<160x128xi32, #tpu.memory_space<hbm>>) dst(%arg7 : memref<160x128xi32, #tpu.memory_space<vmem>>)
      tpu.yield
    }) : () -> ()
    %barrier3A = arith.constant 0 : index
    tpu.barrier barrier_id(%barrier3A)
    %scan3A = arith.constant 0 : i32
    %scan3A_5 = arith.constant 0 : i32
    %scan3A_6 = arith.constant 80 : i32
    %scan3A_7 = arith.addi %scan3A_5, %scan3A_6 : i32
    %scan3A_8 = arith.constant 1 : i32
    scf.for %scan3A_15 = %scan3A_5 to %scan3A_7 step %scan3A_8  : i32 {
      %mul3A_16 = arith.constant 2 : i32
      %mul3A_17 = arith.muli %mul3A_16, %scan3A_15 : i32
      %add3A_18 = arith.constant 1 : i32
      %add3A_19 = arith.addi %mul3A_17, %add3A_18 : i32
      "tpu.region"() ({
        %run_scoped3A = tpu.sem_alloc : memref<!tpu.dma_semaphore, #tpu.memory_space<semaphore_mem>>
        %dma_start3A = arith.constant 0 : i32
        %dma_start3A_20 = tpu.memref_slice %arg7[%add3A_19, %dma_start3A] : memref<160x128xi32, #tpu.memory_space<vmem>> -> memref<1x128xi32, #tpu.memory_space<vmem>>
        %dma_start3A_21 = tpu.memref_squeeze %dma_start3A_20 : memref<1x128xi32, #tpu.memory_space<vmem>> -> memref<128xi32, #tpu.memory_space<vmem>>
        %dma_start3A_22 = arith.constant 0 : i32
        %dma_start3A_23 = arith.constant 0 : i32
        %dma_start3A_24 = tpu.memref_slice %arg6[%dma_start3A_22, %dma_start3A_23] : memref<10240x16xf32, #tpu.memory_space<vmem_shared>> -> memref<10240x16xf32, #tpu.memory_space<vmem_shared>>
        tpu.enqueue_indirect_dma source(%arg8 : memref<128x16xf32, #tpu.memory_space<vmem>>) target(%dma_start3A_24 : memref<10240x16xf32, #tpu.memory_space<vmem_shared>>) offsets(%dma_start3A_21 : memref<128xi32, #tpu.memory_space<vmem>>) semaphore(%run_scoped3A : memref<!tpu.dma_semaphore, #tpu.memory_space<semaphore_mem>>) {add = true}
        %dma_wait3A = arith.constant 0 : i32
        %dma_wait3A_25 = tpu.memref_slice %arg7[%add3A_19, %dma_wait3A] : memref<160x128xi32, #tpu.memory_space<vmem>> -> memref<1x128xi32, #tpu.memory_space<vmem>>
        %dma_wait3A_26 = tpu.memref_squeeze %dma_wait3A_25 : memref<1x128xi32, #tpu.memory_space<vmem>> -> memref<128xi32, #tpu.memory_space<vmem>>
        %dma_wait3A_27 = arith.constant 0 : i32
        %dma_wait3A_28 = arith.constant 0 : i32
        %dma_wait3A_29 = tpu.memref_slice %arg6[%dma_wait3A_27, %dma_wait3A_28] : memref<10240x16xf32, #tpu.memory_space<vmem_shared>> -> memref<10240x16xf32, #tpu.memory_space<vmem_shared>>
        tpu.wait_indirect_dma semaphore(%run_scoped3A : memref<!tpu.dma_semaphore, #tpu.memory_space<semaphore_mem>>) src(%arg8 : memref<128x16xf32, #tpu.memory_space<vmem>>) dst(%dma_wait3A_29 : memref<10240x16xf32, #tpu.memory_space<vmem_shared>>)
        tpu.yield
      }) : () -> ()
    }
    %scan3A_9 = arith.constant 80 : i32
    %barrier3A_10 = arith.constant 0 : index
    tpu.barrier barrier_id(%barrier3A_10)
    %mul3A_11 = arith.constant 640 : i32
    %mul3A_12 = arith.muli %arg1, %mul3A_11 : i32
    %mul3A_13 = arith.constant 640 : i32
    %mul3A_14 = arith.muli %arg1, %mul3A_13 : i32
    "tpu.region"() ({
      %run_scoped3A = tpu.sem_alloc : memref<!tpu.dma_semaphore, #tpu.memory_space<semaphore_mem>>
      %dma_start3A = arith.constant 0 : i32
      %dma_start3A_15 = tpu.memref_slice %arg5[%arg0, %mul3A_14, %dma_start3A] : memref<2x10240x16xf32, #tpu.memory_space<hbm>> -> memref<1x640x16xf32, #tpu.memory_space<hbm>>
      %dma_start3A_16 = tpu.memref_squeeze %dma_start3A_15 : memref<1x640x16xf32, #tpu.memory_space<hbm>> -> memref<640x16xf32, #tpu.memory_space<hbm>>
      %dma_start3A_17 = arith.constant 0 : i32
      %dma_start3A_18 = tpu.memref_slice %arg6[%mul3A_12, %dma_start3A_17] : memref<10240x16xf32, #tpu.memory_space<vmem_shared>> -> memref<640x16xf32, #tpu.memory_space<vmem_shared>>
      tpu.enqueue_dma source(%dma_start3A_18 : memref<640x16xf32, #tpu.memory_space<vmem_shared>>) target(%dma_start3A_16 : memref<640x16xf32, #tpu.memory_space<hbm>>) target_semaphore(%run_scoped3A : memref<!tpu.dma_semaphore, #tpu.memory_space<semaphore_mem>>)
      %dma_wait3A = arith.constant 0 : i32
      %dma_wait3A_19 = tpu.memref_slice %arg5[%arg0, %mul3A_14, %dma_wait3A] : memref<2x10240x16xf32, #tpu.memory_space<hbm>> -> memref<1x640x16xf32, #tpu.memory_space<hbm>>
      %dma_wait3A_20 = tpu.memref_squeeze %dma_wait3A_19 : memref<1x640x16xf32, #tpu.memory_space<hbm>> -> memref<640x16xf32, #tpu.memory_space<hbm>>
      %dma_wait3A_21 = arith.constant 0 : i32
      %dma_wait3A_22 = tpu.memref_slice %arg6[%mul3A_12, %dma_wait3A_21] : memref<10240x16xf32, #tpu.memory_space<vmem_shared>> -> memref<640x16xf32, #tpu.memory_space<vmem_shared>>
      tpu.wait_dma2 semaphore(%run_scoped3A : memref<!tpu.dma_semaphore, #tpu.memory_space<semaphore_mem>>) src(%dma_wait3A_22 : memref<640x16xf32, #tpu.memory_space<vmem_shared>>) dst(%dma_wait3A_20 : memref<640x16xf32, #tpu.memory_space<hbm>>)
      tpu.yield
    }) : () -> ()
    return
  }
}

#map = affine_map<(d0, d1) -> (0, 0)>
#map1 = affine_map<(d0, d1) -> (0, 0, 0)>
module attributes {stable_mosaic.version = 14 : i64} {
  func.func @_sc_agg_body(%arg0: i32, %arg1: i32, %arg2: memref<10240x128xf32, #tpu.memory_space<hbm>>, %arg3: memref<32x160x128xi32, #tpu.memory_space<hbm>>, %arg4: memref<10240x128xf32, #tpu.memory_space<hbm>>, %arg5: memref<2x10240x128xf32, #tpu.memory_space<hbm>>, %arg6: memref<10240x128xf32, #tpu.memory_space<vmem_shared>>, %arg7: memref<80x128xi32, #tpu.memory_space<vmem>>, %arg8: memref<128x128xf32, #tpu.memory_space<vmem>>, %arg9: memref<128x128xf32, #tpu.memory_space<vmem>>, %arg10: memref<!tpu.dma_semaphore, #tpu.memory_space<semaphore_mem>>, %arg11: memref<!tpu.dma_semaphore, #tpu.memory_space<semaphore_mem>>, %arg12: memref<!tpu.dma_semaphore, #tpu.memory_space<semaphore_mem>>, %arg13: memref<!tpu.dma_semaphore, #tpu.memory_space<semaphore_mem>>) attributes {dimension_semantics = [#tpu.dimension_semantics<core_parallel>, #tpu.dimension_semantics<subcore_parallel>], iteration_bounds = array<i64: 2, 16>, scalar_prefetch = 0 : i64, scratch_operands = 8 : i64, tpu.core_type = #tpu.core_type<sc_vector_subcore>, window_params = [{transform_indices = #map}, {transform_indices = #map1}, {transform_indices = #map}, {transform_indices = #map1}]} {
    %mul3A = arith.constant 2 : i32
    %mul3A_0 = arith.muli %arg1, %mul3A : i32
    %add3A = arith.addi %mul3A_0, %arg0 : i32
    %mul3A_1 = arith.constant 640 : i32
    %mul3A_2 = arith.muli %arg1, %mul3A_1 : i32
    %mul3A_3 = arith.constant 640 : i32
    %mul3A_4 = arith.muli %arg1, %mul3A_3 : i32
    "tpu.region"() ({
      %run_scoped3A = tpu.sem_alloc : memref<!tpu.dma_semaphore, #tpu.memory_space<semaphore_mem>>
      %dma_start3A_61 = arith.constant 0 : i32
      %dma_start3A_62 = tpu.memref_slice %arg6[%mul3A_4, %dma_start3A_61] : memref<10240x128xf32, #tpu.memory_space<vmem_shared>> -> memref<640x128xf32, #tpu.memory_space<vmem_shared>>
      %dma_start3A_63 = arith.constant 0 : i32
      %dma_start3A_64 = tpu.memref_slice %arg4[%mul3A_2, %dma_start3A_63] : memref<10240x128xf32, #tpu.memory_space<hbm>> -> memref<640x128xf32, #tpu.memory_space<hbm>>
      tpu.enqueue_dma source(%dma_start3A_64 : memref<640x128xf32, #tpu.memory_space<hbm>>) target(%dma_start3A_62 : memref<640x128xf32, #tpu.memory_space<vmem_shared>>) target_semaphore(%run_scoped3A : memref<!tpu.dma_semaphore, #tpu.memory_space<semaphore_mem>>)
      %dma_wait3A_65 = arith.constant 0 : i32
      %dma_wait3A_66 = tpu.memref_slice %arg6[%mul3A_4, %dma_wait3A_65] : memref<10240x128xf32, #tpu.memory_space<vmem_shared>> -> memref<640x128xf32, #tpu.memory_space<vmem_shared>>
      %dma_wait3A_67 = arith.constant 0 : i32
      %dma_wait3A_68 = tpu.memref_slice %arg4[%mul3A_2, %dma_wait3A_67] : memref<10240x128xf32, #tpu.memory_space<hbm>> -> memref<640x128xf32, #tpu.memory_space<hbm>>
      tpu.wait_dma2 semaphore(%run_scoped3A : memref<!tpu.dma_semaphore, #tpu.memory_space<semaphore_mem>>) src(%dma_wait3A_68 : memref<640x128xf32, #tpu.memory_space<hbm>>) dst(%dma_wait3A_66 : memref<640x128xf32, #tpu.memory_space<vmem_shared>>)
      tpu.yield
    }) : () -> ()
    %barrier3A = arith.constant 0 : index
    tpu.barrier barrier_id(%barrier3A)
    "tpu.region"() ({
      %run_scoped3A = tpu.sem_alloc : memref<!tpu.dma_semaphore, #tpu.memory_space<semaphore_mem>>
      %dma_start3A_61 = arith.constant 0 : i32
      %dma_start3A_62 = arith.constant 0 : i32
      %dma_start3A_63 = tpu.memref_slice %arg3[%add3A, %dma_start3A_61, %dma_start3A_62] : memref<32x160x128xi32, #tpu.memory_space<hbm>> -> memref<1x80x128xi32, #tpu.memory_space<hbm>>
      %dma_start3A_64 = tpu.memref_squeeze %dma_start3A_63 : memref<1x80x128xi32, #tpu.memory_space<hbm>> -> memref<80x128xi32, #tpu.memory_space<hbm>>
      %dma_start3A_65 = arith.constant 0 : i32
      %dma_start3A_66 = arith.constant 0 : i32
      %dma_start3A_67 = tpu.memref_slice %arg3[%add3A, %dma_start3A_65, %dma_start3A_66] : memref<32x160x128xi32, #tpu.memory_space<hbm>> -> memref<1x80x128xi32, #tpu.memory_space<hbm>>
      %dma_start3A_68 = tpu.memref_squeeze %dma_start3A_67 : memref<1x80x128xi32, #tpu.memory_space<hbm>> -> memref<80x128xi32, #tpu.memory_space<hbm>>
      tpu.enqueue_dma source(%dma_start3A_68 : memref<80x128xi32, #tpu.memory_space<hbm>>) target(%arg7 : memref<80x128xi32, #tpu.memory_space<vmem>>) target_semaphore(%run_scoped3A : memref<!tpu.dma_semaphore, #tpu.memory_space<semaphore_mem>>)
      %dma_wait3A_69 = arith.constant 0 : i32
      %dma_wait3A_70 = arith.constant 0 : i32
      %dma_wait3A_71 = tpu.memref_slice %arg3[%add3A, %dma_wait3A_69, %dma_wait3A_70] : memref<32x160x128xi32, #tpu.memory_space<hbm>> -> memref<1x80x128xi32, #tpu.memory_space<hbm>>
      %dma_wait3A_72 = tpu.memref_squeeze %dma_wait3A_71 : memref<1x80x128xi32, #tpu.memory_space<hbm>> -> memref<80x128xi32, #tpu.memory_space<hbm>>
      %dma_wait3A_73 = arith.constant 0 : i32
      %dma_wait3A_74 = arith.constant 0 : i32
      %dma_wait3A_75 = tpu.memref_slice %arg3[%add3A, %dma_wait3A_73, %dma_wait3A_74] : memref<32x160x128xi32, #tpu.memory_space<hbm>> -> memref<1x80x128xi32, #tpu.memory_space<hbm>>
      %dma_wait3A_76 = tpu.memref_squeeze %dma_wait3A_75 : memref<1x80x128xi32, #tpu.memory_space<hbm>> -> memref<80x128xi32, #tpu.memory_space<hbm>>
      tpu.wait_dma2 semaphore(%run_scoped3A : memref<!tpu.dma_semaphore, #tpu.memory_space<semaphore_mem>>) src(%dma_wait3A_76 : memref<80x128xi32, #tpu.memory_space<hbm>>) dst(%arg7 : memref<80x128xi32, #tpu.memory_space<vmem>>)
      tpu.yield
    }) : () -> ()
    %dma_start3A = arith.constant 0 : i32
    %dma_start3A_5 = arith.constant 0 : i32
    %dma_start3A_6 = tpu.memref_slice %arg7[%dma_start3A, %dma_start3A_5] : memref<80x128xi32, #tpu.memory_space<vmem>> -> memref<1x128xi32, #tpu.memory_space<vmem>>
    %dma_start3A_7 = tpu.memref_squeeze %dma_start3A_6 : memref<1x128xi32, #tpu.memory_space<vmem>> -> memref<128xi32, #tpu.memory_space<vmem>>
    %dma_start3A_8 = arith.constant 0 : i32
    %dma_start3A_9 = arith.constant 0 : i32
    %dma_start3A_10 = tpu.memref_slice %arg2[%dma_start3A_8, %dma_start3A_9] : memref<10240x128xf32, #tpu.memory_space<hbm>> -> memref<10240x128xf32, #tpu.memory_space<hbm>>
    tpu.enqueue_indirect_dma source(%dma_start3A_10 : memref<10240x128xf32, #tpu.memory_space<hbm>>) target(%arg8 : memref<128x128xf32, #tpu.memory_space<vmem>>) offsets(%dma_start3A_7 : memref<128xi32, #tpu.memory_space<vmem>>) semaphore(%arg10 : memref<!tpu.dma_semaphore, #tpu.memory_space<semaphore_mem>>)
    %scan3A = arith.constant 0 : i32
    %scan3A_11 = arith.constant 0 : i32
    %scan3A_12 = arith.constant 20 : i32
    %scan3A_13 = arith.addi %scan3A_11, %scan3A_12 : i32
    %scan3A_14 = arith.constant 1 : i32
    scf.for %scan3A_61 = %scan3A_11 to %scan3A_13 step %scan3A_14  : i32 {
      %mul3A_62 = arith.constant 2 : i32
      %mul3A_63 = arith.muli %scan3A_61, %mul3A_62 : i32
      %add3A_64 = arith.constant 0 : i32
      %add3A_65 = arith.addi %mul3A_63, %add3A_64 : i32
      %add3A_66 = arith.constant 1 : i32
      %add3A_67 = arith.addi %add3A_65, %add3A_66 : i32
      %lt3A = arith.constant 40 : i32
      %lt3A_68 = arith.cmpi slt, %add3A_67, %lt3A : i32
      %convert_element_type3A = arith.extui %lt3A_68 : i1 to i32
      %cond3A = arith.constant 0 : i32
      %cond3A_69 = arith.cmpi ne, %convert_element_type3A, %cond3A : i32
      scf.if %cond3A_69 {
        %ge3A = arith.constant 1 : i32
        %ge3A_117 = arith.cmpi sge, %add3A_65, %ge3A : i32
        %convert_element_type3A_118 = arith.extui %ge3A_117 : i1 to i32
        %cond3A_119 = arith.constant 0 : i32
        %cond3A_120 = arith.cmpi ne, %convert_element_type3A_118, %cond3A_119 : i32
        scf.if %cond3A_120 {
          %sub3A = arith.constant 1 : i32
          %sub3A_131 = arith.subi %add3A_65, %sub3A : i32
          %mul3A_132 = arith.constant 2 : i32
          %mul3A_133 = arith.muli %mul3A_132, %sub3A_131 : i32
          %add3A_134 = arith.constant 1 : i32
          %add3A_135 = arith.addi %mul3A_133, %add3A_134 : i32
          %dma_wait3A_136 = arith.constant 0 : i32
          %dma_wait3A_137 = tpu.memref_slice %arg7[%add3A_135, %dma_wait3A_136] : memref<80x128xi32, #tpu.memory_space<vmem>> -> memref<1x128xi32, #tpu.memory_space<vmem>>
          %dma_wait3A_138 = tpu.memref_squeeze %dma_wait3A_137 : memref<1x128xi32, #tpu.memory_space<vmem>> -> memref<128xi32, #tpu.memory_space<vmem>>
          %dma_wait3A_139 = arith.constant 0 : i32
          %dma_wait3A_140 = arith.constant 0 : i32
          %dma_wait3A_141 = tpu.memref_slice %arg6[%dma_wait3A_139, %dma_wait3A_140] : memref<10240x128xf32, #tpu.memory_space<vmem_shared>> -> memref<10240x128xf32, #tpu.memory_space<vmem_shared>>
          tpu.wait_indirect_dma semaphore(%arg13 : memref<!tpu.dma_semaphore, #tpu.memory_space<semaphore_mem>>) src(%arg9 : memref<128x128xf32, #tpu.memory_space<vmem>>) dst(%dma_wait3A_141 : memref<10240x128xf32, #tpu.memory_space<vmem_shared>>)
        } else {
        }
        %add3A_121 = arith.constant 1 : i32
        %add3A_122 = arith.addi %add3A_65, %add3A_121 : i32
        %mul3A_123 = arith.constant 2 : i32
        %mul3A_124 = arith.muli %mul3A_123, %add3A_122 : i32
        %dma_start3A_125 = arith.constant 0 : i32
        %dma_start3A_126 = tpu.memref_slice %arg7[%mul3A_124, %dma_start3A_125] : memref<80x128xi32, #tpu.memory_space<vmem>> -> memref<1x128xi32, #tpu.memory_space<vmem>>
        %dma_start3A_127 = tpu.memref_squeeze %dma_start3A_126 : memref<1x128xi32, #tpu.memory_space<vmem>> -> memref<128xi32, #tpu.memory_space<vmem>>
        %dma_start3A_128 = arith.constant 0 : i32
        %dma_start3A_129 = arith.constant 0 : i32
        %dma_start3A_130 = tpu.memref_slice %arg2[%dma_start3A_128, %dma_start3A_129] : memref<10240x128xf32, #tpu.memory_space<hbm>> -> memref<10240x128xf32, #tpu.memory_space<hbm>>
        tpu.enqueue_indirect_dma source(%dma_start3A_130 : memref<10240x128xf32, #tpu.memory_space<hbm>>) target(%arg9 : memref<128x128xf32, #tpu.memory_space<vmem>>) offsets(%dma_start3A_127 : memref<128xi32, #tpu.memory_space<vmem>>) semaphore(%arg11 : memref<!tpu.dma_semaphore, #tpu.memory_space<semaphore_mem>>)
      } else {
      }
      %mul3A_70 = arith.constant 2 : i32
      %mul3A_71 = arith.muli %mul3A_70, %add3A_65 : i32
      %dma_wait3A_72 = arith.constant 0 : i32
      %dma_wait3A_73 = tpu.memref_slice %arg7[%mul3A_71, %dma_wait3A_72] : memref<80x128xi32, #tpu.memory_space<vmem>> -> memref<1x128xi32, #tpu.memory_space<vmem>>
      %dma_wait3A_74 = tpu.memref_squeeze %dma_wait3A_73 : memref<1x128xi32, #tpu.memory_space<vmem>> -> memref<128xi32, #tpu.memory_space<vmem>>
      %dma_wait3A_75 = arith.constant 0 : i32
      %dma_wait3A_76 = arith.constant 0 : i32
      %dma_wait3A_77 = tpu.memref_slice %arg2[%dma_wait3A_75, %dma_wait3A_76] : memref<10240x128xf32, #tpu.memory_space<hbm>> -> memref<10240x128xf32, #tpu.memory_space<hbm>>
      tpu.wait_indirect_dma semaphore(%arg10 : memref<!tpu.dma_semaphore, #tpu.memory_space<semaphore_mem>>) src(%dma_wait3A_77 : memref<10240x128xf32, #tpu.memory_space<hbm>>) dst(%arg8 : memref<128x128xf32, #tpu.memory_space<vmem>>)
      %mul3A_78 = arith.constant 2 : i32
      %mul3A_79 = arith.muli %mul3A_78, %add3A_65 : i32
      %add3A_80 = arith.constant 1 : i32
      %add3A_81 = arith.addi %mul3A_79, %add3A_80 : i32
      %dma_start3A_82 = arith.constant 0 : i32
      %dma_start3A_83 = tpu.memref_slice %arg7[%add3A_81, %dma_start3A_82] : memref<80x128xi32, #tpu.memory_space<vmem>> -> memref<1x128xi32, #tpu.memory_space<vmem>>
      %dma_start3A_84 = tpu.memref_squeeze %dma_start3A_83 : memref<1x128xi32, #tpu.memory_space<vmem>> -> memref<128xi32, #tpu.memory_space<vmem>>
      %dma_start3A_85 = arith.constant 0 : i32
      %dma_start3A_86 = arith.constant 0 : i32
      %dma_start3A_87 = tpu.memref_slice %arg6[%dma_start3A_85, %dma_start3A_86] : memref<10240x128xf32, #tpu.memory_space<vmem_shared>> -> memref<10240x128xf32, #tpu.memory_space<vmem_shared>>
      tpu.enqueue_indirect_dma source(%arg8 : memref<128x128xf32, #tpu.memory_space<vmem>>) target(%dma_start3A_87 : memref<10240x128xf32, #tpu.memory_space<vmem_shared>>) offsets(%dma_start3A_84 : memref<128xi32, #tpu.memory_space<vmem>>) semaphore(%arg12 : memref<!tpu.dma_semaphore, #tpu.memory_space<semaphore_mem>>) {add = true}
      %mul3A_88 = arith.constant 2 : i32
      %mul3A_89 = arith.muli %scan3A_61, %mul3A_88 : i32
      %add3A_90 = arith.constant 1 : i32
      %add3A_91 = arith.addi %mul3A_89, %add3A_90 : i32
      %add3A_92 = arith.constant 1 : i32
      %add3A_93 = arith.addi %add3A_91, %add3A_92 : i32
      %lt3A_94 = arith.constant 40 : i32
      %lt3A_95 = arith.cmpi slt, %add3A_93, %lt3A_94 : i32
      %convert_element_type3A_96 = arith.extui %lt3A_95 : i1 to i32
      %cond3A_97 = arith.constant 0 : i32
      %cond3A_98 = arith.cmpi ne, %convert_element_type3A_96, %cond3A_97 : i32
      scf.if %cond3A_98 {
        %ge3A = arith.constant 1 : i32
        %ge3A_117 = arith.cmpi sge, %add3A_91, %ge3A : i32
        %convert_element_type3A_118 = arith.extui %ge3A_117 : i1 to i32
        %cond3A_119 = arith.constant 0 : i32
        %cond3A_120 = arith.cmpi ne, %convert_element_type3A_118, %cond3A_119 : i32
        scf.if %cond3A_120 {
          %sub3A = arith.constant 1 : i32
          %sub3A_131 = arith.subi %add3A_91, %sub3A : i32
          %mul3A_132 = arith.constant 2 : i32
          %mul3A_133 = arith.muli %mul3A_132, %sub3A_131 : i32
          %add3A_134 = arith.constant 1 : i32
          %add3A_135 = arith.addi %mul3A_133, %add3A_134 : i32
          %dma_wait3A_136 = arith.constant 0 : i32
          %dma_wait3A_137 = tpu.memref_slice %arg7[%add3A_135, %dma_wait3A_136] : memref<80x128xi32, #tpu.memory_space<vmem>> -> memref<1x128xi32, #tpu.memory_space<vmem>>
          %dma_wait3A_138 = tpu.memref_squeeze %dma_wait3A_137 : memref<1x128xi32, #tpu.memory_space<vmem>> -> memref<128xi32, #tpu.memory_space<vmem>>
          %dma_wait3A_139 = arith.constant 0 : i32
          %dma_wait3A_140 = arith.constant 0 : i32
          %dma_wait3A_141 = tpu.memref_slice %arg6[%dma_wait3A_139, %dma_wait3A_140] : memref<10240x128xf32, #tpu.memory_space<vmem_shared>> -> memref<10240x128xf32, #tpu.memory_space<vmem_shared>>
          tpu.wait_indirect_dma semaphore(%arg12 : memref<!tpu.dma_semaphore, #tpu.memory_space<semaphore_mem>>) src(%arg8 : memref<128x128xf32, #tpu.memory_space<vmem>>) dst(%dma_wait3A_141 : memref<10240x128xf32, #tpu.memory_space<vmem_shared>>)
        } else {
        }
        %add3A_121 = arith.constant 1 : i32
        %add3A_122 = arith.addi %add3A_91, %add3A_121 : i32
        %mul3A_123 = arith.constant 2 : i32
        %mul3A_124 = arith.muli %mul3A_123, %add3A_122 : i32
        %dma_start3A_125 = arith.constant 0 : i32
        %dma_start3A_126 = tpu.memref_slice %arg7[%mul3A_124, %dma_start3A_125] : memref<80x128xi32, #tpu.memory_space<vmem>> -> memref<1x128xi32, #tpu.memory_space<vmem>>
        %dma_start3A_127 = tpu.memref_squeeze %dma_start3A_126 : memref<1x128xi32, #tpu.memory_space<vmem>> -> memref<128xi32, #tpu.memory_space<vmem>>
        %dma_start3A_128 = arith.constant 0 : i32
        %dma_start3A_129 = arith.constant 0 : i32
        %dma_start3A_130 = tpu.memref_slice %arg2[%dma_start3A_128, %dma_start3A_129] : memref<10240x128xf32, #tpu.memory_space<hbm>> -> memref<10240x128xf32, #tpu.memory_space<hbm>>
        tpu.enqueue_indirect_dma source(%dma_start3A_130 : memref<10240x128xf32, #tpu.memory_space<hbm>>) target(%arg8 : memref<128x128xf32, #tpu.memory_space<vmem>>) offsets(%dma_start3A_127 : memref<128xi32, #tpu.memory_space<vmem>>) semaphore(%arg10 : memref<!tpu.dma_semaphore, #tpu.memory_space<semaphore_mem>>)
      } else {
      }
      %mul3A_99 = arith.constant 2 : i32
      %mul3A_100 = arith.muli %mul3A_99, %add3A_91 : i32
      %dma_wait3A_101 = arith.constant 0 : i32
      %dma_wait3A_102 = tpu.memref_slice %arg7[%mul3A_100, %dma_wait3A_101] : memref<80x128xi32, #tpu.memory_space<vmem>> -> memref<1x128xi32, #tpu.memory_space<vmem>>
      %dma_wait3A_103 = tpu.memref_squeeze %dma_wait3A_102 : memref<1x128xi32, #tpu.memory_space<vmem>> -> memref<128xi32, #tpu.memory_space<vmem>>
      %dma_wait3A_104 = arith.constant 0 : i32
      %dma_wait3A_105 = arith.constant 0 : i32
      %dma_wait3A_106 = tpu.memref_slice %arg2[%dma_wait3A_104, %dma_wait3A_105] : memref<10240x128xf32, #tpu.memory_space<hbm>> -> memref<10240x128xf32, #tpu.memory_space<hbm>>
      tpu.wait_indirect_dma semaphore(%arg11 : memref<!tpu.dma_semaphore, #tpu.memory_space<semaphore_mem>>) src(%dma_wait3A_106 : memref<10240x128xf32, #tpu.memory_space<hbm>>) dst(%arg9 : memref<128x128xf32, #tpu.memory_space<vmem>>)
      %mul3A_107 = arith.constant 2 : i32
      %mul3A_108 = arith.muli %mul3A_107, %add3A_91 : i32
      %add3A_109 = arith.constant 1 : i32
      %add3A_110 = arith.addi %mul3A_108, %add3A_109 : i32
      %dma_start3A_111 = arith.constant 0 : i32
      %dma_start3A_112 = tpu.memref_slice %arg7[%add3A_110, %dma_start3A_111] : memref<80x128xi32, #tpu.memory_space<vmem>> -> memref<1x128xi32, #tpu.memory_space<vmem>>
      %dma_start3A_113 = tpu.memref_squeeze %dma_start3A_112 : memref<1x128xi32, #tpu.memory_space<vmem>> -> memref<128xi32, #tpu.memory_space<vmem>>
      %dma_start3A_114 = arith.constant 0 : i32
      %dma_start3A_115 = arith.constant 0 : i32
      %dma_start3A_116 = tpu.memref_slice %arg6[%dma_start3A_114, %dma_start3A_115] : memref<10240x128xf32, #tpu.memory_space<vmem_shared>> -> memref<10240x128xf32, #tpu.memory_space<vmem_shared>>
      tpu.enqueue_indirect_dma source(%arg9 : memref<128x128xf32, #tpu.memory_space<vmem>>) target(%dma_start3A_116 : memref<10240x128xf32, #tpu.memory_space<vmem_shared>>) offsets(%dma_start3A_113 : memref<128xi32, #tpu.memory_space<vmem>>) semaphore(%arg13 : memref<!tpu.dma_semaphore, #tpu.memory_space<semaphore_mem>>) {add = true}
    }
    %scan3A_15 = arith.constant 20 : i32
    %dma_wait3A = arith.constant 77 : i32
    %dma_wait3A_16 = arith.constant 0 : i32
    %dma_wait3A_17 = tpu.memref_slice %arg7[%dma_wait3A, %dma_wait3A_16] : memref<80x128xi32, #tpu.memory_space<vmem>> -> memref<1x128xi32, #tpu.memory_space<vmem>>
    %dma_wait3A_18 = tpu.memref_squeeze %dma_wait3A_17 : memref<1x128xi32, #tpu.memory_space<vmem>> -> memref<128xi32, #tpu.memory_space<vmem>>
    %dma_wait3A_19 = arith.constant 0 : i32
    %dma_wait3A_20 = arith.constant 0 : i32
    %dma_wait3A_21 = tpu.memref_slice %arg6[%dma_wait3A_19, %dma_wait3A_20] : memref<10240x128xf32, #tpu.memory_space<vmem_shared>> -> memref<10240x128xf32, #tpu.memory_space<vmem_shared>>
    tpu.wait_indirect_dma semaphore(%arg12 : memref<!tpu.dma_semaphore, #tpu.memory_space<semaphore_mem>>) src(%arg8 : memref<128x128xf32, #tpu.memory_space<vmem>>) dst(%dma_wait3A_21 : memref<10240x128xf32, #tpu.memory_space<vmem_shared>>)
    %dma_wait3A_22 = arith.constant 79 : i32
    %dma_wait3A_23 = arith.constant 0 : i32
    %dma_wait3A_24 = tpu.memref_slice %arg7[%dma_wait3A_22, %dma_wait3A_23] : memref<80x128xi32, #tpu.memory_space<vmem>> -> memref<1x128xi32, #tpu.memory_space<vmem>>
    %dma_wait3A_25 = tpu.memref_squeeze %dma_wait3A_24 : memref<1x128xi32, #tpu.memory_space<vmem>> -> memref<128xi32, #tpu.memory_space<vmem>>
    %dma_wait3A_26 = arith.constant 0 : i32
    %dma_wait3A_27 = arith.constant 0 : i32
    %dma_wait3A_28 = tpu.memref_slice %arg6[%dma_wait3A_26, %dma_wait3A_27] : memref<10240x128xf32, #tpu.memory_space<vmem_shared>> -> memref<10240x128xf32, #tpu.memory_space<vmem_shared>>
    tpu.wait_indirect_dma semaphore(%arg13 : memref<!tpu.dma_semaphore, #tpu.memory_space<semaphore_mem>>) src(%arg9 : memref<128x128xf32, #tpu.memory_space<vmem>>) dst(%dma_wait3A_28 : memref<10240x128xf32, #tpu.memory_space<vmem_shared>>)
    "tpu.region"() ({
      %run_scoped3A = tpu.sem_alloc : memref<!tpu.dma_semaphore, #tpu.memory_space<semaphore_mem>>
      %dma_start3A_61 = arith.constant 80 : i32
      %dma_start3A_62 = arith.constant 0 : i32
      %dma_start3A_63 = tpu.memref_slice %arg3[%add3A, %dma_start3A_61, %dma_start3A_62] : memref<32x160x128xi32, #tpu.memory_space<hbm>> -> memref<1x80x128xi32, #tpu.memory_space<hbm>>
      %dma_start3A_64 = tpu.memref_squeeze %dma_start3A_63 : memref<1x80x128xi32, #tpu.memory_space<hbm>> -> memref<80x128xi32, #tpu.memory_space<hbm>>
      %dma_start3A_65 = arith.constant 80 : i32
      %dma_start3A_66 = arith.constant 0 : i32
      %dma_start3A_67 = tpu.memref_slice %arg3[%add3A, %dma_start3A_65, %dma_start3A_66] : memref<32x160x128xi32, #tpu.memory_space<hbm>> -> memref<1x80x128xi32, #tpu.memory_space<hbm>>
      %dma_start3A_68 = tpu.memref_squeeze %dma_start3A_67 : memref<1x80x128xi32, #tpu.memory_space<hbm>> -> memref<80x128xi32, #tpu.memory_space<hbm>>
      tpu.enqueue_dma source(%dma_start3A_68 : memref<80x128xi32, #tpu.memory_space<hbm>>) target(%arg7 : memref<80x128xi32, #tpu.memory_space<vmem>>) target_semaphore(%run_scoped3A : memref<!tpu.dma_semaphore, #tpu.memory_space<semaphore_mem>>)
      %dma_wait3A_69 = arith.constant 80 : i32
      %dma_wait3A_70 = arith.constant 0 : i32
      %dma_wait3A_71 = tpu.memref_slice %arg3[%add3A, %dma_wait3A_69, %dma_wait3A_70] : memref<32x160x128xi32, #tpu.memory_space<hbm>> -> memref<1x80x128xi32, #tpu.memory_space<hbm>>
      %dma_wait3A_72 = tpu.memref_squeeze %dma_wait3A_71 : memref<1x80x128xi32, #tpu.memory_space<hbm>> -> memref<80x128xi32, #tpu.memory_space<hbm>>
      %dma_wait3A_73 = arith.constant 80 : i32
      %dma_wait3A_74 = arith.constant 0 : i32
      %dma_wait3A_75 = tpu.memref_slice %arg3[%add3A, %dma_wait3A_73, %dma_wait3A_74] : memref<32x160x128xi32, #tpu.memory_space<hbm>> -> memref<1x80x128xi32, #tpu.memory_space<hbm>>
      %dma_wait3A_76 = tpu.memref_squeeze %dma_wait3A_75 : memref<1x80x128xi32, #tpu.memory_space<hbm>> -> memref<80x128xi32, #tpu.memory_space<hbm>>
      tpu.wait_dma2 semaphore(%run_scoped3A : memref<!tpu.dma_semaphore, #tpu.memory_space<semaphore_mem>>) src(%dma_wait3A_76 : memref<80x128xi32, #tpu.memory_space<hbm>>) dst(%arg7 : memref<80x128xi32, #tpu.memory_space<vmem>>)
      tpu.yield
    }) : () -> ()
    %dma_start3A_29 = arith.constant 0 : i32
    %dma_start3A_30 = arith.constant 0 : i32
    %dma_start3A_31 = tpu.memref_slice %arg7[%dma_start3A_29, %dma_start3A_30] : memref<80x128xi32, #tpu.memory_space<vmem>> -> memref<1x128xi32, #tpu.memory_space<vmem>>
    %dma_start3A_32 = tpu.memref_squeeze %dma_start3A_31 : memref<1x128xi32, #tpu.memory_space<vmem>> -> memref<128xi32, #tpu.memory_space<vmem>>
    %dma_start3A_33 = arith.constant 0 : i32
    %dma_start3A_34 = arith.constant 0 : i32
    %dma_start3A_35 = tpu.memref_slice %arg2[%dma_start3A_33, %dma_start3A_34] : memref<10240x128xf32, #tpu.memory_space<hbm>> -> memref<10240x128xf32, #tpu.memory_space<hbm>>
    tpu.enqueue_indirect_dma source(%dma_start3A_35 : memref<10240x128xf32, #tpu.memory_space<hbm>>) target(%arg8 : memref<128x128xf32, #tpu.memory_space<vmem>>) offsets(%dma_start3A_32 : memref<128xi32, #tpu.memory_space<vmem>>) semaphore(%arg10 : memref<!tpu.dma_semaphore, #tpu.memory_space<semaphore_mem>>)
    %scan3A_36 = arith.constant 0 : i32
    %scan3A_37 = arith.constant 0 : i32
    %scan3A_38 = arith.constant 20 : i32
    %scan3A_39 = arith.addi %scan3A_37, %scan3A_38 : i32
    %scan3A_40 = arith.constant 1 : i32
    scf.for %scan3A_61 = %scan3A_37 to %scan3A_39 step %scan3A_40  : i32 {
      %mul3A_62 = arith.constant 2 : i32
      %mul3A_63 = arith.muli %scan3A_61, %mul3A_62 : i32
      %add3A_64 = arith.constant 0 : i32
      %add3A_65 = arith.addi %mul3A_63, %add3A_64 : i32
      %add3A_66 = arith.constant 1 : i32
      %add3A_67 = arith.addi %add3A_65, %add3A_66 : i32
      %lt3A = arith.constant 40 : i32
      %lt3A_68 = arith.cmpi slt, %add3A_67, %lt3A : i32
      %convert_element_type3A = arith.extui %lt3A_68 : i1 to i32
      %cond3A = arith.constant 0 : i32
      %cond3A_69 = arith.cmpi ne, %convert_element_type3A, %cond3A : i32
      scf.if %cond3A_69 {
        %ge3A = arith.constant 1 : i32
        %ge3A_117 = arith.cmpi sge, %add3A_65, %ge3A : i32
        %convert_element_type3A_118 = arith.extui %ge3A_117 : i1 to i32
        %cond3A_119 = arith.constant 0 : i32
        %cond3A_120 = arith.cmpi ne, %convert_element_type3A_118, %cond3A_119 : i32
        scf.if %cond3A_120 {
          %sub3A = arith.constant 1 : i32
          %sub3A_131 = arith.subi %add3A_65, %sub3A : i32
          %mul3A_132 = arith.constant 2 : i32
          %mul3A_133 = arith.muli %mul3A_132, %sub3A_131 : i32
          %add3A_134 = arith.constant 1 : i32
          %add3A_135 = arith.addi %mul3A_133, %add3A_134 : i32
          %dma_wait3A_136 = arith.constant 0 : i32
          %dma_wait3A_137 = tpu.memref_slice %arg7[%add3A_135, %dma_wait3A_136] : memref<80x128xi32, #tpu.memory_space<vmem>> -> memref<1x128xi32, #tpu.memory_space<vmem>>
          %dma_wait3A_138 = tpu.memref_squeeze %dma_wait3A_137 : memref<1x128xi32, #tpu.memory_space<vmem>> -> memref<128xi32, #tpu.memory_space<vmem>>
          %dma_wait3A_139 = arith.constant 0 : i32
          %dma_wait3A_140 = arith.constant 0 : i32
          %dma_wait3A_141 = tpu.memref_slice %arg6[%dma_wait3A_139, %dma_wait3A_140] : memref<10240x128xf32, #tpu.memory_space<vmem_shared>> -> memref<10240x128xf32, #tpu.memory_space<vmem_shared>>
          tpu.wait_indirect_dma semaphore(%arg13 : memref<!tpu.dma_semaphore, #tpu.memory_space<semaphore_mem>>) src(%arg9 : memref<128x128xf32, #tpu.memory_space<vmem>>) dst(%dma_wait3A_141 : memref<10240x128xf32, #tpu.memory_space<vmem_shared>>)
        } else {
        }
        %add3A_121 = arith.constant 1 : i32
        %add3A_122 = arith.addi %add3A_65, %add3A_121 : i32
        %mul3A_123 = arith.constant 2 : i32
        %mul3A_124 = arith.muli %mul3A_123, %add3A_122 : i32
        %dma_start3A_125 = arith.constant 0 : i32
        %dma_start3A_126 = tpu.memref_slice %arg7[%mul3A_124, %dma_start3A_125] : memref<80x128xi32, #tpu.memory_space<vmem>> -> memref<1x128xi32, #tpu.memory_space<vmem>>
        %dma_start3A_127 = tpu.memref_squeeze %dma_start3A_126 : memref<1x128xi32, #tpu.memory_space<vmem>> -> memref<128xi32, #tpu.memory_space<vmem>>
        %dma_start3A_128 = arith.constant 0 : i32
        %dma_start3A_129 = arith.constant 0 : i32
        %dma_start3A_130 = tpu.memref_slice %arg2[%dma_start3A_128, %dma_start3A_129] : memref<10240x128xf32, #tpu.memory_space<hbm>> -> memref<10240x128xf32, #tpu.memory_space<hbm>>
        tpu.enqueue_indirect_dma source(%dma_start3A_130 : memref<10240x128xf32, #tpu.memory_space<hbm>>) target(%arg9 : memref<128x128xf32, #tpu.memory_space<vmem>>) offsets(%dma_start3A_127 : memref<128xi32, #tpu.memory_space<vmem>>) semaphore(%arg11 : memref<!tpu.dma_semaphore, #tpu.memory_space<semaphore_mem>>)
      } else {
      }
      %mul3A_70 = arith.constant 2 : i32
      %mul3A_71 = arith.muli %mul3A_70, %add3A_65 : i32
      %dma_wait3A_72 = arith.constant 0 : i32
      %dma_wait3A_73 = tpu.memref_slice %arg7[%mul3A_71, %dma_wait3A_72] : memref<80x128xi32, #tpu.memory_space<vmem>> -> memref<1x128xi32, #tpu.memory_space<vmem>>
      %dma_wait3A_74 = tpu.memref_squeeze %dma_wait3A_73 : memref<1x128xi32, #tpu.memory_space<vmem>> -> memref<128xi32, #tpu.memory_space<vmem>>
      %dma_wait3A_75 = arith.constant 0 : i32
      %dma_wait3A_76 = arith.constant 0 : i32
      %dma_wait3A_77 = tpu.memref_slice %arg2[%dma_wait3A_75, %dma_wait3A_76] : memref<10240x128xf32, #tpu.memory_space<hbm>> -> memref<10240x128xf32, #tpu.memory_space<hbm>>
      tpu.wait_indirect_dma semaphore(%arg10 : memref<!tpu.dma_semaphore, #tpu.memory_space<semaphore_mem>>) src(%dma_wait3A_77 : memref<10240x128xf32, #tpu.memory_space<hbm>>) dst(%arg8 : memref<128x128xf32, #tpu.memory_space<vmem>>)
      %mul3A_78 = arith.constant 2 : i32
      %mul3A_79 = arith.muli %mul3A_78, %add3A_65 : i32
      %add3A_80 = arith.constant 1 : i32
      %add3A_81 = arith.addi %mul3A_79, %add3A_80 : i32
      %dma_start3A_82 = arith.constant 0 : i32
      %dma_start3A_83 = tpu.memref_slice %arg7[%add3A_81, %dma_start3A_82] : memref<80x128xi32, #tpu.memory_space<vmem>> -> memref<1x128xi32, #tpu.memory_space<vmem>>
      %dma_start3A_84 = tpu.memref_squeeze %dma_start3A_83 : memref<1x128xi32, #tpu.memory_space<vmem>> -> memref<128xi32, #tpu.memory_space<vmem>>
      %dma_start3A_85 = arith.constant 0 : i32
      %dma_start3A_86 = arith.constant 0 : i32
      %dma_start3A_87 = tpu.memref_slice %arg6[%dma_start3A_85, %dma_start3A_86] : memref<10240x128xf32, #tpu.memory_space<vmem_shared>> -> memref<10240x128xf32, #tpu.memory_space<vmem_shared>>
      tpu.enqueue_indirect_dma source(%arg8 : memref<128x128xf32, #tpu.memory_space<vmem>>) target(%dma_start3A_87 : memref<10240x128xf32, #tpu.memory_space<vmem_shared>>) offsets(%dma_start3A_84 : memref<128xi32, #tpu.memory_space<vmem>>) semaphore(%arg12 : memref<!tpu.dma_semaphore, #tpu.memory_space<semaphore_mem>>) {add = true}
      %mul3A_88 = arith.constant 2 : i32
      %mul3A_89 = arith.muli %scan3A_61, %mul3A_88 : i32
      %add3A_90 = arith.constant 1 : i32
      %add3A_91 = arith.addi %mul3A_89, %add3A_90 : i32
      %add3A_92 = arith.constant 1 : i32
      %add3A_93 = arith.addi %add3A_91, %add3A_92 : i32
      %lt3A_94 = arith.constant 40 : i32
      %lt3A_95 = arith.cmpi slt, %add3A_93, %lt3A_94 : i32
      %convert_element_type3A_96 = arith.extui %lt3A_95 : i1 to i32
      %cond3A_97 = arith.constant 0 : i32
      %cond3A_98 = arith.cmpi ne, %convert_element_type3A_96, %cond3A_97 : i32
      scf.if %cond3A_98 {
        %ge3A = arith.constant 1 : i32
        %ge3A_117 = arith.cmpi sge, %add3A_91, %ge3A : i32
        %convert_element_type3A_118 = arith.extui %ge3A_117 : i1 to i32
        %cond3A_119 = arith.constant 0 : i32
        %cond3A_120 = arith.cmpi ne, %convert_element_type3A_118, %cond3A_119 : i32
        scf.if %cond3A_120 {
          %sub3A = arith.constant 1 : i32
          %sub3A_131 = arith.subi %add3A_91, %sub3A : i32
          %mul3A_132 = arith.constant 2 : i32
          %mul3A_133 = arith.muli %mul3A_132, %sub3A_131 : i32
          %add3A_134 = arith.constant 1 : i32
          %add3A_135 = arith.addi %mul3A_133, %add3A_134 : i32
          %dma_wait3A_136 = arith.constant 0 : i32
          %dma_wait3A_137 = tpu.memref_slice %arg7[%add3A_135, %dma_wait3A_136] : memref<80x128xi32, #tpu.memory_space<vmem>> -> memref<1x128xi32, #tpu.memory_space<vmem>>
          %dma_wait3A_138 = tpu.memref_squeeze %dma_wait3A_137 : memref<1x128xi32, #tpu.memory_space<vmem>> -> memref<128xi32, #tpu.memory_space<vmem>>
          %dma_wait3A_139 = arith.constant 0 : i32
          %dma_wait3A_140 = arith.constant 0 : i32
          %dma_wait3A_141 = tpu.memref_slice %arg6[%dma_wait3A_139, %dma_wait3A_140] : memref<10240x128xf32, #tpu.memory_space<vmem_shared>> -> memref<10240x128xf32, #tpu.memory_space<vmem_shared>>
          tpu.wait_indirect_dma semaphore(%arg12 : memref<!tpu.dma_semaphore, #tpu.memory_space<semaphore_mem>>) src(%arg8 : memref<128x128xf32, #tpu.memory_space<vmem>>) dst(%dma_wait3A_141 : memref<10240x128xf32, #tpu.memory_space<vmem_shared>>)
        } else {
        }
        %add3A_121 = arith.constant 1 : i32
        %add3A_122 = arith.addi %add3A_91, %add3A_121 : i32
        %mul3A_123 = arith.constant 2 : i32
        %mul3A_124 = arith.muli %mul3A_123, %add3A_122 : i32
        %dma_start3A_125 = arith.constant 0 : i32
        %dma_start3A_126 = tpu.memref_slice %arg7[%mul3A_124, %dma_start3A_125] : memref<80x128xi32, #tpu.memory_space<vmem>> -> memref<1x128xi32, #tpu.memory_space<vmem>>
        %dma_start3A_127 = tpu.memref_squeeze %dma_start3A_126 : memref<1x128xi32, #tpu.memory_space<vmem>> -> memref<128xi32, #tpu.memory_space<vmem>>
        %dma_start3A_128 = arith.constant 0 : i32
        %dma_start3A_129 = arith.constant 0 : i32
        %dma_start3A_130 = tpu.memref_slice %arg2[%dma_start3A_128, %dma_start3A_129] : memref<10240x128xf32, #tpu.memory_space<hbm>> -> memref<10240x128xf32, #tpu.memory_space<hbm>>
        tpu.enqueue_indirect_dma source(%dma_start3A_130 : memref<10240x128xf32, #tpu.memory_space<hbm>>) target(%arg8 : memref<128x128xf32, #tpu.memory_space<vmem>>) offsets(%dma_start3A_127 : memref<128xi32, #tpu.memory_space<vmem>>) semaphore(%arg10 : memref<!tpu.dma_semaphore, #tpu.memory_space<semaphore_mem>>)
      } else {
      }
      %mul3A_99 = arith.constant 2 : i32
      %mul3A_100 = arith.muli %mul3A_99, %add3A_91 : i32
      %dma_wait3A_101 = arith.constant 0 : i32
      %dma_wait3A_102 = tpu.memref_slice %arg7[%mul3A_100, %dma_wait3A_101] : memref<80x128xi32, #tpu.memory_space<vmem>> -> memref<1x128xi32, #tpu.memory_space<vmem>>
      %dma_wait3A_103 = tpu.memref_squeeze %dma_wait3A_102 : memref<1x128xi32, #tpu.memory_space<vmem>> -> memref<128xi32, #tpu.memory_space<vmem>>
      %dma_wait3A_104 = arith.constant 0 : i32
      %dma_wait3A_105 = arith.constant 0 : i32
      %dma_wait3A_106 = tpu.memref_slice %arg2[%dma_wait3A_104, %dma_wait3A_105] : memref<10240x128xf32, #tpu.memory_space<hbm>> -> memref<10240x128xf32, #tpu.memory_space<hbm>>
      tpu.wait_indirect_dma semaphore(%arg11 : memref<!tpu.dma_semaphore, #tpu.memory_space<semaphore_mem>>) src(%dma_wait3A_106 : memref<10240x128xf32, #tpu.memory_space<hbm>>) dst(%arg9 : memref<128x128xf32, #tpu.memory_space<vmem>>)
      %mul3A_107 = arith.constant 2 : i32
      %mul3A_108 = arith.muli %mul3A_107, %add3A_91 : i32
      %add3A_109 = arith.constant 1 : i32
      %add3A_110 = arith.addi %mul3A_108, %add3A_109 : i32
      %dma_start3A_111 = arith.constant 0 : i32
      %dma_start3A_112 = tpu.memref_slice %arg7[%add3A_110, %dma_start3A_111] : memref<80x128xi32, #tpu.memory_space<vmem>> -> memref<1x128xi32, #tpu.memory_space<vmem>>
      %dma_start3A_113 = tpu.memref_squeeze %dma_start3A_112 : memref<1x128xi32, #tpu.memory_space<vmem>> -> memref<128xi32, #tpu.memory_space<vmem>>
      %dma_start3A_114 = arith.constant 0 : i32
      %dma_start3A_115 = arith.constant 0 : i32
      %dma_start3A_116 = tpu.memref_slice %arg6[%dma_start3A_114, %dma_start3A_115] : memref<10240x128xf32, #tpu.memory_space<vmem_shared>> -> memref<10240x128xf32, #tpu.memory_space<vmem_shared>>
      tpu.enqueue_indirect_dma source(%arg9 : memref<128x128xf32, #tpu.memory_space<vmem>>) target(%dma_start3A_116 : memref<10240x128xf32, #tpu.memory_space<vmem_shared>>) offsets(%dma_start3A_113 : memref<128xi32, #tpu.memory_space<vmem>>) semaphore(%arg13 : memref<!tpu.dma_semaphore, #tpu.memory_space<semaphore_mem>>) {add = true}
    }
    %scan3A_41 = arith.constant 20 : i32
    %dma_wait3A_42 = arith.constant 77 : i32
    %dma_wait3A_43 = arith.constant 0 : i32
    %dma_wait3A_44 = tpu.memref_slice %arg7[%dma_wait3A_42, %dma_wait3A_43] : memref<80x128xi32, #tpu.memory_space<vmem>> -> memref<1x128xi32, #tpu.memory_space<vmem>>
    %dma_wait3A_45 = tpu.memref_squeeze %dma_wait3A_44 : memref<1x128xi32, #tpu.memory_space<vmem>> -> memref<128xi32, #tpu.memory_space<vmem>>
    %dma_wait3A_46 = arith.constant 0 : i32
    %dma_wait3A_47 = arith.constant 0 : i32
    %dma_wait3A_48 = tpu.memref_slice %arg6[%dma_wait3A_46, %dma_wait3A_47] : memref<10240x128xf32, #tpu.memory_space<vmem_shared>> -> memref<10240x128xf32, #tpu.memory_space<vmem_shared>>
    tpu.wait_indirect_dma semaphore(%arg12 : memref<!tpu.dma_semaphore, #tpu.memory_space<semaphore_mem>>) src(%arg8 : memref<128x128xf32, #tpu.memory_space<vmem>>) dst(%dma_wait3A_48 : memref<10240x128xf32, #tpu.memory_space<vmem_shared>>)
    %dma_wait3A_49 = arith.constant 79 : i32
    %dma_wait3A_50 = arith.constant 0 : i32
    %dma_wait3A_51 = tpu.memref_slice %arg7[%dma_wait3A_49, %dma_wait3A_50] : memref<80x128xi32, #tpu.memory_space<vmem>> -> memref<1x128xi32, #tpu.memory_space<vmem>>
    %dma_wait3A_52 = tpu.memref_squeeze %dma_wait3A_51 : memref<1x128xi32, #tpu.memory_space<vmem>> -> memref<128xi32, #tpu.memory_space<vmem>>
    %dma_wait3A_53 = arith.constant 0 : i32
    %dma_wait3A_54 = arith.constant 0 : i32
    %dma_wait3A_55 = tpu.memref_slice %arg6[%dma_wait3A_53, %dma_wait3A_54] : memref<10240x128xf32, #tpu.memory_space<vmem_shared>> -> memref<10240x128xf32, #tpu.memory_space<vmem_shared>>
    tpu.wait_indirect_dma semaphore(%arg13 : memref<!tpu.dma_semaphore, #tpu.memory_space<semaphore_mem>>) src(%arg9 : memref<128x128xf32, #tpu.memory_space<vmem>>) dst(%dma_wait3A_55 : memref<10240x128xf32, #tpu.memory_space<vmem_shared>>)
    %barrier3A_56 = arith.constant 0 : index
    tpu.barrier barrier_id(%barrier3A_56)
    %mul3A_57 = arith.constant 640 : i32
    %mul3A_58 = arith.muli %arg1, %mul3A_57 : i32
    %mul3A_59 = arith.constant 640 : i32
    %mul3A_60 = arith.muli %arg1, %mul3A_59 : i32
    "tpu.region"() ({
      %run_scoped3A = tpu.sem_alloc : memref<!tpu.dma_semaphore, #tpu.memory_space<semaphore_mem>>
      %dma_start3A_61 = arith.constant 0 : i32
      %dma_start3A_62 = tpu.memref_slice %arg5[%arg0, %mul3A_60, %dma_start3A_61] : memref<2x10240x128xf32, #tpu.memory_space<hbm>> -> memref<1x640x128xf32, #tpu.memory_space<hbm>>
      %dma_start3A_63 = tpu.memref_squeeze %dma_start3A_62 : memref<1x640x128xf32, #tpu.memory_space<hbm>> -> memref<640x128xf32, #tpu.memory_space<hbm>>
      %dma_start3A_64 = arith.constant 0 : i32
      %dma_start3A_65 = tpu.memref_slice %arg6[%mul3A_58, %dma_start3A_64] : memref<10240x128xf32, #tpu.memory_space<vmem_shared>> -> memref<640x128xf32, #tpu.memory_space<vmem_shared>>
      tpu.enqueue_dma source(%dma_start3A_65 : memref<640x128xf32, #tpu.memory_space<vmem_shared>>) target(%dma_start3A_63 : memref<640x128xf32, #tpu.memory_space<hbm>>) target_semaphore(%run_scoped3A : memref<!tpu.dma_semaphore, #tpu.memory_space<semaphore_mem>>)
      %dma_wait3A_66 = arith.constant 0 : i32
      %dma_wait3A_67 = tpu.memref_slice %arg5[%arg0, %mul3A_60, %dma_wait3A_66] : memref<2x10240x128xf32, #tpu.memory_space<hbm>> -> memref<1x640x128xf32, #tpu.memory_space<hbm>>
      %dma_wait3A_68 = tpu.memref_squeeze %dma_wait3A_67 : memref<1x640x128xf32, #tpu.memory_space<hbm>> -> memref<640x128xf32, #tpu.memory_space<hbm>>
      %dma_wait3A_69 = arith.constant 0 : i32
      %dma_wait3A_70 = tpu.memref_slice %arg6[%mul3A_58, %dma_wait3A_69] : memref<10240x128xf32, #tpu.memory_space<vmem_shared>> -> memref<640x128xf32, #tpu.memory_space<vmem_shared>>
      tpu.wait_dma2 semaphore(%run_scoped3A : memref<!tpu.dma_semaphore, #tpu.memory_space<semaphore_mem>>) src(%dma_wait3A_70 : memref<640x128xf32, #tpu.memory_space<vmem_shared>>) dst(%dma_wait3A_68 : memref<640x128xf32, #tpu.memory_space<hbm>>)
      tpu.yield
    }) : () -> ()
    return
  }
}

module attributes {stable_mosaic.version = 14 : i64} {
  func.func @_k0_body(%arg0: i32, %arg1: memref<2048x128xf32, #tpu.memory_space<vmem>>, %arg2: memref<128x128xf32, #tpu.memory_space<vmem>>, %arg3: memref<2048x16xf32, #tpu.memory_space<vmem>>, %arg4: memref<2048x16xf32, #tpu.memory_space<vmem>>, %arg5: memref<2048x16xf32, #tpu.memory_space<vmem>>, %arg6: memref<2048x128xf32, #tpu.memory_space<vmem>>, %arg7: memref<2048x16xf32, #tpu.memory_space<vmem>>) attributes {dimension_semantics = [#tpu.dimension_semantics<arbitrary>], iteration_bounds = array<i64: 5>, scalar_prefetch = 0 : i64, scratch_operands = 0 : i64, tpu.core_type = #tpu.core_type<tc>, window_params = [{transform_indices = @transform_0, window_bounds = array<i64: 2048, 128>}, {pipeline_mode = #tpu.pipeline_mode<synchronous>, transform_indices = @transform_1, window_bounds = array<i64: 128, 128>}, {transform_indices = @transform_2, window_bounds = array<i64: 2048, 16>}, {transform_indices = @transform_3, window_bounds = array<i64: 2048, 16>}, {transform_indices = @transform_4, window_bounds = array<i64: 2048, 16>}, {transform_indices = @transform_5, window_bounds = array<i64: 2048, 128>}, {transform_indices = @transform_6, window_bounds = array<i64: 2048, 16>}]} {
    %get3A = arith.constant 0 : index
    %get3A_0 = arith.constant 0 : index
    %get3A_1 = vector.load %arg3[%get3A, %get3A_0] : memref<2048x16xf32, #tpu.memory_space<vmem>>, vector<2048x16xf32>
    %get3A_2 = arith.constant 0 : index
    %get3A_3 = arith.constant 0 : index
    %get3A_4 = vector.load %arg4[%get3A_2, %get3A_3] : memref<2048x16xf32, #tpu.memory_space<vmem>>, vector<2048x16xf32>
    %add3A = arith.addf %get3A_1, %get3A_4 : vector<2048x16xf32>
    %add3A_5 = arith.constant 1.000000e+00 : f32
    %add3A_6 = vector.broadcast %add3A_5 : f32 to vector<2048x16xf32>
    %add3A_7 = arith.addf %add3A, %add3A_6 : vector<2048x16xf32>
    %get3A_8 = arith.constant 0 : index
    %get3A_9 = arith.constant 0 : index
    %get3A_10 = vector.load %arg5[%get3A_8, %get3A_9] : memref<2048x16xf32, #tpu.memory_space<vmem>>, vector<2048x16xf32>
    %sub3A = arith.subf %add3A_7, %get3A_10 : vector<2048x16xf32>
    %rsqrt3A = math.rsqrt %sub3A : vector<2048x16xf32>
    %swap3A = arith.constant 0 : index
    %swap3A_11 = arith.constant 0 : index
    %swap3A_12 = vector.load %arg7[%swap3A, %swap3A_11] : memref<2048x16xf32, #tpu.memory_space<vmem>>, vector<2048x16xf32>
    tpu.vector_store %arg7[%swap3A, %swap3A_11], %rsqrt3A {strides = array<i32>} : memref<2048x16xf32, #tpu.memory_space<vmem>>, vector<2048x16xf32>,
    %get3A_13 = arith.constant 0 : index
    %get3A_14 = arith.constant 0 : index
    %get3A_15 = vector.load %arg1[%get3A_13, %get3A_14] : memref<2048x128xf32, #tpu.memory_space<vmem>>, vector<2048x128xf32>
    %get3A_16 = arith.constant 0 : index
    %get3A_17 = arith.constant 0 : index
    %get3A_18 = vector.load %arg2[%get3A_16, %get3A_17] : memref<128x128xf32, #tpu.memory_space<vmem>>, vector<128x128xf32>
    %dot_general3A = arith.constant dense<0.000000e+00> : vector<2048x128xf32>
    %dot_general3A_19 = tpu.matmul %get3A_15, %get3A_18, %dot_general3A {dimension_numbers = #tpu.dot_dimension_numbers<[1], [0], [0], [1], [0, 0, 1, 1], [], []>, precision = #tpu.contract_precision<fp32>, transpose_lhs_hint = false} : vector<2048x128xf32>, vector<128x128xf32>, vector<2048x128xf32> -> vector<2048x128xf32>
    %iota3A = tpu.iota {dimensions = array<i32: 0>} : vector<2048x1xi32>
    %mul3A = arith.constant 2048 : i32
    %mul3A_20 = arith.muli %arg0, %mul3A : i32
    %add3A_21 = vector.broadcast %mul3A_20 : i32 to vector<2048x1xi32>
    %add3A_22 = arith.addi %iota3A, %add3A_21 : vector<2048x1xi32>
    %lt3A = arith.constant 10000 : i32
    %lt3A_23 = vector.broadcast %lt3A : i32 to vector<2048x1xi32>
    %lt3A_24 = arith.cmpi slt, %add3A_22, %lt3A_23 : vector<2048x1xi32>
    %slice3A = vector.extract_strided_slice %rsqrt3A {offsets = [0, 0], sizes = [2048, 1], strides = [1, 1]} : vector<2048x16xf32> to vector<2048x1xf32>
    %mul3A_25 = vector.broadcast %slice3A : vector<2048x1xf32> to vector<2048x128xf32>
    %mul3A_26 = arith.mulf %dot_general3A_19, %mul3A_25 : vector<2048x128xf32>
    %jit3A = arith.constant 0.000000e+00 : f32
    %broadcast_in_dim3A = vector.shape_cast %lt3A_24 : vector<2048x1xi1> to vector<2048x1xi1>
    %broadcast_in_dim3A_27 = vector.broadcast %broadcast_in_dim3A : vector<2048x1xi1> to vector<2048x128xi1>
    %broadcast_in_dim3A_28 = vector.broadcast %jit3A : f32 to vector<2048x128xf32>
    %select_n3A = arith.select %broadcast_in_dim3A_27, %mul3A_26, %broadcast_in_dim3A_28 : vector<2048x128xi1>, vector<2048x128xf32>
    %swap3A_29 = arith.constant 0 : index
    %swap3A_30 = arith.constant 0 : index
    %swap3A_31 = vector.load %arg6[%swap3A_29, %swap3A_30] : memref<2048x128xf32, #tpu.memory_space<vmem>>, vector<2048x128xf32>
    tpu.vector_store %arg6[%swap3A_29, %swap3A_30], %select_n3A {strides = array<i32>} : memref<2048x128xf32, #tpu.memory_space<vmem>>, vector<2048x128xf32>,
    return
  }
  func.func @transform_0(%arg0: i32) -> (i32, i32) {
    %c0_i32 = arith.constant 0 : i32
    %c0_i32_0 = arith.constant 0 : i32
    return %arg0, %c0_i32 : i32, i32
  }
  func.func @transform_1(%arg0: i32) -> (i32, i32) {
    %c0_i32 = arith.constant 0 : i32
    %c0_i32_0 = arith.constant 0 : i32
    %c0_i32_1 = arith.constant 0 : i32
    return %c0_i32, %c0_i32_0 : i32, i32
  }
  func.func @transform_2(%arg0: i32) -> (i32, i32) {
    %c0_i32 = arith.constant 0 : i32
    %c0_i32_0 = arith.constant 0 : i32
    return %arg0, %c0_i32 : i32, i32
  }
  func.func @transform_3(%arg0: i32) -> (i32, i32) {
    %c0_i32 = arith.constant 0 : i32
    %c0_i32_0 = arith.constant 0 : i32
    return %arg0, %c0_i32 : i32, i32
  }
  func.func @transform_4(%arg0: i32) -> (i32, i32) {
    %c0_i32 = arith.constant 0 : i32
    %c0_i32_0 = arith.constant 0 : i32
    return %arg0, %c0_i32 : i32, i32
  }
  func.func @transform_5(%arg0: i32) -> (i32, i32) {
    %c0_i32 = arith.constant 0 : i32
    %c0_i32_0 = arith.constant 0 : i32
    return %arg0, %c0_i32 : i32, i32
  }
  func.func @transform_6(%arg0: i32) -> (i32, i32) {
    %c0_i32 = arith.constant 0 : i32
    %c0_i32_0 = arith.constant 0 : i32
    return %arg0, %c0_i32 : i32, i32
  }
}

module attributes {stable_mosaic.version = 14 : i64} {
  func.func @_b1_body(%arg0: i32, %arg1: memref<2048x128xf32, #tpu.memory_space<vmem>>, %arg2: memref<2048x128xf32, #tpu.memory_space<vmem>>, %arg3: memref<2048x128xf32, #tpu.memory_space<vmem>>, %arg4: memref<2048x16xf32, #tpu.memory_space<vmem>>, %arg5: memref<1x128xf32, #tpu.memory_space<vmem>>, %arg6: memref<2048x128xf32, #tpu.memory_space<vmem>>, %arg7: memref<1x128xf32, #tpu.memory_space<vmem>>, %arg8: memref<1x128xf32, #tpu.memory_space<vmem>>) attributes {dimension_semantics = [#tpu.dimension_semantics<arbitrary>], iteration_bounds = array<i64: 5>, scalar_prefetch = 0 : i64, scratch_operands = 0 : i64, tpu.core_type = #tpu.core_type<tc>, window_params = [{transform_indices = @transform_0, window_bounds = array<i64: 2048, 128>}, {transform_indices = @transform_1, window_bounds = array<i64: 2048, 128>}, {transform_indices = @transform_2, window_bounds = array<i64: 2048, 128>}, {transform_indices = @transform_3, window_bounds = array<i64: 2048, 16>}, {pipeline_mode = #tpu.pipeline_mode<synchronous>, transform_indices = @transform_4, window_bounds = array<i64: 1, 128>}, {transform_indices = @transform_5, window_bounds = array<i64: 2048, 128>}, {pipeline_mode = #tpu.pipeline_mode<synchronous>, transform_indices = @transform_6, window_bounds = array<i64: 1, 128>}, {pipeline_mode = #tpu.pipeline_mode<synchronous>, transform_indices = @transform_7, window_bounds = array<i64: 1, 128>}]} {
    %get3A = arith.constant 0 : index
    %get3A_0 = arith.constant 0 : index
    %get3A_1 = vector.load %arg4[%get3A, %get3A_0] : memref<2048x16xf32, #tpu.memory_space<vmem>>, vector<2048x1xf32>
    %get3A_2 = arith.constant 0 : index
    %get3A_3 = arith.constant 0 : index
    %get3A_4 = vector.load %arg1[%get3A_2, %get3A_3] : memref<2048x128xf32, #tpu.memory_space<vmem>>, vector<2048x128xf32>
    %get3A_5 = arith.constant 0 : index
    %get3A_6 = arith.constant 0 : index
    %get3A_7 = vector.load %arg2[%get3A_5, %get3A_6] : memref<2048x128xf32, #tpu.memory_space<vmem>>, vector<2048x128xf32>
    %add3A = arith.addf %get3A_4, %get3A_7 : vector<2048x128xf32>
    %get3A_8 = arith.constant 0 : index
    %get3A_9 = arith.constant 0 : index
    %get3A_10 = vector.load %arg3[%get3A_8, %get3A_9] : memref<2048x128xf32, #tpu.memory_space<vmem>>, vector<2048x128xf32>
    %add3A_11 = arith.addf %add3A, %get3A_10 : vector<2048x128xf32>
    %mul3A = vector.broadcast %get3A_1 : vector<2048x1xf32> to vector<2048x128xf32>
    %mul3A_12 = arith.mulf %mul3A, %add3A_11 : vector<2048x128xf32>
    %get3A_13 = arith.constant 0 : index
    %get3A_14 = arith.constant 0 : index
    %get3A_15 = vector.load %arg5[%get3A_13, %get3A_14] : memref<1x128xf32, #tpu.memory_space<vmem>>, vector<1x128xf32>
    %add3A_16 = vector.broadcast %get3A_15 : vector<1x128xf32> to vector<2048x128xf32>
    %add3A_17 = arith.addf %mul3A_12, %add3A_16 : vector<2048x128xf32>
    %swap3A = arith.constant 0 : index
    %swap3A_18 = arith.constant 0 : index
    %swap3A_19 = vector.load %arg6[%swap3A, %swap3A_18] : memref<2048x128xf32, #tpu.memory_space<vmem>>, vector<2048x128xf32>
    tpu.vector_store %arg6[%swap3A, %swap3A_18], %add3A_17 {strides = array<i32>} : memref<2048x128xf32, #tpu.memory_space<vmem>>, vector<2048x128xf32>,
    %iota3A = tpu.iota {dimensions = array<i32: 0>} : vector<2048x1xi32>
    %mul3A_20 = arith.constant 2048 : i32
    %mul3A_21 = arith.muli %arg0, %mul3A_20 : i32
    %add3A_22 = vector.broadcast %mul3A_21 : i32 to vector<2048x1xi32>
    %add3A_23 = arith.addi %iota3A, %add3A_22 : vector<2048x1xi32>
    %lt3A = arith.constant 10000 : i32
    %lt3A_24 = vector.broadcast %lt3A : i32 to vector<2048x1xi32>
    %lt3A_25 = arith.cmpi slt, %add3A_23, %lt3A_24 : vector<2048x1xi32>
    %jit3A = arith.constant 0.000000e+00 : f32
    %broadcast_in_dim3A = vector.shape_cast %lt3A_25 : vector<2048x1xi1> to vector<2048x1xi1>
    %broadcast_in_dim3A_26 = vector.broadcast %broadcast_in_dim3A : vector<2048x1xi1> to vector<2048x128xi1>
    %broadcast_in_dim3A_27 = vector.broadcast %jit3A : f32 to vector<2048x128xf32>
    %select_n3A = arith.select %broadcast_in_dim3A_26, %add3A_17, %broadcast_in_dim3A_27 : vector<2048x128xi1>, vector<2048x128xf32>
    %reduce_sum3A = arith.constant dense<0.000000e+00> : vector<128xf32>
    %reduce_sum3A_28 = vector.multi_reduction <add>, %select_n3A, %reduce_sum3A [0] : vector<2048x128xf32> to vector<128xf32>
    %broadcast_in_dim3A_29 = vector.shape_cast %reduce_sum3A_28 : vector<128xf32> to vector<1x128xf32>
    %mul3A_30 = arith.mulf %select_n3A, %select_n3A : vector<2048x128xf32>
    %reduce_sum3A_31 = arith.constant dense<0.000000e+00> : vector<128xf32>
    %reduce_sum3A_32 = vector.multi_reduction <add>, %mul3A_30, %reduce_sum3A_31 [0] : vector<2048x128xf32> to vector<128xf32>
    %broadcast_in_dim3A_33 = vector.shape_cast %reduce_sum3A_32 : vector<128xf32> to vector<1x128xf32>
    %eq3A = arith.constant 0 : i32
    %eq3A_34 = arith.cmpi eq, %arg0, %eq3A : i32
    %convert_element_type3A = arith.extui %eq3A_34 : i1 to i32
    %cond3A = arith.constant 0 : i32
    %cond3A_35 = arith.cmpi ne, %convert_element_type3A, %cond3A : i32
    scf.if %cond3A_35 {
      %swap3A_40 = arith.constant 0 : index
      %swap3A_41 = arith.constant 0 : index
      %swap3A_42 = vector.load %arg7[%swap3A_40, %swap3A_41] : memref<1x128xf32, #tpu.memory_space<vmem>>, vector<1x128xf32>
      tpu.vector_store %arg7[%swap3A_40, %swap3A_41], %broadcast_in_dim3A_29 {strides = array<i32>} : memref<1x128xf32, #tpu.memory_space<vmem>>, vector<1x128xf32>,
      %swap3A_43 = arith.constant 0 : index
      %swap3A_44 = arith.constant 0 : index
      %swap3A_45 = vector.load %arg8[%swap3A_43, %swap3A_44] : memref<1x128xf32, #tpu.memory_space<vmem>>, vector<1x128xf32>
      tpu.vector_store %arg8[%swap3A_43, %swap3A_44], %broadcast_in_dim3A_33 {strides = array<i32>} : memref<1x128xf32, #tpu.memory_space<vmem>>, vector<1x128xf32>,
    } else {
    }
    %gt3A = arith.constant 0 : i32
    %gt3A_36 = arith.cmpi sgt, %arg0, %gt3A : i32
    %convert_element_type3A_37 = arith.extui %gt3A_36 : i1 to i32
    %cond3A_38 = arith.constant 0 : i32
    %cond3A_39 = arith.cmpi ne, %convert_element_type3A_37, %cond3A_38 : i32
    scf.if %cond3A_39 {
      %get3A_40 = arith.constant 0 : index
      %get3A_41 = arith.constant 0 : index
      %get3A_42 = vector.load %arg7[%get3A_40, %get3A_41] : memref<1x128xf32, #tpu.memory_space<vmem>>, vector<1x128xf32>
      %add3A_43 = arith.addf %get3A_42, %broadcast_in_dim3A_29 : vector<1x128xf32>
      %swap3A_44 = arith.constant 0 : index
      %swap3A_45 = arith.constant 0 : index
      %swap3A_46 = vector.load %arg7[%swap3A_44, %swap3A_45] : memref<1x128xf32, #tpu.memory_space<vmem>>, vector<1x128xf32>
      tpu.vector_store %arg7[%swap3A_44, %swap3A_45], %add3A_43 {strides = array<i32>} : memref<1x128xf32, #tpu.memory_space<vmem>>, vector<1x128xf32>,
      %get3A_47 = arith.constant 0 : index
      %get3A_48 = arith.constant 0 : index
      %get3A_49 = vector.load %arg8[%get3A_47, %get3A_48] : memref<1x128xf32, #tpu.memory_space<vmem>>, vector<1x128xf32>
      %add3A_50 = arith.addf %get3A_49, %broadcast_in_dim3A_33 : vector<1x128xf32>
      %swap3A_51 = arith.constant 0 : index
      %swap3A_52 = arith.constant 0 : index
      %swap3A_53 = vector.load %arg8[%swap3A_51, %swap3A_52] : memref<1x128xf32, #tpu.memory_space<vmem>>, vector<1x128xf32>
      tpu.vector_store %arg8[%swap3A_51, %swap3A_52], %add3A_50 {strides = array<i32>} : memref<1x128xf32, #tpu.memory_space<vmem>>, vector<1x128xf32>,
    } else {
    }
    return
  }
  func.func @transform_0(%arg0: i32) -> (i32, i32) {
    %c0_i32 = arith.constant 0 : i32
    %c0_i32_0 = arith.constant 0 : i32
    return %arg0, %c0_i32 : i32, i32
  }
  func.func @transform_1(%arg0: i32) -> (i32, i32) {
    %c0_i32 = arith.constant 0 : i32
    %c0_i32_0 = arith.constant 0 : i32
    return %arg0, %c0_i32 : i32, i32
  }
  func.func @transform_2(%arg0: i32) -> (i32, i32) {
    %c0_i32 = arith.constant 0 : i32
    %c0_i32_0 = arith.constant 0 : i32
    return %arg0, %c0_i32 : i32, i32
  }
  func.func @transform_3(%arg0: i32) -> (i32, i32) {
    %c0_i32 = arith.constant 0 : i32
    %c0_i32_0 = arith.constant 0 : i32
    return %arg0, %c0_i32 : i32, i32
  }
  func.func @transform_4(%arg0: i32) -> (i32, i32) {
    %c0_i32 = arith.constant 0 : i32
    %c0_i32_0 = arith.constant 0 : i32
    %c0_i32_1 = arith.constant 0 : i32
    return %c0_i32, %c0_i32_0 : i32, i32
  }
  func.func @transform_5(%arg0: i32) -> (i32, i32) {
    %c0_i32 = arith.constant 0 : i32
    %c0_i32_0 = arith.constant 0 : i32
    return %arg0, %c0_i32 : i32, i32
  }
  func.func @transform_6(%arg0: i32) -> (i32, i32) {
    %c0_i32 = arith.constant 0 : i32
    %c0_i32_0 = arith.constant 0 : i32
    %c0_i32_1 = arith.constant 0 : i32
    return %c0_i32, %c0_i32_0 : i32, i32
  }
  func.func @transform_7(%arg0: i32) -> (i32, i32) {
    %c0_i32 = arith.constant 0 : i32
    %c0_i32_0 = arith.constant 0 : i32
    %c0_i32_1 = arith.constant 0 : i32
    return %c0_i32, %c0_i32_0 : i32, i32
  }
}

module attributes {stable_mosaic.version = 14 : i64} {
  func.func @_b2_body(%arg0: i32, %arg1: memref<2048x128xf32, #tpu.memory_space<vmem>>, %arg2: memref<1x128xf32, #tpu.memory_space<vmem>>, %arg3: memref<1x128xf32, #tpu.memory_space<vmem>>, %arg4: memref<1x128xf32, #tpu.memory_space<vmem>>, %arg5: memref<1x128xf32, #tpu.memory_space<vmem>>, %arg6: memref<128x128xf32, #tpu.memory_space<vmem>>, %arg7: memref<2048x16xf32, #tpu.memory_space<vmem>>, %arg8: memref<2048x128xf32, #tpu.memory_space<vmem>>) attributes {dimension_semantics = [#tpu.dimension_semantics<arbitrary>], iteration_bounds = array<i64: 5>, scalar_prefetch = 0 : i64, scratch_operands = 0 : i64, tpu.core_type = #tpu.core_type<tc>, window_params = [{transform_indices = @transform_0, window_bounds = array<i64: 2048, 128>}, {pipeline_mode = #tpu.pipeline_mode<synchronous>, transform_indices = @transform_1, window_bounds = array<i64: 1, 128>}, {pipeline_mode = #tpu.pipeline_mode<synchronous>, transform_indices = @transform_2, window_bounds = array<i64: 1, 128>}, {pipeline_mode = #tpu.pipeline_mode<synchronous>, transform_indices = @transform_3, window_bounds = array<i64: 1, 128>}, {pipeline_mode = #tpu.pipeline_mode<synchronous>, transform_indices = @transform_4, window_bounds = array<i64: 1, 128>}, {pipeline_mode = #tpu.pipeline_mode<synchronous>, transform_indices = @transform_5, window_bounds = array<i64: 128, 128>}, {transform_indices = @transform_6, window_bounds = array<i64: 2048, 16>}, {transform_indices = @transform_7, window_bounds = array<i64: 2048, 128>}]} {
    %get3A = arith.constant 0 : index
    %get3A_0 = arith.constant 0 : index
    %get3A_1 = vector.load %arg2[%get3A, %get3A_0] : memref<1x128xf32, #tpu.memory_space<vmem>>, vector<1x128xf32>
    %mul3A = arith.constant 9.99999974E-5 : f32
    %mul3A_2 = vector.broadcast %mul3A : f32 to vector<1x128xf32>
    %mul3A_3 = arith.mulf %get3A_1, %mul3A_2 : vector<1x128xf32>
    %get3A_4 = arith.constant 0 : index
    %get3A_5 = arith.constant 0 : index
    %get3A_6 = vector.load %arg3[%get3A_4, %get3A_5] : memref<1x128xf32, #tpu.memory_space<vmem>>, vector<1x128xf32>
    %mul3A_7 = arith.constant 9.99999974E-5 : f32
    %mul3A_8 = vector.broadcast %mul3A_7 : f32 to vector<1x128xf32>
    %mul3A_9 = arith.mulf %get3A_6, %mul3A_8 : vector<1x128xf32>
    %mul3A_10 = arith.mulf %mul3A_3, %mul3A_3 : vector<1x128xf32>
    %sub3A = arith.subf %mul3A_9, %mul3A_10 : vector<1x128xf32>
    %get3A_11 = arith.constant 0 : index
    %get3A_12 = arith.constant 0 : index
    %get3A_13 = vector.load %arg4[%get3A_11, %get3A_12] : memref<1x128xf32, #tpu.memory_space<vmem>>, vector<1x128xf32>
    %add3A = arith.constant 9.99999974E-6 : f32
    %add3A_14 = vector.broadcast %add3A : f32 to vector<1x128xf32>
    %add3A_15 = arith.addf %sub3A, %add3A_14 : vector<1x128xf32>
    %rsqrt3A = math.rsqrt %add3A_15 : vector<1x128xf32>
    %mul3A_16 = arith.mulf %get3A_13, %rsqrt3A : vector<1x128xf32>
    %get3A_17 = arith.constant 0 : index
    %get3A_18 = arith.constant 0 : index
    %get3A_19 = vector.load %arg1[%get3A_17, %get3A_18] : memref<2048x128xf32, #tpu.memory_space<vmem>>, vector<2048x128xf32>
    %sub3A_20 = vector.broadcast %mul3A_3 : vector<1x128xf32> to vector<2048x128xf32>
    %sub3A_21 = arith.subf %get3A_19, %sub3A_20 : vector<2048x128xf32>
    %mul3A_22 = vector.broadcast %mul3A_16 : vector<1x128xf32> to vector<2048x128xf32>
    %mul3A_23 = arith.mulf %sub3A_21, %mul3A_22 : vector<2048x128xf32>
    %get3A_24 = arith.constant 0 : index
    %get3A_25 = arith.constant 0 : index
    %get3A_26 = vector.load %arg5[%get3A_24, %get3A_25] : memref<1x128xf32, #tpu.memory_space<vmem>>, vector<1x128xf32>
    %add3A_27 = vector.broadcast %get3A_26 : vector<1x128xf32> to vector<2048x128xf32>
    %add3A_28 = arith.addf %mul3A_23, %add3A_27 : vector<2048x128xf32>
    %max3A = arith.constant 0.000000e+00 : f32
    %max3A_29 = vector.broadcast %max3A : f32 to vector<2048x128xf32>
    %max3A_30 = arith.maximumf %add3A_28, %max3A_29 : vector<2048x128xf32>
    %get3A_31 = arith.constant 0 : index
    %get3A_32 = arith.constant 0 : index
    %get3A_33 = vector.load %arg6[%get3A_31, %get3A_32] : memref<128x128xf32, #tpu.memory_space<vmem>>, vector<128x128xf32>
    %dot_general3A = arith.constant dense<0.000000e+00> : vector<2048x128xf32>
    %dot_general3A_34 = tpu.matmul %max3A_30, %get3A_33, %dot_general3A {dimension_numbers = #tpu.dot_dimension_numbers<[1], [0], [0], [1], [0, 0, 1, 1], [], []>, precision = #tpu.contract_precision<fp32>, transpose_lhs_hint = false} : vector<2048x128xf32>, vector<128x128xf32>, vector<2048x128xf32> -> vector<2048x128xf32>
    %iota3A = tpu.iota {dimensions = array<i32: 0>} : vector<2048x1xi32>
    %mul3A_35 = arith.constant 2048 : i32
    %mul3A_36 = arith.muli %arg0, %mul3A_35 : i32
    %add3A_37 = vector.broadcast %mul3A_36 : i32 to vector<2048x1xi32>
    %add3A_38 = arith.addi %iota3A, %add3A_37 : vector<2048x1xi32>
    %lt3A = arith.constant 10000 : i32
    %lt3A_39 = vector.broadcast %lt3A : i32 to vector<2048x1xi32>
    %lt3A_40 = arith.cmpi slt, %add3A_38, %lt3A_39 : vector<2048x1xi32>
    %get3A_41 = arith.constant 0 : index
    %get3A_42 = arith.constant 0 : index
    %get3A_43 = vector.load %arg7[%get3A_41, %get3A_42] : memref<2048x16xf32, #tpu.memory_space<vmem>>, vector<2048x1xf32>
    %mul3A_44 = vector.broadcast %get3A_43 : vector<2048x1xf32> to vector<2048x128xf32>
    %mul3A_45 = arith.mulf %dot_general3A_34, %mul3A_44 : vector<2048x128xf32>
    %jit3A = arith.constant 0.000000e+00 : f32
    %broadcast_in_dim3A = vector.shape_cast %lt3A_40 : vector<2048x1xi1> to vector<2048x1xi1>
    %broadcast_in_dim3A_46 = vector.broadcast %broadcast_in_dim3A : vector<2048x1xi1> to vector<2048x128xi1>
    %broadcast_in_dim3A_47 = vector.broadcast %jit3A : f32 to vector<2048x128xf32>
    %select_n3A = arith.select %broadcast_in_dim3A_46, %mul3A_45, %broadcast_in_dim3A_47 : vector<2048x128xi1>, vector<2048x128xf32>
    %swap3A = arith.constant 0 : index
    %swap3A_48 = arith.constant 0 : index
    %swap3A_49 = vector.load %arg8[%swap3A, %swap3A_48] : memref<2048x128xf32, #tpu.memory_space<vmem>>, vector<2048x128xf32>
    tpu.vector_store %arg8[%swap3A, %swap3A_48], %select_n3A {strides = array<i32>} : memref<2048x128xf32, #tpu.memory_space<vmem>>, vector<2048x128xf32>,
    return
  }
  func.func @transform_0(%arg0: i32) -> (i32, i32) {
    %c0_i32 = arith.constant 0 : i32
    %c0_i32_0 = arith.constant 0 : i32
    return %arg0, %c0_i32 : i32, i32
  }
  func.func @transform_1(%arg0: i32) -> (i32, i32) {
    %c0_i32 = arith.constant 0 : i32
    %c0_i32_0 = arith.constant 0 : i32
    %c0_i32_1 = arith.constant 0 : i32
    return %c0_i32, %c0_i32_0 : i32, i32
  }
  func.func @transform_2(%arg0: i32) -> (i32, i32) {
    %c0_i32 = arith.constant 0 : i32
    %c0_i32_0 = arith.constant 0 : i32
    %c0_i32_1 = arith.constant 0 : i32
    return %c0_i32, %c0_i32_0 : i32, i32
  }
  func.func @transform_3(%arg0: i32) -> (i32, i32) {
    %c0_i32 = arith.constant 0 : i32
    %c0_i32_0 = arith.constant 0 : i32
    %c0_i32_1 = arith.constant 0 : i32
    return %c0_i32, %c0_i32_0 : i32, i32
  }
  func.func @transform_4(%arg0: i32) -> (i32, i32) {
    %c0_i32 = arith.constant 0 : i32
    %c0_i32_0 = arith.constant 0 : i32
    %c0_i32_1 = arith.constant 0 : i32
    return %c0_i32, %c0_i32_0 : i32, i32
  }
  func.func @transform_5(%arg0: i32) -> (i32, i32) {
    %c0_i32 = arith.constant 0 : i32
    %c0_i32_0 = arith.constant 0 : i32
    %c0_i32_1 = arith.constant 0 : i32
    return %c0_i32, %c0_i32_0 : i32, i32
  }
  func.func @transform_6(%arg0: i32) -> (i32, i32) {
    %c0_i32 = arith.constant 0 : i32
    %c0_i32_0 = arith.constant 0 : i32
    return %arg0, %c0_i32 : i32, i32
  }
  func.func @transform_7(%arg0: i32) -> (i32, i32) {
    %c0_i32 = arith.constant 0 : i32
    %c0_i32_0 = arith.constant 0 : i32
    return %arg0, %c0_i32 : i32, i32
  }
}

module attributes {stable_mosaic.version = 14 : i64} {
  func.func @_k2_body(%arg0: i32, %arg1: memref<2048x128xf32, #tpu.memory_space<vmem>>, %arg2: memref<2048x128xf32, #tpu.memory_space<vmem>>, %arg3: memref<2048x128xf32, #tpu.memory_space<vmem>>, %arg4: memref<2048x16xf32, #tpu.memory_space<vmem>>, %arg5: memref<1x128xf32, #tpu.memory_space<vmem>>, %arg6: memref<128x64xf32, #tpu.memory_space<vmem>>, %arg7: memref<1x64xf32, #tpu.memory_space<vmem>>, %arg8: memref<64x3xf32, #tpu.memory_space<vmem>>, %arg9: memref<1x3xf32, #tpu.memory_space<vmem>>, %arg10: memref<2048x3xf32, #tpu.memory_space<vmem>>) attributes {dimension_semantics = [#tpu.dimension_semantics<arbitrary>], iteration_bounds = array<i64: 5>, scalar_prefetch = 0 : i64, scratch_operands = 0 : i64, tpu.core_type = #tpu.core_type<tc>, window_params = [{transform_indices = @transform_0, window_bounds = array<i64: 2048, 128>}, {transform_indices = @transform_1, window_bounds = array<i64: 2048, 128>}, {transform_indices = @transform_2, window_bounds = array<i64: 2048, 128>}, {transform_indices = @transform_3, window_bounds = array<i64: 2048, 16>}, {pipeline_mode = #tpu.pipeline_mode<synchronous>, transform_indices = @transform_4, window_bounds = array<i64: 1, 128>}, {pipeline_mode = #tpu.pipeline_mode<synchronous>, transform_indices = @transform_5, window_bounds = array<i64: 128, 64>}, {pipeline_mode = #tpu.pipeline_mode<synchronous>, transform_indices = @transform_6, window_bounds = array<i64: 1, 64>}, {pipeline_mode = #tpu.pipeline_mode<synchronous>, transform_indices = @transform_7, window_bounds = array<i64: 64, 3>}, {pipeline_mode = #tpu.pipeline_mode<synchronous>, transform_indices = @transform_8, window_bounds = array<i64: 1, 3>}, {transform_indices = @transform_9, window_bounds = array<i64: 2048, 3>}]} {
    %get3A = arith.constant 0 : index
    %get3A_0 = arith.constant 0 : index
    %get3A_1 = vector.load %arg4[%get3A, %get3A_0] : memref<2048x16xf32, #tpu.memory_space<vmem>>, vector<2048x1xf32>
    %get3A_2 = arith.constant 0 : index
    %get3A_3 = arith.constant 0 : index
    %get3A_4 = vector.load %arg1[%get3A_2, %get3A_3] : memref<2048x128xf32, #tpu.memory_space<vmem>>, vector<2048x128xf32>
    %get3A_5 = arith.constant 0 : index
    %get3A_6 = arith.constant 0 : index
    %get3A_7 = vector.load %arg2[%get3A_5, %get3A_6] : memref<2048x128xf32, #tpu.memory_space<vmem>>, vector<2048x128xf32>
    %add3A = arith.addf %get3A_4, %get3A_7 : vector<2048x128xf32>
    %get3A_8 = arith.constant 0 : index
    %get3A_9 = arith.constant 0 : index
    %get3A_10 = vector.load %arg3[%get3A_8, %get3A_9] : memref<2048x128xf32, #tpu.memory_space<vmem>>, vector<2048x128xf32>
    %add3A_11 = arith.addf %add3A, %get3A_10 : vector<2048x128xf32>
    %mul3A = vector.broadcast %get3A_1 : vector<2048x1xf32> to vector<2048x128xf32>
    %mul3A_12 = arith.mulf %mul3A, %add3A_11 : vector<2048x128xf32>
    %get3A_13 = arith.constant 0 : index
    %get3A_14 = arith.constant 0 : index
    %get3A_15 = vector.load %arg5[%get3A_13, %get3A_14] : memref<1x128xf32, #tpu.memory_space<vmem>>, vector<1x128xf32>
    %add3A_16 = vector.broadcast %get3A_15 : vector<1x128xf32> to vector<2048x128xf32>
    %add3A_17 = arith.addf %mul3A_12, %add3A_16 : vector<2048x128xf32>
    %get3A_18 = arith.constant 0 : index
    %get3A_19 = arith.constant 0 : index
    %get3A_20 = vector.load %arg6[%get3A_18, %get3A_19] : memref<128x64xf32, #tpu.memory_space<vmem>>, vector<128x64xf32>
    %dot_general3A = arith.constant dense<0.000000e+00> : vector<2048x64xf32>
    %dot_general3A_21 = tpu.matmul %add3A_17, %get3A_20, %dot_general3A {dimension_numbers = #tpu.dot_dimension_numbers<[1], [0], [0], [1], [0, 0, 1, 1], [], []>, precision = #tpu.contract_precision<fp32>, transpose_lhs_hint = false} : vector<2048x128xf32>, vector<128x64xf32>, vector<2048x64xf32> -> vector<2048x64xf32>
    %get3A_22 = arith.constant 0 : index
    %get3A_23 = arith.constant 0 : index
    %get3A_24 = vector.load %arg7[%get3A_22, %get3A_23] : memref<1x64xf32, #tpu.memory_space<vmem>>, vector<1x64xf32>
    %add3A_25 = vector.broadcast %get3A_24 : vector<1x64xf32> to vector<2048x64xf32>
    %add3A_26 = arith.addf %dot_general3A_21, %add3A_25 : vector<2048x64xf32>
    %max3A = arith.constant 0.000000e+00 : f32
    %max3A_27 = vector.broadcast %max3A : f32 to vector<2048x64xf32>
    %max3A_28 = arith.maximumf %add3A_26, %max3A_27 : vector<2048x64xf32>
    %get3A_29 = arith.constant 0 : index
    %get3A_30 = arith.constant 0 : index
    %get3A_31 = vector.load %arg8[%get3A_29, %get3A_30] : memref<64x3xf32, #tpu.memory_space<vmem>>, vector<64x3xf32>
    %dot_general3A_32 = arith.constant dense<0.000000e+00> : vector<2048x3xf32>
    %dot_general3A_33 = tpu.matmul %max3A_28, %get3A_31, %dot_general3A_32 {dimension_numbers = #tpu.dot_dimension_numbers<[1], [0], [0], [1], [0, 0, 1, 1], [], []>, precision = #tpu.contract_precision<fp32>, transpose_lhs_hint = false} : vector<2048x64xf32>, vector<64x3xf32>, vector<2048x3xf32> -> vector<2048x3xf32>
    %get3A_34 = arith.constant 0 : index
    %get3A_35 = arith.constant 0 : index
    %get3A_36 = vector.load %arg9[%get3A_34, %get3A_35] : memref<1x3xf32, #tpu.memory_space<vmem>>, vector<1x3xf32>
    %add3A_37 = vector.broadcast %get3A_36 : vector<1x3xf32> to vector<2048x3xf32>
    %add3A_38 = arith.addf %dot_general3A_33, %add3A_37 : vector<2048x3xf32>
    %reduce_max3A = arith.constant dense<0xFF800000> : vector<2048xf32>
    %reduce_max3A_39 = vector.multi_reduction <maximumf>, %add3A_38, %reduce_max3A [1] : vector<2048x3xf32> to vector<2048xf32>
    %broadcast_in_dim3A = vector.shape_cast %reduce_max3A_39 : vector<2048xf32> to vector<2048x1xf32>
    %sub3A = vector.broadcast %broadcast_in_dim3A : vector<2048x1xf32> to vector<2048x3xf32>
    %sub3A_40 = arith.subf %add3A_38, %sub3A : vector<2048x3xf32>
    %exp3A = math.exp %sub3A_40 : vector<2048x3xf32>
    %reduce_sum3A = arith.constant dense<0.000000e+00> : vector<2048xf32>
    %reduce_sum3A_41 = vector.multi_reduction <add>, %exp3A, %reduce_sum3A [1] : vector<2048x3xf32> to vector<2048xf32>
    %broadcast_in_dim3A_42 = vector.shape_cast %reduce_sum3A_41 : vector<2048xf32> to vector<2048x1xf32>
    %log3A = math.log %broadcast_in_dim3A_42 : vector<2048x1xf32>
    %add3A_43 = arith.addf %log3A, %broadcast_in_dim3A : vector<2048x1xf32>
    %sub3A_44 = vector.broadcast %add3A_43 : vector<2048x1xf32> to vector<2048x3xf32>
    %sub3A_45 = arith.subf %add3A_38, %sub3A_44 : vector<2048x3xf32>
    %swap3A = arith.constant 0 : index
    %swap3A_46 = arith.constant 0 : index
    %swap3A_47 = vector.load %arg10[%swap3A, %swap3A_46] : memref<2048x3xf32, #tpu.memory_space<vmem>>, vector<2048x3xf32>
    tpu.vector_store %arg10[%swap3A, %swap3A_46], %sub3A_45 {strides = array<i32>} : memref<2048x3xf32, #tpu.memory_space<vmem>>, vector<2048x3xf32>,
    return
  }
  func.func @transform_0(%arg0: i32) -> (i32, i32) {
    %c0_i32 = arith.constant 0 : i32
    %c0_i32_0 = arith.constant 0 : i32
    return %arg0, %c0_i32 : i32, i32
  }
  func.func @transform_1(%arg0: i32) -> (i32, i32) {
    %c0_i32 = arith.constant 0 : i32
    %c0_i32_0 = arith.constant 0 : i32
    return %arg0, %c0_i32 : i32, i32
  }
  func.func @transform_2(%arg0: i32) -> (i32, i32) {
    %c0_i32 = arith.constant 0 : i32
    %c0_i32_0 = arith.constant 0 : i32
    return %arg0, %c0_i32 : i32, i32
  }
  func.func @transform_3(%arg0: i32) -> (i32, i32) {
    %c0_i32 = arith.constant 0 : i32
    %c0_i32_0 = arith.constant 0 : i32
    return %arg0, %c0_i32 : i32, i32
  }
  func.func @transform_4(%arg0: i32) -> (i32, i32) {
    %c0_i32 = arith.constant 0 : i32
    %c0_i32_0 = arith.constant 0 : i32
    %c0_i32_1 = arith.constant 0 : i32
    return %c0_i32, %c0_i32_0 : i32, i32
  }
  func.func @transform_5(%arg0: i32) -> (i32, i32) {
    %c0_i32 = arith.constant 0 : i32
    %c0_i32_0 = arith.constant 0 : i32
    %c0_i32_1 = arith.constant 0 : i32
    return %c0_i32, %c0_i32_0 : i32, i32
  }
  func.func @transform_6(%arg0: i32) -> (i32, i32) {
    %c0_i32 = arith.constant 0 : i32
    %c0_i32_0 = arith.constant 0 : i32
    %c0_i32_1 = arith.constant 0 : i32
    return %c0_i32, %c0_i32_0 : i32, i32
  }
  func.func @transform_7(%arg0: i32) -> (i32, i32) {
    %c0_i32 = arith.constant 0 : i32
    %c0_i32_0 = arith.constant 0 : i32
    %c0_i32_1 = arith.constant 0 : i32
    return %c0_i32, %c0_i32_0 : i32, i32
  }
  func.func @transform_8(%arg0: i32) -> (i32, i32) {
    %c0_i32 = arith.constant 0 : i32
    %c0_i32_0 = arith.constant 0 : i32
    %c0_i32_1 = arith.constant 0 : i32
    return %c0_i32, %c0_i32_0 : i32, i32
  }
  func.func @transform_9(%arg0: i32) -> (i32, i32) {
    %c0_i32 = arith.constant 0 : i32
    %c0_i32_0 = arith.constant 0 : i32
    return %arg0, %c0_i32 : i32, i32
  }
}

</mosaic_0001>

<sc_bundles>
// kernel: kernel.12.cloned.1.call-start
scs
__scs_entry_jumppad:
0x0: {  	(pc) =	sbr.rel $0x88, $3  }
0x1: {  	(tag) =	ssettag $0x0;
	lr =	simm.s32 $0x1  }
0x2: {  	[smem:$0x3F91] =	sst lr;
	_ =	strace $0xD0000000  }
0x3: {  	_ = 	snop  }
0x4: {  	_ = 	snop  }
0x5: {  	_ = 	snop  }
0x6: {  	_ = 	snop  }
0x7: {  	_ = 	snop  }
__scs_overlays_trampoline_lowered:
0x8: {  	[smem:$0x3FA0] =	sst s0  }
0x9: {  	[smem:$0x3FA1] =	sst s1  }
0xa: {  	[smem:$0x3FA2] =	sst s2  }
0xb: {  	[smem:$0x3FA3] =	sst s3  }
0xc: {  	[smem:$0x3FA4] =	sst s4  }
0xd: {  	[smem:$0x3FA5] =	sst s5  }
0xe: {  	[smem:$0x3FA6] =	sst s6  }
0xf: {  	[smem:$0x3FA7] =	sst s7  }
0x10: {  	[smem:$0x3FA8] =	sst s8  }
0x11: {  	[smem:$0x3FA9] =	sst s9;
	s0 =	simm.s32 @!p0 $0x0  }
0x12: {  	s1 =	sld [smem:$0x3F8F];
	s0 =	simm.s32 @p0 $0x1  }
0x13: {  	[smem:$0x3FAA] =	sst s0;
	s0 =	simm.s32 @!p1 $0x0  }
0x14: {  	s2 =	sld [smem:$0x3F8E];
	s0 =	simm.s32 @p1 $0x1  }
0x15: {  	[smem:$0x3FAB] =	sst s0;
	s0 =	simm.s32 @!p2 $0x0  }
0x16: {  	s3 =	sld [smem:$0x3FDB];
	s0 =	simm.s32 @p2 $0x1  }
0x17: {  	s4 =	simm.s32 $0x1BF5;
	[smem:$0x3FAD] =	sst s0  }
0x18: {  	s0 =	sld [smem:$0x3F90];
	_ =	swait.ge [sflag:s4], $0x0  }
0x19: {  	s7 =	sld [smem:$0x3F91]  }
0x1a: {  	s8 =	sadd.s32 $0xFFFFE003, lr  }
0x1b: {  	s9 =	sadd.s32 $0xFFFFFEF7, lr;
	s5 =	simm.s32 $0xFFFFFFFF;
	p2 =	slt.u32 s8, $0xFFFFF086  }
0x1c: {  	p1 =	slt.u32 s9, $0xF7A;
	s5 =	simm.s32 @!p2 $0x0  }
0x1d: {  	s5 =	simm.s32 @p1 $0x1;
	p0 =	seq.s32 s7, s2  }
0x1e: {  	s7 =	smul.u32 @!p0 $0xF7A, s2;
	p2 =	seq.s32 @!p0 s5, $0x0  }
0x1f: {  	s9 =	smul.u32 $0xF7A, s1;
	s8 =	simm.s32 @!p0 $0x1BF5;
	p2 =	por !p2, p0  }
0x20: {  	[sflag:s8] =	ssyncset.s32 @!p0 $0xFFFFF086;
	s6 =	sadd.s32 @!p0 s3, s7;
	s7 =	simm.s32 @!p0 $0x108  }
0x21: {  	s3 =	sadd.s32 s3, s9;
	s6 =	sadd.s32 @!p0 $0x88, s6;
	s7 =	simm.s32 @p2 $0x1082  }
0x22: {  	[simem:s7], [sflag:s8] =	dma.local @!p0 [hbm:s6], $0xF7A  }
0x23: {  	s9 =	sor.u32 $0xD0000000, s2;
	s6 =	simm.s32 $0x108;
	_ =	swait.ge @!p0 [sflag:s8], $0x0  }
0x24: {  	s3 =	sadd.s32 $0x88, s3;
	s6 =	simm.s32 @!p1 $0x1082;
	[sflag:s4] =	ssyncset.s32 $0xFFFFF086  }
0x25: {  	[simem:s6], [sflag:s4] =	dma.local [hbm:s3], $0xF7A  }
0x26: {  	[smem:$0x3F91] =	sst s1;
	(tag) =	ssettag s2;
	_ =	strace s9  }
0x27: {  	s1 =	sld [smem:$0x3FA1]  }
0x28: {  	s2 =	sld [smem:$0x3FA2]  }
0x29: {  	s4 =	sld [smem:$0x3FA4]  }
0x2a: {  	p0 =	seq.s32 s5, $0x0;
	s5 =	sld [smem:$0x3FA5]  }
0x2b: {  	s6 =	sld [smem:$0x3FA6]  }
0x2c: {  	s7 =	sld [smem:$0x3FA7]  }
0x2d: {  	s3 =	simm.s32 $0x108;
	s8 =	sld [smem:$0x3FA8]  }
0x2e: {  	s3 =	simm.s32 @!p0 $0x1082;
	s9 =	sld [smem:$0x3FA9]  }
0x2f: {  	lr =	sadd.s32 s0, s3;
	s0 =	sld [smem:$0x3FA0]  }
0x30: {  	s3 =	sld [smem:$0x3FA3]  }
0x31: {  	[smem:$0x3FAC] =	sst s10  }
0x32: {  	s10 =	sld [smem:$0x3FAA];
	_ =	sdelay $0x3  }
0x33: {  	p0 =	seq.s32 s10, $0x1;
	s10 =	sld [smem:$0x3FAC];
	_ =	sdelay $0x3  }
0x34: {  	[smem:$0x3FAC] =	sst s10  }
0x35: {  	s10 =	sld [smem:$0x3FAB];
	_ =	sdelay $0x3  }
0x36: {  	p1 =	seq.s32 s10, $0x1;
	s10 =	sld [smem:$0x3FAC];
	_ =	sdelay $0x3  }
0x37: {  	[smem:$0x3FAC] =	sst s10  }
0x38: {  	s10 =	sld [smem:$0x3FAD]  }
0x39: {  	_ = 	snop;
	(pc) =	sbr.ind lr, $3  }
0x3a: {  	_ = 	snop  }
0x3b: {  	_ = 	snop  }
0x3c: {  	p2 =	seq.s32 s10, $0x1;
	s10 =	sld [smem:$0x3FAC]  }
0x3d: {  	_ =	shalt  }
0x3e: {  	_ =	shalt  }
0x3f: {  	_ =	shalt  }
0x40: {  	_ =	shalt  }
0x41: {  	_ =	shalt  }
0x42: {  	_ =	shalt  }
0x43: {  	_ =	shalt  }
0x44: {  	_ =	shalt  }
0x45: {  	_ =	shalt  }
0x46: {  	_ =	shalt  }
0x47: {  	_ =	shalt  }
0x48: {  	_ =	shalt  }
0x49: {  	_ =	shalt  }
0x4a: {  	_ =	shalt  }
0x4b: {  	_ =	shalt  }
0x4c: {  	_ =	shalt  }
0x4d: {  	_ =	shalt  }
0x4e: {  	_ =	shalt  }
0x4f: {  	_ =	shalt  }
0x50: {  	_ =	shalt  }
0x51: {  	_ =	shalt  }
0x52: {  	_ =	shalt  }
0x53: {  	_ =	shalt  }
0x54: {  	_ =	shalt  }
0x55: {  	_ =	shalt  }
0x56: {  	_ =	shalt  }
0x57: {  	_ =	shalt  }
0x58: {  	_ =	shalt  }
0x59: {  	_ =	shalt  }
0x5a: {  	_ =	shalt  }
0x5b: {  	_ =	shalt  }
0x5c: {  	_ =	shalt  }
0x5d: {  	_ =	shalt  }
0x5e: {  	_ =	shalt  }
0x5f: {  	_ =	shalt  }
0x60: {  	_ =	shalt  }
0x61: {  	_ =	shalt  }
0x62: {  	_ =	shalt  }
0x63: {  	_ =	shalt  }
0x64: {  	_ =	shalt  }
0x65: {  	_ =	shalt  }
0x66: {  	_ =	shalt  }
0x67: {  	_ =	shalt  }
0x68: {  	_ =	shalt  }
0x69: {  	_ =	shalt  }
0x6a: {  	_ =	shalt  }
0x6b: {  	_ =	shalt  }
0x6c: {  	_ =	shalt  }
0x6d: {  	_ =	shalt  }
0x6e: {  	_ =	shalt  }
0x6f: {  	_ =	shalt  }
0x70: {  	_ =	shalt  }
0x71: {  	_ =	shalt  }
0x72: {  	_ =	shalt  }
0x73: {  	_ =	shalt  }
0x74: {  	_ =	shalt  }
0x75: {  	_ =	shalt  }
0x76: {  	_ =	shalt  }
0x77: {  	_ =	shalt  }
0x78: {  	_ =	shalt  }
0x79: {  	_ =	shalt  }
0x7a: {  	_ =	shalt  }
0x7b: {  	_ =	shalt  }
0x7c: {  	_ =	shalt  }
0x7d: {  	_ =	shalt  }
0x7e: {  	_ =	shalt  }
0x7f: {  	_ =	shalt  }
0x80: {  	_ =	shalt  }
0x81: {  	_ =	shalt  }
0x82: {  	_ =	shalt  }
0x83: {  	_ =	shalt  }
0x84: {  	_ =	shalt  }
0x85: {  	_ =	shalt  }
0x86: {  	_ =	shalt  }
0x87: {  	_ =	shalt  }
.Lfunc_end0:
.L_simem_size_0:
called_computation_lowered:
.L_overlay_start_0:
0x88: {  	s2 =	sld [smem:$0x3FD9]  }
0x89: {  	s3 =	sld [smem:$0x3FFE];
	_ =	sdelay $0x1  }
0x8a: {  	s1 =	srdreg.scid  }
0x8b: {  	s0 =	sand.u32 $0x1, s1  }
0x8c: {  	s17 =	sshll.u32 s0, $0xA;
	s2 =	sadd.s32 s3, s2  }
0x8d: {  	s2 =	sadd.s32 s2, s17  }
0x8e: {  	[smem:$0x3FB8] =	sst s2  }
0x8f: {  	_ = 	snop  }
0x90: {  	s2 =	sld [smem:$0x3FD0];
	(tm) =	ssettm $0x1  }
0x91: {  	s18 =	sld [smem:$0x3FFB];
	_ =	sdelay $0x3  }
0x92: {  	_ =	strace s18  }
0x93: {  	s3 =	sld [smem:$0x3FFC];
	_ =	sdelay $0x3  }
0x94: {  	_ =	strace s3  }
0x95: {  	s3 =	sld [smem:$0x3FFD];
	_ =	sdelay $0x3  }
0x96: {  	_ =	strace s3  }
0x97: {  	_ =	strace $0x8FFFFFFF  }
0x98: {  	s19 =	sld [smem:$0x3FDB];
	_ =	sdelay $0x1  }
0x99: {  	s4 =	simm.s32 $_scs_section_size  }
0x9a: {  	s5 =	simm.s32 $_size__tile_overlayer_lowered;
	s6 =	simm.s32 $_tile_overlayer_lowered  }
0x9b: {  	s22 =	simm.s32 $0x1BFF;
	s21 =	sshll.u32 s6, $0x1;
	s3 =	sadd.s32 s4, s19  }
0x9c: {  	s7 =	simm.s32 $0x0;
	s20 =	sshll.u32 s5, $0x1;
	s5 =	sadd.s32 s21, s3  }
0x9d: {  	[timem:s7], [sflag:s22] =	dma.local [hbm:s5], s20  }
0x9e: {  	_ =	swait.ge [sflag:s22], s20  }
0x9f: {  	s4 =	ssub.s32 $0x0, s20;
	[sflag:s22] =	ssyncset.done $0x0  }
0xa0: {  	[sflag:s22] =	ssyncadd.s32 s4;
	_ =	sdelay $0x1  }
0xa1: {  	s23 =	simm.s32 $0x1B8B  }
0xa2: {  	_ =	swait.ge [sflag:s23], $0x1  }
0xa3: {  	[sflag:s23] =	ssyncset.done $0x0  }
0xa4: {  	s25 =	simm.s32 $0x1B8E;
	s24 =	sld [smem:$0x3FFE];
	[sflag:s23] =	ssyncadd.s32 $0xFFFFFFFF  }
0xa5: {  	s26 =	simm.s32 $execute0_lowered;
	[smem:$0x3FD2] =	sst s25  }
0xa6: {  	s5 =	sshll.u32 s26, $0x1;
	_ =	strace $0x80000046;
	[dreg:$0x1] =	wrdreg $0xFFFFFFFF  }
0xa7: {  	s28 =	simm.s32 $_size_execute0_lowered;
	s3 =	sadd.s32 s3, s5;
	[dreg:$0x0] =	wrdreg $0x0  }
0xa8: {  	s5 =	sshll.u32 s28, $0x1;
	[dreg:$0x2] =	wrdreg s3  }
0xa9: {  	[dreg:$0x3] =	wrdreg s5  }
0xaa: {  	[dreg:$0x4] =	wrdreg $0xC0  }
0xab: {  	_ =	task [dreg:s7], $0x5FFFF  }
0xac: {  	[dreg:$0x1] =	wrdreg $0xFFFFFFFF  }
0xad: {  	[dreg:$0x0] =	wrdreg $0x60  }
0xae: {  	[dreg:$0x2] =	wrdreg s24  }
0xaf: {  	[dreg:$0x3] =	wrdreg s2  }
0xb0: {  	[dreg:$0x4] =	wrdreg $0x0  }
0xb1: {  	[dreg:$0x5] =	wrdreg $0x9  }
0xb2: {  	_ =	task.clear_ibuf [dreg:s7], $0x6FFFF;
	_ =	strace $0x90000046  }
0xb3: {  	s29 =	simm.s32 $0x9;
	_ =	strace $0x80000048  }
0xb4: {  	_ =	swait.ge [sflag:s29], $0x1  }
0xb5: {  	[sflag:s29] =	ssyncadd.s32 $0xFFFFFFFF  }
0xb6: {  	_ =	strace $0x90000048  }
0xb7: {  	_ =	sfence  }
0xb8: {  	s30 =	sld [smem:$0x0];
	_ =	sdelay $0x2  }
0xb9: {  	s31 =	sshll.u32 s1, $0xD;
	s1 =	sshrl.u32 s1, $0x2  }
0xba: {  	s3 =	sand.u32 $0x4000, s31;
	s1 =	sadd.s32 s1, s30  }
0xbb: {  	s0 =	sor.u32 s3, s0;
	s1 =	sshll.u32 s1, $0x11  }
0xbc: {  	s0 =	sor.u32 s1, s0  }
0xbd: {  	s0 =	sadd.s32 $0x8F2B, s0  }
0xbe: {  	[sflag:s0] =	ssyncadd.remote.s32 $0x1  }
0xbf: {  	_ =	sfence.sel $0xFFFF  }
0xc0: {  	[dreg:$0x0] =	wrdreg $0xFFFFFFFF;
	(pc) =	sbr.abs _section_cstart, $3  }
0xc1: {  	[dreg:$0x1] =	wrdreg $0xFFFFFFFF  }
0xc2: {  	_ =	task.clear_ibuf [dreg:s7], $0x2FFFF;
	_ =	strace $0x9FFFFFFF  }
0xc3: {  	(tm) =	ssettm $0x7FFFFFFF  }
tec
execute0_lowered:
.L_overlay_start_1:
0x0: {  	(tag) =	ssettag $0x1  }
0x1: {  	s5 =	rddreg [dreg:$0x0]  }
0x2: {  	s1 =	srdreg.scid;
	s2 =	rddreg [dreg:$0x1]  }
0x3: {  	s0 =	stileid.u32;
	s3 =	rddreg [dreg:$0x2];
	s4 =	simm.s32 $0x0  }
0x4: {  	s13 =	simm.s32 $0x2800;
	s14 =	simm.s32 $0x80;
	s15 =	simm.s32 $0x0  }
0x5: {  	s6 =	sand.u32 $0x1, s1;
	s26 =	sshll.u32 s0, $0x1;
	s8 =	smul.u32 $0x14000, s0  }
0x6: {  	[smem:$0x7FF] =	sst s4;
	s28 =	smul.u32 $0x50000, s0;
	s31 =	sshll.u32 s0, $0x6  }
0x7: {  	s1 =	sor.u32 s6, s26;
	s9 =	smul.u32 $0x140000, s6;
	s6 =	ssub.s32 $0x2, s6  }
0x8: {  	s7 =	smul.u32 $0xA00, s1;
	s1 =	rddreg [dreg:$0x3];
	_ =	strace $0x80000047  }
0x9: {  	s10 =	sshrl.u32 s8, $0x3;
	s29 =	sshrl.u32 s6, $0x1;
	s30 =	sshrl.u32 s28, $0x2  }
0xa: {  	s8 =	sadd.s32 s8, s9;
	s10 =	sadd.s32 s10, s5;
	s11 =	ssub.s32 s6, s29  }
0xb: {  	s12 =	sadd.s32 s30, s3;
	s6 =	sor.u32 $0x1C01, s31;
	s7 =	sadd.s32 s7, s5  }
0xc: {  	s8 =	sshrl.u32 s8, $0x3;
	s9 =	smax.u32 s11, $0x1;
	s11 =	simm.s32 $0x1  }
0xd: {  	s8 =	sadd.s32 s8, s5;
	s5 =	sadd.s32 $0x1AA00, s10;
	s7 =	sadd.s32 $0x6A00, s7  }
0xe: {  	s10 =	sshrl.u32 s12, $0x3;
	s12 =	simm.s32 $0x7800;
	s8 =	sadd.s32 $0x42A00, s8  }
.LBB2_1:
0xf: {  	[spmem:s10], [sflag:s6] =	dma.local [hbm:s5], $0x2800  }
0x10: {  	_ =	swait.ge [sflag:s11], $0x2800  }
0x11: {  	[sflag:s11] =	ssyncset.done $0x0  }
0x12: {  	[sflag:s11] =	ssyncadd.s32 $0xFFFFD800  }
0x13: {  	[tilespmem:s12], [sflag:$0x1] =	stream.linear.gather [hbm4b:s2+s4], $0x4000, $0x38;
	[tilespmem:$0xB800] =	vst v63  }
0x14: {  	_ =	swait.ge [sflag:s11], $0x4000  }
0x15: {  	[sflag:s11] =	ssyncset.done $0x0  }
0x16: {  	[sflag:s11] =	ssyncadd.s32 $0xFFFFC000  }
0x17: {  	[tilespmem:s13], [sflag:$0x1] =	stream.linear.gather [hbm4b:s7+s4], $0x5000, $0x38;
	[tilespmem:$0xB800] =	vst v63  }
0x18: {  	_ =	swait.ge [sflag:s11], $0x5000  }
0x19: {  	[sflag:s11] =	ssyncset.done $0x0  }
0x1a: {  	[sflag:s11] =	ssyncadd.s32 $0xFFFFB000  }
0x1b: {  	s16 =	simm.s32 $0x2880;
	[bflag:$0x0] =	sbarrier.arrive $0xFFFF  }
0x1c: {  	[spmem:s3] =	stream.indirect.scatter.add.f32 [tilespmem:s12], [sflag:$0x1], $0x10, s16, s14, $0xb8;
	[tilespmem:$0xB800] =	vst v63  }
0x1d: {  	s16 =	simm.s32 $0x600;
	_ =	swait.ge [sflag:s11], $0x800  }
.LBB2_2:
0x1e: {  	s17 =	sshra.s32 s16, $0x2;
	[sflag:s11] =	ssyncset.done $0x0;
	p0 =	sne.s32 s16, $0x13E00  }
.Ltmp0:
0x1f: {  	s17 =	sadd.s32 $0x2800, s17;
	[sflag:s11] =	ssyncadd.s32 $0xFFFFF800;
	(pc) =	sbr.rel @p0 .LBB2_2-.Ltmp0, $3  }
0x20: {  	[spmem:s3] =	stream.indirect.scatter.add.f32 [tilespmem:s12], [sflag:$0x1], $0x10, s17, s14, $0xb8;
	[tilespmem:$0xB800] =	vst v63  }
0x21: {  	s16 =	sadd.s32 $0x400, s16;
	_ =	sdelay $0x1  }
0x22: {  	_ =	swait.ge [sflag:s11], $0x800  }
0x23: {  	[sflag:s11] =	ssyncset.done $0x0;
	s15 =	sadd.s32 $0x1, s15  }
0x24: {  	[sflag:s11] =	ssyncadd.s32 $0xFFFFF800;
	p0 =	sne.s32 s15, s9  }
.Ltmp1:
0x25: {  	[bflag:$0x0] =	sbarrier.arrive $0xFFFF;
	(pc) =	sbr.rel @p0 .LBB2_1-.Ltmp1, $4  }
0x26: {  	[hbm:s8], [sflag:s6] =	dma.local [spmem:s10], $0x2800  }
0x27: {  	_ =	swait.ge [sflag:s11], $0x2800  }
0x28: {  	[sflag:s11] =	ssyncset.done $0x0  }
0x29: {  	[sflag:s11] =	ssyncadd.s32 $0xFFFFD800  }
0x2a: {  	_ =	sfence.sel $0x180000  }
0x2b: {  	[bflag:$0x0] =	sbarrier.arrive $0xFFFF  }
0x2c: {  	p0 =	sne.s32 s0, $0x0;
	_ =	strace $0x90000047  }
0x2d: {  	s0 =	sadd.s32 @!p0 $0x100000, s1;
	[bflag:$0x2] =	sbarrier.arrive $0xFFFF  }
0x2e: {  	[sflag:s0] =	ssyncadd.tile.s32 @!p0 $0x1;
	_ =	shalt  }
.Lfunc_end2:
_tile_overlayer_lowered:
.L_overlay_start_2:
0x2f: {  	(tag) =	ssettag $0x2  }
0x30: {  	s0 =	rddreg [dreg:$0x0];
	s2 =	stileid.u32  }
0x31: {  	s1 =	rddreg [dreg:$0x1];
	p0 =	sne.s32 s2, $0x0  }
0x32: {  	s3 =	rddreg [dreg:$0x2];
	[bflag:$0x3] =	sbarrier.arrive $0xFFFF;
	s2 =	simm.s32 @!p0 $0x1C01  }
0x33: {  	[timem:s3], [sflag:s2] =	dma.local @!p0 [hbm:s0], s1  }
0x34: {  	s0 =	simm.s32 @!p0 $0x1  }
0x35: {  	_ =	swait.ge @!p0 [sflag:s0], s1  }
0x36: {  	s1 =	ssub.s32 @!p0 $0x0, s1;
	[sflag:s0] =	ssyncset.done @!p0 $0x0  }
0x37: {  	[sflag:s0] =	ssyncadd.s32 @!p0 s1  }
0x38: {  	[bflag:$0x3] =	sbarrier.arrive $0xFFFF  }
0x39: {  	_ =	shalt  }

// kernel: kernel.15.cloned.1.call-start
scs
__scs_entry_jumppad:
0x0: {  	(pc) =	sbr.rel $0x88, $3  }
0x1: {  	(tag) =	ssettag $0x0;
	lr =	simm.s32 $0x1  }
0x2: {  	[smem:$0x3F91] =	sst lr;
	_ =	strace $0xD0000000  }
0x3: {  	_ = 	snop  }
0x4: {  	_ = 	snop  }
0x5: {  	_ = 	snop  }
0x6: {  	_ = 	snop  }
0x7: {  	_ = 	snop  }
__scs_overlays_trampoline_lowered:
0x8: {  	[smem:$0x3FA0] =	sst s0  }
0x9: {  	[smem:$0x3FA1] =	sst s1  }
0xa: {  	[smem:$0x3FA2] =	sst s2  }
0xb: {  	[smem:$0x3FA3] =	sst s3  }
0xc: {  	[smem:$0x3FA4] =	sst s4  }
0xd: {  	[smem:$0x3FA5] =	sst s5  }
0xe: {  	[smem:$0x3FA6] =	sst s6  }
0xf: {  	[smem:$0x3FA7] =	sst s7  }
0x10: {  	[smem:$0x3FA8] =	sst s8  }
0x11: {  	[smem:$0x3FA9] =	sst s9;
	s0 =	simm.s32 @!p0 $0x0  }
0x12: {  	s1 =	sld [smem:$0x3F8F];
	s0 =	simm.s32 @p0 $0x1  }
0x13: {  	[smem:$0x3FAA] =	sst s0;
	s0 =	simm.s32 @!p1 $0x0  }
0x14: {  	s2 =	sld [smem:$0x3F8E];
	s0 =	simm.s32 @p1 $0x1  }
0x15: {  	[smem:$0x3FAB] =	sst s0;
	s0 =	simm.s32 @!p2 $0x0  }
0x16: {  	s3 =	sld [smem:$0x3FDB];
	s0 =	simm.s32 @p2 $0x1  }
0x17: {  	s4 =	simm.s32 $0x1BF5;
	[smem:$0x3FAD] =	sst s0  }
0x18: {  	s0 =	sld [smem:$0x3F90];
	_ =	swait.ge [sflag:s4], $0x0  }
0x19: {  	s7 =	sld [smem:$0x3F91]  }
0x1a: {  	s8 =	sadd.s32 $0xFFFFE003, lr  }
0x1b: {  	s9 =	sadd.s32 $0xFFFFFEF7, lr;
	s5 =	simm.s32 $0xFFFFFFFF;
	p2 =	slt.u32 s8, $0xFFFFF086  }
0x1c: {  	p1 =	slt.u32 s9, $0xF7A;
	s5 =	simm.s32 @!p2 $0x0  }
0x1d: {  	s5 =	simm.s32 @p1 $0x1;
	p0 =	seq.s32 s7, s2  }
0x1e: {  	s7 =	smul.u32 @!p0 $0xF7A, s2;
	p2 =	seq.s32 @!p0 s5, $0x0  }
0x1f: {  	s9 =	smul.u32 $0xF7A, s1;
	s8 =	simm.s32 @!p0 $0x1BF5;
	p2 =	por !p2, p0  }
0x20: {  	[sflag:s8] =	ssyncset.s32 @!p0 $0xFFFFF086;
	s6 =	sadd.s32 @!p0 s3, s7;
	s7 =	simm.s32 @!p0 $0x108  }
0x21: {  	s3 =	sadd.s32 s3, s9;
	s6 =	sadd.s32 @!p0 $0x88, s6;
	s7 =	simm.s32 @p2 $0x1082  }
0x22: {  	[simem:s7], [sflag:s8] =	dma.local @!p0 [hbm:s6], $0xF7A  }
0x23: {  	s9 =	sor.u32 $0xD0000000, s2;
	s6 =	simm.s32 $0x108;
	_ =	swait.ge @!p0 [sflag:s8], $0x0  }
0x24: {  	s3 =	sadd.s32 $0x88, s3;
	s6 =	simm.s32 @!p1 $0x1082;
	[sflag:s4] =	ssyncset.s32 $0xFFFFF086  }
0x25: {  	[simem:s6], [sflag:s4] =	dma.local [hbm:s3], $0xF7A  }
0x26: {  	[smem:$0x3F91] =	sst s1;
	(tag) =	ssettag s2;
	_ =	strace s9  }
0x27: {  	s1 =	sld [smem:$0x3FA1]  }
0x28: {  	s2 =	sld [smem:$0x3FA2]  }
0x29: {  	s4 =	sld [smem:$0x3FA4]  }
0x2a: {  	p0 =	seq.s32 s5, $0x0;
	s5 =	sld [smem:$0x3FA5]  }
0x2b: {  	s6 =	sld [smem:$0x3FA6]  }
0x2c: {  	s7 =	sld [smem:$0x3FA7]  }
0x2d: {  	s3 =	simm.s32 $0x108;
	s8 =	sld [smem:$0x3FA8]  }
0x2e: {  	s3 =	simm.s32 @!p0 $0x1082;
	s9 =	sld [smem:$0x3FA9]  }
0x2f: {  	lr =	sadd.s32 s0, s3;
	s0 =	sld [smem:$0x3FA0]  }
0x30: {  	s3 =	sld [smem:$0x3FA3]  }
0x31: {  	[smem:$0x3FAC] =	sst s10  }
0x32: {  	s10 =	sld [smem:$0x3FAA];
	_ =	sdelay $0x3  }
0x33: {  	p0 =	seq.s32 s10, $0x1;
	s10 =	sld [smem:$0x3FAC];
	_ =	sdelay $0x3  }
0x34: {  	[smem:$0x3FAC] =	sst s10  }
0x35: {  	s10 =	sld [smem:$0x3FAB];
	_ =	sdelay $0x3  }
0x36: {  	p1 =	seq.s32 s10, $0x1;
	s10 =	sld [smem:$0x3FAC];
	_ =	sdelay $0x3  }
0x37: {  	[smem:$0x3FAC] =	sst s10  }
0x38: {  	s10 =	sld [smem:$0x3FAD]  }
0x39: {  	_ = 	snop;
	(pc) =	sbr.ind lr, $3  }
0x3a: {  	_ = 	snop  }
0x3b: {  	_ = 	snop  }
0x3c: {  	p2 =	seq.s32 s10, $0x1;
	s10 =	sld [smem:$0x3FAC]  }
0x3d: {  	_ =	shalt  }
0x3e: {  	_ =	shalt  }
0x3f: {  	_ =	shalt  }
0x40: {  	_ =	shalt  }
0x41: {  	_ =	shalt  }
0x42: {  	_ =	shalt  }
0x43: {  	_ =	shalt  }
0x44: {  	_ =	shalt  }
0x45: {  	_ =	shalt  }
0x46: {  	_ =	shalt  }
0x47: {  	_ =	shalt  }
0x48: {  	_ =	shalt  }
0x49: {  	_ =	shalt  }
0x4a: {  	_ =	shalt  }
0x4b: {  	_ =	shalt  }
0x4c: {  	_ =	shalt  }
0x4d: {  	_ =	shalt  }
0x4e: {  	_ =	shalt  }
0x4f: {  	_ =	shalt  }
0x50: {  	_ =	shalt  }
0x51: {  	_ =	shalt  }
0x52: {  	_ =	shalt  }
0x53: {  	_ =	shalt  }
0x54: {  	_ =	shalt  }
0x55: {  	_ =	shalt  }
0x56: {  	_ =	shalt  }
0x57: {  	_ =	shalt  }
0x58: {  	_ =	shalt  }
0x59: {  	_ =	shalt  }
0x5a: {  	_ =	shalt  }
0x5b: {  	_ =	shalt  }
0x5c: {  	_ =	shalt  }
0x5d: {  	_ =	shalt  }
0x5e: {  	_ =	shalt  }
0x5f: {  	_ =	shalt  }
0x60: {  	_ =	shalt  }
0x61: {  	_ =	shalt  }
0x62: {  	_ =	shalt  }
0x63: {  	_ =	shalt  }
0x64: {  	_ =	shalt  }
0x65: {  	_ =	shalt  }
0x66: {  	_ =	shalt  }
0x67: {  	_ =	shalt  }
0x68: {  	_ =	shalt  }
0x69: {  	_ =	shalt  }
0x6a: {  	_ =	shalt  }
0x6b: {  	_ =	shalt  }
0x6c: {  	_ =	shalt  }
0x6d: {  	_ =	shalt  }
0x6e: {  	_ =	shalt  }
0x6f: {  	_ =	shalt  }
0x70: {  	_ =	shalt  }
0x71: {  	_ =	shalt  }
0x72: {  	_ =	shalt  }
0x73: {  	_ =	shalt  }
0x74: {  	_ =	shalt  }
0x75: {  	_ =	shalt  }
0x76: {  	_ =	shalt  }
0x77: {  	_ =	shalt  }
0x78: {  	_ =	shalt  }
0x79: {  	_ =	shalt  }
0x7a: {  	_ =	shalt  }
0x7b: {  	_ =	shalt  }
0x7c: {  	_ =	shalt  }
0x7d: {  	_ =	shalt  }
0x7e: {  	_ =	shalt  }
0x7f: {  	_ =	shalt  }
0x80: {  	_ =	shalt  }
0x81: {  	_ =	shalt  }
0x82: {  	_ =	shalt  }
0x83: {  	_ =	shalt  }
0x84: {  	_ =	shalt  }
0x85: {  	_ =	shalt  }
0x86: {  	_ =	shalt  }
0x87: {  	_ =	shalt  }
.Lfunc_end0:
.L_simem_size_0:
called_computation.1_lowered:
.L_overlay_start_0:
0x88: {  	s2 =	sld [smem:$0x3FD9]  }
0x89: {  	s3 =	sld [smem:$0x3FFE];
	_ =	sdelay $0x1  }
0x8a: {  	s1 =	srdreg.scid  }
0x8b: {  	s0 =	sand.u32 $0x1, s1  }
0x8c: {  	s16 =	sshll.u32 s0, $0xA;
	s2 =	sadd.s32 s3, s2  }
0x8d: {  	s2 =	sadd.s32 s2, s16  }
0x8e: {  	[smem:$0x3FB8] =	sst s2  }
0x8f: {  	_ = 	snop  }
0x90: {  	(tm) =	ssettm $0x1  }
0x91: {  	s17 =	sld [smem:$0x3FFB];
	_ =	sdelay $0x3  }
0x92: {  	_ =	strace s17  }
0x93: {  	s2 =	sld [smem:$0x3FFC];
	_ =	sdelay $0x3  }
0x94: {  	_ =	strace s2  }
0x95: {  	s2 =	sld [smem:$0x3FFD];
	_ =	sdelay $0x3  }
0x96: {  	_ =	strace s2  }
0x97: {  	_ =	strace $0x8FFFFFFF  }
0x98: {  	s18 =	sld [smem:$0x3FDB];
	_ =	sdelay $0x1  }
0x99: {  	s19 =	simm.s32 $_scs_section_size  }
0x9a: {  	s4 =	simm.s32 $_size__tile_overlayer_lowered;
	s5 =	simm.s32 $_tile_overlayer_lowered  }
0x9b: {  	s22 =	simm.s32 $0x1BFF;
	s21 =	sshll.u32 s5, $0x1;
	s2 =	sadd.s32 s19, s18  }
0x9c: {  	s6 =	simm.s32 $0x0;
	s20 =	sshll.u32 s4, $0x1;
	s4 =	sadd.s32 s21, s2  }
0x9d: {  	[timem:s6], [sflag:s22] =	dma.local [hbm:s4], s20  }
0x9e: {  	_ =	swait.ge [sflag:s22], s20  }
0x9f: {  	s3 =	ssub.s32 $0x0, s20;
	[sflag:s22] =	ssyncset.done $0x0  }
0xa0: {  	[sflag:s22] =	ssyncadd.s32 s3;
	_ =	sdelay $0x1  }
0xa1: {  	s23 =	simm.s32 $0x1B8B  }
0xa2: {  	_ =	swait.ge [sflag:s23], $0x1  }
0xa3: {  	[sflag:s23] =	ssyncset.done $0x0  }
0xa4: {  	s25 =	simm.s32 $0x1B8E;
	s24 =	sld [smem:$0x3FFE];
	[sflag:s23] =	ssyncadd.s32 $0xFFFFFFFF  }
0xa5: {  	s26 =	simm.s32 $execute0_lowered;
	[smem:$0x3FD2] =	sst s25  }
0xa6: {  	s4 =	sshll.u32 s26, $0x1;
	_ =	strace $0x80000049;
	[dreg:$0x1] =	wrdreg $0xFFFFFFFF  }
0xa7: {  	s28 =	simm.s32 $_size_execute0_lowered;
	s2 =	sadd.s32 s2, s4;
	[dreg:$0x0] =	wrdreg $0x0  }
0xa8: {  	s4 =	sshll.u32 s28, $0x1;
	[dreg:$0x2] =	wrdreg s2  }
0xa9: {  	[dreg:$0x3] =	wrdreg s4  }
0xaa: {  	[dreg:$0x4] =	wrdreg $0xC0  }
0xab: {  	_ =	task [dreg:s6], $0x5FFFF  }
0xac: {  	[dreg:$0x1] =	wrdreg $0xFFFFFFFF  }
0xad: {  	[dreg:$0x0] =	wrdreg $0x60  }
0xae: {  	[dreg:$0x2] =	wrdreg s24  }
0xaf: {  	[dreg:$0x3] =	wrdreg $0x0  }
0xb0: {  	[dreg:$0x4] =	wrdreg $0x9  }
0xb1: {  	_ =	task.clear_ibuf [dreg:s6], $0x5FFFF;
	_ =	strace $0x90000049  }
0xb2: {  	s29 =	simm.s32 $0x9;
	_ =	strace $0x8000004B  }
0xb3: {  	_ =	swait.ge [sflag:s29], $0x1  }
0xb4: {  	[sflag:s29] =	ssyncadd.s32 $0xFFFFFFFF  }
0xb5: {  	_ =	strace $0x9000004B  }
0xb6: {  	_ =	sfence  }
0xb7: {  	s30 =	sld [smem:$0x0];
	_ =	sdelay $0x2  }
0xb8: {  	s31 =	sshll.u32 s1, $0xD;
	s1 =	sshrl.u32 s1, $0x2  }
0xb9: {  	s3 =	sand.u32 $0x4000, s31;
	s1 =	sadd.s32 s1, s30  }
0xba: {  	s0 =	sor.u32 s3, s0;
	s1 =	sshll.u32 s1, $0x11  }
0xbb: {  	s0 =	sor.u32 s1, s0  }
0xbc: {  	s0 =	sadd.s32 $0x8F2B, s0  }
0xbd: {  	[sflag:s0] =	ssyncadd.remote.s32 $0x1  }
0xbe: {  	_ =	sfence.sel $0xFFFF  }
0xbf: {  	[dreg:$0x0] =	wrdreg $0xFFFFFFFF;
	(pc) =	sbr.abs _section_cstart, $3  }
0xc0: {  	[dreg:$0x1] =	wrdreg $0xFFFFFFFF  }
0xc1: {  	_ =	task.clear_ibuf [dreg:s6], $0x2FFFF;
	_ =	strace $0x9FFFFFFF  }
0xc2: {  	(tm) =	ssettm $0x7FFFFFFF  }
0xc3: {  	_ =	shalt  }
tec
execute0_lowered:
.L_overlay_start_1:
0x0: {  	(tag) =	ssettag $0x1  }
0x1: {  	s1 =	srdreg.scid;
	s6 =	rddreg [dreg:$0x0]  }
0x2: {  	s0 =	stileid.u32;
	s2 =	rddreg [dreg:$0x1]  }
0x3: {  	s3 =	simm.s32 $0x0;
	s14 =	simm.s32 $0x80;
	s15 =	simm.s32 $0x16800  }
0x4: {  	s16 =	simm.s32 $0x14100;
	s17 =	simm.s32 $0x1A800;
	s18 =	simm.s32 $0x1  }
0x5: {  	s19 =	simm.s32 $0x14080;
	s20 =	simm.s32 $0x3;
	s21 =	simm.s32 $0x14200  }
0x6: {  	s22 =	simm.s32 $0x2;
	s23 =	simm.s32 $0x14180;
	s28 =	simm.s32 $0x16780  }
0x7: {  	s29 =	simm.s32 $0x0;
	s5 =	sand.u32 $0x1, s1;
	s7 =	smul.u32 $0x14000, s0  }
0x8: {  	s24 =	sshll.u32 s0, $0x1;
	[smem:$0x7FF] =	sst s3;
	s25 =	smul.u32 $0x50000, s0  }
0x9: {  	s31 =	sshll.u32 s0, $0x6;
	s1 =	sor.u32 s5, s24;
	s9 =	smul.u32 $0x140000, s5  }
0xa: {  	_ =	strace $0x8000004A;
	s5 =	ssub.s32 $0x2, s5;
	s24 =	simm.s32 $0x4  }
0xb: {  	s4 =	smul.u32 $0x5000, s1;
	s10 =	sshrl.u32 s7, $0x3;
	s26 =	sshrl.u32 s5, $0x1  }
0xc: {  	s30 =	sshrl.u32 s25, $0x2;
	s25 =	simm.s32 $0x16700;
	s7 =	sadd.s32 s7, s9  }
0xd: {  	s10 =	sadd.s32 s10, s6;
	s12 =	ssub.s32 s5, s26;
	s13 =	sadd.s32 s30, s2  }
0xe: {  	s26 =	simm.s32 $0x16680;
	s8 =	sshrl.u32 s4, $0x3;
	s4 =	sadd.s32 $0x1AA00, s6  }
0xf: {  	s7 =	sshrl.u32 s7, $0x3;
	s5 =	sadd.s32 $0x6AA00, s10;
	s10 =	smax.u32 s12, $0x1  }
0x10: {  	s12 =	simm.s32 $0x5;
	s8 =	sadd.s32 s8, s6;
	s11 =	sadd.s32 s7, s6  }
0x11: {  	s6 =	sor.u32 $0x1C05, s31;
	s7 =	sadd.s32 $0x6A00, s8;
	s8 =	sadd.s32 $0x6F00, s8  }
0x12: {  	s9 =	sadd.s32 $0x92A00, s11;
	s11 =	sshrl.u32 s13, $0x3;
	s13 =	simm.s32 $0x14000  }
.LBB2_1:
0x13: {  	[spmem:s11], [sflag:s6] =	dma.local [hbm:s5], $0x2800  }
0x14: {  	_ =	swait.ge [sflag:s12], $0x2800  }
0x15: {  	[sflag:s12] =	ssyncset.done $0x0  }
0x16: {  	[sflag:s12] =	ssyncadd.s32 $0xFFFFD800  }
0x17: {  	[bflag:$0x0] =	sbarrier.arrive $0xFFFF  }
0x18: {  	[tilespmem:s13], [sflag:$0x5] =	stream.linear.gather [hbm4b:s7+s3], $0x2800, $0x38;
	[tilespmem:$0x1E800] =	vst v63  }
0x19: {  	_ =	swait.ge [sflag:s12], $0x2800  }
0x1a: {  	[sflag:s12] =	ssyncset.done $0x0  }
0x1b: {  	[sflag:s12] =	ssyncadd.s32 $0xFFFFD800  }
0x1c: {  	[tilespmem:s15], [sflag:$0x1] =	stream.indirect.gather [hbm4b:s4+s14], $0x80, s13, s14, $0xb8;
	[tilespmem:$0x1E800] =	vst v63  }
0x1d: {  	_ = 	snop  }
0x1e: {  	[tilespmem:s17], [sflag:$0x2] =	stream.indirect.gather [hbm4b:s4+s14], $0x80, s16, s14, $0xb8;
	[tilespmem:$0x1E800] =	vst v63  }
0x1f: {  	_ =	swait.ge [sflag:s18], $0x4000  }
0x20: {  	[sflag:s18] =	ssyncset.done $0x0  }
0x21: {  	[sflag:s18] =	ssyncadd.s32 $0xFFFFC000  }
0x22: {  	[spmem:s2] =	stream.indirect.scatter.add.f32 [tilespmem:s15], [sflag:$0x3], $0x80, s19, s14, $0xb8;
	[tilespmem:$0x1E800] =	vst v63  }
0x23: {  	_ =	swait.ge [sflag:s20], $0x4000  }
0x24: {  	[sflag:s20] =	ssyncset.done $0x0  }
0x25: {  	[sflag:s20] =	ssyncadd.s32 $0xFFFFC000  }
0x26: {  	[tilespmem:s15], [sflag:$0x1] =	stream.indirect.gather [hbm4b:s4+s14], $0x80, s21, s14, $0xb8;
	[tilespmem:$0x1E800] =	vst v63  }
0x27: {  	_ =	swait.ge [sflag:s22], $0x4000  }
0x28: {  	[sflag:s22] =	ssyncset.done $0x0  }
0x29: {  	[sflag:s22] =	ssyncadd.s32 $0xFFFFC000  }
0x2a: {  	[spmem:s2] =	stream.indirect.scatter.add.f32 [tilespmem:s17], [sflag:$0x4], $0x80, s23, s14, $0xb8;
	[tilespmem:$0x1E800] =	vst v63  }
0x2b: {  	_ =	swait.ge [sflag:s24], $0x4000  }
0x2c: {  	[sflag:s24] =	ssyncset.done $0x0  }
0x2d: {  	s30 =	simm.s32 $0x14300;
	[sflag:s24] =	ssyncadd.s32 $0xFFFFC000  }
0x2e: {  	[tilespmem:s17], [sflag:$0x2] =	stream.indirect.gather [hbm4b:s4+s14], $0x80, s30, s14, $0xb8;
	[tilespmem:$0x1E800] =	vst v63  }
0x2f: {  	_ =	swait.ge [sflag:s18], $0x4000  }
0x30: {  	[sflag:s18] =	ssyncset.done $0x0  }
0x31: {  	s30 =	simm.s32 $0x14280;
	[sflag:s18] =	ssyncadd.s32 $0xFFFFC000  }
0x32: {  	[spmem:s2] =	stream.indirect.scatter.add.f32 [tilespmem:s15], [sflag:$0x3], $0x80, s30, s14, $0xb8;
	[tilespmem:$0x1E800] =	vst v63  }
0x33: {  	_ =	swait.ge [sflag:s20], $0x4000  }
0x34: {  	[sflag:s20] =	ssyncset.done $0x0  }
0x35: {  	s30 =	simm.s32 $0x14400;
	[sflag:s20] =	ssyncadd.s32 $0xFFFFC000  }
0x36: {  	[tilespmem:s15], [sflag:$0x1] =	stream.indirect.gather [hbm4b:s4+s14], $0x80, s30, s14, $0xb8;
	[tilespmem:$0x1E800] =	vst v63  }
0x37: {  	_ =	swait.ge [sflag:s22], $0x4000  }
0x38: {  	[sflag:s22] =	ssyncset.done $0x0  }
0x39: {  	s31 =	simm.s32 $0x14380;
	s30 =	simm.s32 $0xFFFF7800;
	[sflag:s22] =	ssyncadd.s32 $0xFFFFC000  }
.LBB2_2:
0x3a: {  	[spmem:s2] =	stream.indirect.scatter.add.f32 [tilespmem:s17], [sflag:$0x4], $0x80, s31, s14, $0xb8;
	[tilespmem:$0x1E800] =	vst v63  }
0x3b: {  	s31 =	smov.u32 s30  }
0x3c: {  	p0 =	sne.s32 s30, $0xFFFFF800;
	s30 =	sadd.s32 $0x800, s30;
	_ =	swait.ge [sflag:s24], $0x4000  }
0x3d: {  	s31 =	sshra.s32 s31, $0x2;
	[sflag:s24] =	ssyncset.done $0x0  }
0x3e: {  	s1 =	sadd.s32 $0x16700, s31;
	[sflag:s24] =	ssyncadd.s32 $0xFFFFC000  }
0x3f: {  	[tilespmem:s17], [sflag:$0x2] =	stream.indirect.gather [hbm4b:s4+s14], $0x80, s1, s14, $0xb8;
	[tilespmem:$0x1E800] =	vst v63  }
0x40: {  	_ =	swait.ge [sflag:s18], $0x4000  }
0x41: {  	[sflag:s18] =	ssyncset.done $0x0  }
0x42: {  	s1 =	sadd.s32 $0x16680, s31;
	[sflag:s18] =	ssyncadd.s32 $0xFFFFC000  }
0x43: {  	[spmem:s2] =	stream.indirect.scatter.add.f32 [tilespmem:s15], [sflag:$0x3], $0x80, s1, s14, $0xb8;
	[tilespmem:$0x1E800] =	vst v63  }
0x44: {  	_ =	swait.ge [sflag:s20], $0x4000  }
0x45: {  	[sflag:s20] =	ssyncset.done $0x0  }
.Ltmp0:
0x46: {  	s1 =	sadd.s32 $0x16800, s31;
	[sflag:s20] =	ssyncadd.s32 $0xFFFFC000;
	(pc) =	sbr.rel @p0 .LBB2_2-.Ltmp0, $4  }
0x47: {  	[tilespmem:s15], [sflag:$0x1] =	stream.indirect.gather [hbm4b:s4+s14], $0x80, s1, s14, $0xb8;
	[tilespmem:$0x1E800] =	vst v63  }
0x48: {  	_ =	swait.ge [sflag:s22], $0x4000  }
0x49: {  	[sflag:s22] =	ssyncset.done $0x0  }
0x4a: {  	s31 =	sadd.s32 $0x16780, s31;
	[sflag:s22] =	ssyncadd.s32 $0xFFFFC000  }
0x4b: {  	[spmem:s2] =	stream.indirect.scatter.add.f32 [tilespmem:s17], [sflag:$0x4], $0x80, s31, s14, $0xb8;
	[tilespmem:$0x1E800] =	vst v63  }
0x4c: {  	_ =	swait.ge [sflag:s24], $0x4000  }
0x4d: {  	[sflag:s24] =	ssyncset.done $0x0  }
0x4e: {  	[sflag:s24] =	ssyncadd.s32 $0xFFFFC000  }
0x4f: {  	[tilespmem:s17], [sflag:$0x2] =	stream.indirect.gather [hbm4b:s4+s14], $0x80, s25, s14, $0xb8;
	[tilespmem:$0x1E800] =	vst v63  }
0x50: {  	_ =	swait.ge [sflag:s18], $0x4000  }
0x51: {  	[sflag:s18] =	ssyncset.done $0x0  }
0x52: {  	[sflag:s18] =	ssyncadd.s32 $0xFFFFC000  }
0x53: {  	[spmem:s2] =	stream.indirect.scatter.add.f32 [tilespmem:s15], [sflag:$0x3], $0x80, s26, s14, $0xb8;
	[tilespmem:$0x1E800] =	vst v63  }
0x54: {  	_ =	swait.ge [sflag:s22], $0x4000  }
0x55: {  	[sflag:s22] =	ssyncset.done $0x0  }
0x56: {  	[sflag:s22] =	ssyncadd.s32 $0xFFFFC000  }
0x57: {  	[spmem:s2] =	stream.indirect.scatter.add.f32 [tilespmem:s17], [sflag:$0x4], $0x80, s28, s14, $0xb8;
	[tilespmem:$0x1E800] =	vst v63  }
0x58: {  	_ =	swait.ge [sflag:s20], $0x4000  }
0x59: {  	[sflag:s20] =	ssyncset.done $0x0  }
0x5a: {  	[sflag:s20] =	ssyncadd.s32 $0xFFFFC000  }
0x5b: {  	_ =	swait.ge [sflag:s24], $0x4000  }
0x5c: {  	[sflag:s24] =	ssyncset.done $0x0  }
0x5d: {  	[sflag:s24] =	ssyncadd.s32 $0xFFFFC000  }
0x5e: {  	[tilespmem:s13], [sflag:$0x5] =	stream.linear.gather [hbm4b:s8+s3], $0x2800, $0x38;
	[tilespmem:$0x1E800] =	vst v63  }
0x5f: {  	_ =	swait.ge [sflag:s12], $0x2800  }
0x60: {  	[sflag:s12] =	ssyncset.done $0x0  }
0x61: {  	[sflag:s12] =	ssyncadd.s32 $0xFFFFD800  }
0x62: {  	[tilespmem:s15], [sflag:$0x1] =	stream.indirect.gather [hbm4b:s4+s14], $0x80, s13, s14, $0xb8;
	[tilespmem:$0x1E800] =	vst v63  }
0x63: {  	_ = 	snop  }
0x64: {  	[tilespmem:s17], [sflag:$0x2] =	stream.indirect.gather [hbm4b:s4+s14], $0x80, s16, s14, $0xb8;
	[tilespmem:$0x1E800] =	vst v63  }
0x65: {  	_ =	swait.ge [sflag:s18], $0x4000  }
0x66: {  	[sflag:s18] =	ssyncset.done $0x0  }
0x67: {  	[sflag:s18] =	ssyncadd.s32 $0xFFFFC000  }
0x68: {  	[spmem:s2] =	stream.indirect.scatter.add.f32 [tilespmem:s15], [sflag:$0x3], $0x80, s19, s14, $0xb8;
	[tilespmem:$0x1E800] =	vst v63  }
0x69: {  	_ =	swait.ge [sflag:s20], $0x4000  }
0x6a: {  	[sflag:s20] =	ssyncset.done $0x0  }
0x6b: {  	[sflag:s20] =	ssyncadd.s32 $0xFFFFC000  }
0x6c: {  	[tilespmem:s15], [sflag:$0x1] =	stream.indirect.gather [hbm4b:s4+s14], $0x80, s21, s14, $0xb8;
	[tilespmem:$0x1E800] =	vst v63  }
0x6d: {  	_ =	swait.ge [sflag:s22], $0x4000  }
0x6e: {  	[sflag:s22] =	ssyncset.done $0x0  }
0x6f: {  	[sflag:s22] =	ssyncadd.s32 $0xFFFFC000  }
0x70: {  	[spmem:s2] =	stream.indirect.scatter.add.f32 [tilespmem:s17], [sflag:$0x4], $0x80, s23, s14, $0xb8;
	[tilespmem:$0x1E800] =	vst v63  }
0x71: {  	_ =	swait.ge [sflag:s24], $0x4000  }
0x72: {  	[sflag:s24] =	ssyncset.done $0x0  }
0x73: {  	s1 =	simm.s32 $0x14300;
	[sflag:s24] =	ssyncadd.s32 $0xFFFFC000  }
0x74: {  	[tilespmem:s17], [sflag:$0x2] =	stream.indirect.gather [hbm4b:s4+s14], $0x80, s1, s14, $0xb8;
	[tilespmem:$0x1E800] =	vst v63  }
0x75: {  	_ =	swait.ge [sflag:s18], $0x4000  }
0x76: {  	[sflag:s18] =	ssyncset.done $0x0  }
0x77: {  	s1 =	simm.s32 $0x14280;
	[sflag:s18] =	ssyncadd.s32 $0xFFFFC000  }
0x78: {  	[spmem:s2] =	stream.indirect.scatter.add.f32 [tilespmem:s15], [sflag:$0x3], $0x80, s1, s14, $0xb8;
	[tilespmem:$0x1E800] =	vst v63  }
0x79: {  	_ =	swait.ge [sflag:s20], $0x4000  }
0x7a: {  	[sflag:s20] =	ssyncset.done $0x0  }
0x7b: {  	s1 =	simm.s32 $0x14400;
	[sflag:s20] =	ssyncadd.s32 $0xFFFFC000  }
0x7c: {  	[tilespmem:s15], [sflag:$0x1] =	stream.indirect.gather [hbm4b:s4+s14], $0x80, s1, s14, $0xb8;
	[tilespmem:$0x1E800] =	vst v63  }
0x7d: {  	_ =	swait.ge [sflag:s22], $0x4000  }
0x7e: {  	[sflag:s22] =	ssyncset.done $0x0  }
0x7f: {  	s30 =	simm.s32 $0xFFFF7800;
	s31 =	simm.s32 $0x14380;
	[sflag:s22] =	ssyncadd.s32 $0xFFFFC000  }
.LBB2_4:
0x80: {  	[spmem:s2] =	stream.indirect.scatter.add.f32 [tilespmem:s17], [sflag:$0x4], $0x80, s31, s14, $0xb8;
	[tilespmem:$0x1E800] =	vst v63  }
0x81: {  	s1 =	smov.u32 s30  }
0x82: {  	p0 =	sne.s32 s30, $0xFFFFF800;
	s30 =	sadd.s32 $0x800, s30;
	_ =	swait.ge [sflag:s24], $0x4000  }
0x83: {  	s1 =	sshra.s32 s1, $0x2;
	[sflag:s24] =	ssyncset.done $0x0  }
0x84: {  	s31 =	sadd.s32 $0x16700, s1;
	[sflag:s24] =	ssyncadd.s32 $0xFFFFC000  }
0x85: {  	[tilespmem:s17], [sflag:$0x2] =	stream.indirect.gather [hbm4b:s4+s14], $0x80, s31, s14, $0xb8;
	[tilespmem:$0x1E800] =	vst v63  }
0x86: {  	_ =	swait.ge [sflag:s18], $0x4000  }
0x87: {  	[sflag:s18] =	ssyncset.done $0x0  }
0x88: {  	s31 =	sadd.s32 $0x16680, s1;
	[sflag:s18] =	ssyncadd.s32 $0xFFFFC000  }
0x89: {  	[spmem:s2] =	stream.indirect.scatter.add.f32 [tilespmem:s15], [sflag:$0x3], $0x80, s31, s14, $0xb8;
	[tilespmem:$0x1E800] =	vst v63  }
0x8a: {  	_ =	swait.ge [sflag:s20], $0x4000  }
0x8b: {  	[sflag:s20] =	ssyncset.done $0x0  }
.Ltmp1:
0x8c: {  	s31 =	sadd.s32 $0x16800, s1;
	[sflag:s20] =	ssyncadd.s32 $0xFFFFC000;
	(pc) =	sbr.rel @p0 .LBB2_4-.Ltmp1, $4  }
0x8d: {  	[tilespmem:s15], [sflag:$0x1] =	stream.indirect.gather [hbm4b:s4+s14], $0x80, s31, s14, $0xb8;
	[tilespmem:$0x1E800] =	vst v63  }
0x8e: {  	_ =	swait.ge [sflag:s22], $0x4000  }
0x8f: {  	[sflag:s22] =	ssyncset.done $0x0  }
0x90: {  	s31 =	sadd.s32 $0x16780, s1;
	[sflag:s22] =	ssyncadd.s32 $0xFFFFC000  }
0x91: {  	[spmem:s2] =	stream.indirect.scatter.add.f32 [tilespmem:s17], [sflag:$0x4], $0x80, s31, s14, $0xb8;
	[tilespmem:$0x1E800] =	vst v63  }
0x92: {  	_ =	swait.ge [sflag:s24], $0x4000  }
0x93: {  	[sflag:s24] =	ssyncset.done $0x0  }
0x94: {  	[sflag:s24] =	ssyncadd.s32 $0xFFFFC000  }
0x95: {  	[tilespmem:s17], [sflag:$0x2] =	stream.indirect.gather [hbm4b:s4+s14], $0x80, s25, s14, $0xb8;
	[tilespmem:$0x1E800] =	vst v63  }
0x96: {  	_ =	swait.ge [sflag:s18], $0x4000  }
0x97: {  	[sflag:s18] =	ssyncset.done $0x0  }
0x98: {  	[sflag:s18] =	ssyncadd.s32 $0xFFFFC000  }
0x99: {  	[spmem:s2] =	stream.indirect.scatter.add.f32 [tilespmem:s15], [sflag:$0x3], $0x80, s26, s14, $0xb8;
	[tilespmem:$0x1E800] =	vst v63  }
0x9a: {  	_ =	swait.ge [sflag:s22], $0x4000  }
0x9b: {  	[sflag:s22] =	ssyncset.done $0x0  }
0x9c: {  	[sflag:s22] =	ssyncadd.s32 $0xFFFFC000  }
0x9d: {  	[spmem:s2] =	stream.indirect.scatter.add.f32 [tilespmem:s17], [sflag:$0x4], $0x80, s28, s14, $0xb8;
	[tilespmem:$0x1E800] =	vst v63  }
0x9e: {  	_ =	swait.ge [sflag:s20], $0x4000  }
0x9f: {  	[sflag:s20] =	ssyncset.done $0x0  }
0xa0: {  	[sflag:s20] =	ssyncadd.s32 $0xFFFFC000  }
0xa1: {  	_ =	swait.ge [sflag:s24], $0x4000  }
0xa2: {  	s29 =	sadd.s32 $0x1, s29;
	[sflag:s24] =	ssyncset.done $0x0  }
0xa3: {  	p0 =	sne.s32 s29, s10;
	[sflag:s24] =	ssyncadd.s32 $0xFFFFC000  }
.Ltmp2:
0xa4: {  	[bflag:$0x0] =	sbarrier.arrive $0xFFFF;
	(pc) =	sbr.rel @p0 .LBB2_1-.Ltmp2, $4  }
0xa5: {  	[hbm:s9], [sflag:s6] =	dma.local [spmem:s11], $0x2800  }
0xa6: {  	_ =	swait.ge [sflag:s12], $0x2800  }
0xa7: {  	[sflag:s12] =	ssyncset.done $0x0  }
0xa8: {  	[sflag:s12] =	ssyncadd.s32 $0xFFFFD800  }
0xa9: {  	_ =	sfence.sel $0x180000  }
0xaa: {  	[bflag:$0x0] =	sbarrier.arrive $0xFFFF  }
0xab: {  	_ =	strace $0x9000004A  }
0xac: {  	[bflag:$0x2] =	sbarrier.arrive $0xFFFF  }
0xad: {  	p0 =	sne.s32 s0, $0x0;
	s0 =	rddreg [dreg:$0x2]  }
0xae: {  	s0 =	sadd.s32 @!p0 $0x100000, s0  }
0xaf: {  	[sflag:s0] =	ssyncadd.tile.s32 @!p0 $0x1;
	_ =	shalt  }
.Lfunc_end2:
_tile_overlayer_lowered:
.L_overlay_start_2:
0xb0: {  	(tag) =	ssettag $0x2  }
0xb1: {  	s0 =	rddreg [dreg:$0x0];
	s2 =	stileid.u32  }
0xb2: {  	s1 =	rddreg [dreg:$0x1];
	p0 =	sne.s32 s2, $0x0  }
0xb3: {  	s3 =	rddreg [dreg:$0x2];
	[bflag:$0x3] =	sbarrier.arrive $0xFFFF;
	s2 =	simm.s32 @!p0 $0x1C05  }
0xb4: {  	[timem:s3], [sflag:s2] =	dma.local @!p0 [hbm:s0], s1  }
0xb5: {  	s0 =	simm.s32 @!p0 $0x5  }
0xb6: {  	_ =	swait.ge @!p0 [sflag:s0], s1  }
0xb7: {  	s1 =	ssub.s32 @!p0 $0x0, s1;
	[sflag:s0] =	ssyncset.done @!p0 $0x0  }
0xb8: {  	[sflag:s0] =	ssyncadd.s32 @!p0 s1  }
0xb9: {  	[bflag:$0x3] =	sbarrier.arrive $0xFFFF  }
0xba: {  	_ =	shalt  }

// kernel: kernel.18.cloned.1.call-start
scs
__scs_entry_jumppad:
0x0: {  	(pc) =	sbr.rel $0x88, $3  }
0x1: {  	(tag) =	ssettag $0x0;
	lr =	simm.s32 $0x1  }
0x2: {  	[smem:$0x3F91] =	sst lr;
	_ =	strace $0xD0000000  }
0x3: {  	_ = 	snop  }
0x4: {  	_ = 	snop  }
0x5: {  	_ = 	snop  }
0x6: {  	_ = 	snop  }
0x7: {  	_ = 	snop  }
__scs_overlays_trampoline_lowered:
0x8: {  	[smem:$0x3FA0] =	sst s0  }
0x9: {  	[smem:$0x3FA1] =	sst s1  }
0xa: {  	[smem:$0x3FA2] =	sst s2  }
0xb: {  	[smem:$0x3FA3] =	sst s3  }
0xc: {  	[smem:$0x3FA4] =	sst s4  }
0xd: {  	[smem:$0x3FA5] =	sst s5  }
0xe: {  	[smem:$0x3FA6] =	sst s6  }
0xf: {  	[smem:$0x3FA7] =	sst s7  }
0x10: {  	[smem:$0x3FA8] =	sst s8  }
0x11: {  	[smem:$0x3FA9] =	sst s9;
	s0 =	simm.s32 @!p0 $0x0  }
0x12: {  	s1 =	sld [smem:$0x3F8F];
	s0 =	simm.s32 @p0 $0x1  }
0x13: {  	[smem:$0x3FAA] =	sst s0;
	s0 =	simm.s32 @!p1 $0x0  }
0x14: {  	s2 =	sld [smem:$0x3F8E];
	s0 =	simm.s32 @p1 $0x1  }
0x15: {  	[smem:$0x3FAB] =	sst s0;
	s0 =	simm.s32 @!p2 $0x0  }
0x16: {  	s3 =	sld [smem:$0x3FDB];
	s0 =	simm.s32 @p2 $0x1  }
0x17: {  	s4 =	simm.s32 $0x1BF5;
	[smem:$0x3FAD] =	sst s0  }
0x18: {  	s0 =	sld [smem:$0x3F90];
	_ =	swait.ge [sflag:s4], $0x0  }
0x19: {  	s7 =	sld [smem:$0x3F91]  }
0x1a: {  	s8 =	sadd.s32 $0xFFFFE003, lr  }
0x1b: {  	s9 =	sadd.s32 $0xFFFFFEF7, lr;
	s5 =	simm.s32 $0xFFFFFFFF;
	p2 =	slt.u32 s8, $0xFFFFF086  }
0x1c: {  	p1 =	slt.u32 s9, $0xF7A;
	s5 =	simm.s32 @!p2 $0x0  }
0x1d: {  	s5 =	simm.s32 @p1 $0x1;
	p0 =	seq.s32 s7, s2  }
0x1e: {  	s7 =	smul.u32 @!p0 $0xF7A, s2;
	p2 =	seq.s32 @!p0 s5, $0x0  }
0x1f: {  	s9 =	smul.u32 $0xF7A, s1;
	s8 =	simm.s32 @!p0 $0x1BF5;
	p2 =	por !p2, p0  }
0x20: {  	[sflag:s8] =	ssyncset.s32 @!p0 $0xFFFFF086;
	s6 =	sadd.s32 @!p0 s3, s7;
	s7 =	simm.s32 @!p0 $0x108  }
0x21: {  	s3 =	sadd.s32 s3, s9;
	s6 =	sadd.s32 @!p0 $0x88, s6;
	s7 =	simm.s32 @p2 $0x1082  }
0x22: {  	[simem:s7], [sflag:s8] =	dma.local @!p0 [hbm:s6], $0xF7A  }
0x23: {  	s9 =	sor.u32 $0xD0000000, s2;
	s6 =	simm.s32 $0x108;
	_ =	swait.ge @!p0 [sflag:s8], $0x0  }
0x24: {  	s3 =	sadd.s32 $0x88, s3;
	s6 =	simm.s32 @!p1 $0x1082;
	[sflag:s4] =	ssyncset.s32 $0xFFFFF086  }
0x25: {  	[simem:s6], [sflag:s4] =	dma.local [hbm:s3], $0xF7A  }
0x26: {  	[smem:$0x3F91] =	sst s1;
	(tag) =	ssettag s2;
	_ =	strace s9  }
0x27: {  	s1 =	sld [smem:$0x3FA1]  }
0x28: {  	s2 =	sld [smem:$0x3FA2]  }
0x29: {  	s4 =	sld [smem:$0x3FA4]  }
0x2a: {  	p0 =	seq.s32 s5, $0x0;
	s5 =	sld [smem:$0x3FA5]  }
0x2b: {  	s6 =	sld [smem:$0x3FA6]  }
0x2c: {  	s7 =	sld [smem:$0x3FA7]  }
0x2d: {  	s3 =	simm.s32 $0x108;
	s8 =	sld [smem:$0x3FA8]  }
0x2e: {  	s3 =	simm.s32 @!p0 $0x1082;
	s9 =	sld [smem:$0x3FA9]  }
0x2f: {  	lr =	sadd.s32 s0, s3;
	s0 =	sld [smem:$0x3FA0]  }
0x30: {  	s3 =	sld [smem:$0x3FA3]  }
0x31: {  	[smem:$0x3FAC] =	sst s10  }
0x32: {  	s10 =	sld [smem:$0x3FAA];
	_ =	sdelay $0x3  }
0x33: {  	p0 =	seq.s32 s10, $0x1;
	s10 =	sld [smem:$0x3FAC];
	_ =	sdelay $0x3  }
0x34: {  	[smem:$0x3FAC] =	sst s10  }
0x35: {  	s10 =	sld [smem:$0x3FAB];
	_ =	sdelay $0x3  }
0x36: {  	p1 =	seq.s32 s10, $0x1;
	s10 =	sld [smem:$0x3FAC];
	_ =	sdelay $0x3  }
0x37: {  	[smem:$0x3FAC] =	sst s10  }
0x38: {  	s10 =	sld [smem:$0x3FAD]  }
0x39: {  	_ = 	snop;
	(pc) =	sbr.ind lr, $3  }
0x3a: {  	_ = 	snop  }
0x3b: {  	_ = 	snop  }
0x3c: {  	p2 =	seq.s32 s10, $0x1;
	s10 =	sld [smem:$0x3FAC]  }
0x3d: {  	_ =	shalt  }
0x3e: {  	_ =	shalt  }
0x3f: {  	_ =	shalt  }
0x40: {  	_ =	shalt  }
0x41: {  	_ =	shalt  }
0x42: {  	_ =	shalt  }
0x43: {  	_ =	shalt  }
0x44: {  	_ =	shalt  }
0x45: {  	_ =	shalt  }
0x46: {  	_ =	shalt  }
0x47: {  	_ =	shalt  }
0x48: {  	_ =	shalt  }
0x49: {  	_ =	shalt  }
0x4a: {  	_ =	shalt  }
0x4b: {  	_ =	shalt  }
0x4c: {  	_ =	shalt  }
0x4d: {  	_ =	shalt  }
0x4e: {  	_ =	shalt  }
0x4f: {  	_ =	shalt  }
0x50: {  	_ =	shalt  }
0x51: {  	_ =	shalt  }
0x52: {  	_ =	shalt  }
0x53: {  	_ =	shalt  }
0x54: {  	_ =	shalt  }
0x55: {  	_ =	shalt  }
0x56: {  	_ =	shalt  }
0x57: {  	_ =	shalt  }
0x58: {  	_ =	shalt  }
0x59: {  	_ =	shalt  }
0x5a: {  	_ =	shalt  }
0x5b: {  	_ =	shalt  }
0x5c: {  	_ =	shalt  }
0x5d: {  	_ =	shalt  }
0x5e: {  	_ =	shalt  }
0x5f: {  	_ =	shalt  }
0x60: {  	_ =	shalt  }
0x61: {  	_ =	shalt  }
0x62: {  	_ =	shalt  }
0x63: {  	_ =	shalt  }
0x64: {  	_ =	shalt  }
0x65: {  	_ =	shalt  }
0x66: {  	_ =	shalt  }
0x67: {  	_ =	shalt  }
0x68: {  	_ =	shalt  }
0x69: {  	_ =	shalt  }
0x6a: {  	_ =	shalt  }
0x6b: {  	_ =	shalt  }
0x6c: {  	_ =	shalt  }
0x6d: {  	_ =	shalt  }
0x6e: {  	_ =	shalt  }
0x6f: {  	_ =	shalt  }
0x70: {  	_ =	shalt  }
0x71: {  	_ =	shalt  }
0x72: {  	_ =	shalt  }
0x73: {  	_ =	shalt  }
0x74: {  	_ =	shalt  }
0x75: {  	_ =	shalt  }
0x76: {  	_ =	shalt  }
0x77: {  	_ =	shalt  }
0x78: {  	_ =	shalt  }
0x79: {  	_ =	shalt  }
0x7a: {  	_ =	shalt  }
0x7b: {  	_ =	shalt  }
0x7c: {  	_ =	shalt  }
0x7d: {  	_ =	shalt  }
0x7e: {  	_ =	shalt  }
0x7f: {  	_ =	shalt  }
0x80: {  	_ =	shalt  }
0x81: {  	_ =	shalt  }
0x82: {  	_ =	shalt  }
0x83: {  	_ =	shalt  }
0x84: {  	_ =	shalt  }
0x85: {  	_ =	shalt  }
0x86: {  	_ =	shalt  }
0x87: {  	_ =	shalt  }
.Lfunc_end0:
.L_simem_size_0:
called_computation.2_lowered:
.L_overlay_start_0:
0x88: {  	s2 =	sld [smem:$0x3FD9]  }
0x89: {  	s3 =	sld [smem:$0x3FFE];
	_ =	sdelay $0x1  }
0x8a: {  	s1 =	srdreg.scid  }
0x8b: {  	s0 =	sand.u32 $0x1, s1  }
0x8c: {  	s16 =	sshll.u32 s0, $0xA;
	s2 =	sadd.s32 s3, s2  }
0x8d: {  	s2 =	sadd.s32 s2, s16  }
0x8e: {  	[smem:$0x3FB8] =	sst s2  }
0x8f: {  	_ = 	snop  }
0x90: {  	(tm) =	ssettm $0x1  }
0x91: {  	s17 =	sld [smem:$0x3FFB];
	_ =	sdelay $0x3  }
0x92: {  	_ =	strace s17  }
0x93: {  	s2 =	sld [smem:$0x3FFC];
	_ =	sdelay $0x3  }
0x94: {  	_ =	strace s2  }
0x95: {  	s2 =	sld [smem:$0x3FFD];
	_ =	sdelay $0x3  }
0x96: {  	_ =	strace s2  }
0x97: {  	_ =	strace $0x8FFFFFFF  }
0x98: {  	s18 =	sld [smem:$0x3FDB];
	_ =	sdelay $0x1  }
0x99: {  	s19 =	simm.s32 $_scs_section_size  }
0x9a: {  	s4 =	simm.s32 $_size__tile_overlayer_lowered;
	s5 =	simm.s32 $_tile_overlayer_lowered  }
0x9b: {  	s22 =	simm.s32 $0x1BFF;
	s21 =	sshll.u32 s5, $0x1;
	s2 =	sadd.s32 s19, s18  }
0x9c: {  	s6 =	simm.s32 $0x0;
	s20 =	sshll.u32 s4, $0x1;
	s4 =	sadd.s32 s21, s2  }
0x9d: {  	[timem:s6], [sflag:s22] =	dma.local [hbm:s4], s20  }
0x9e: {  	_ =	swait.ge [sflag:s22], s20  }
0x9f: {  	s3 =	ssub.s32 $0x0, s20;
	[sflag:s22] =	ssyncset.done $0x0  }
0xa0: {  	[sflag:s22] =	ssyncadd.s32 s3;
	_ =	sdelay $0x1  }
0xa1: {  	s23 =	simm.s32 $0x1B8B  }
0xa2: {  	_ =	swait.ge [sflag:s23], $0x1  }
0xa3: {  	[sflag:s23] =	ssyncset.done $0x0  }
0xa4: {  	s25 =	simm.s32 $0x1B8E;
	s24 =	sld [smem:$0x3FFE];
	[sflag:s23] =	ssyncadd.s32 $0xFFFFFFFF  }
0xa5: {  	s26 =	simm.s32 $execute0_lowered;
	[smem:$0x3FD2] =	sst s25  }
0xa6: {  	s4 =	sshll.u32 s26, $0x1;
	_ =	strace $0x8000004C;
	[dreg:$0x1] =	wrdreg $0xFFFFFFFF  }
0xa7: {  	s28 =	simm.s32 $_size_execute0_lowered;
	s2 =	sadd.s32 s2, s4;
	[dreg:$0x0] =	wrdreg $0x0  }
0xa8: {  	s4 =	sshll.u32 s28, $0x1;
	[dreg:$0x2] =	wrdreg s2  }
0xa9: {  	[dreg:$0x3] =	wrdreg s4  }
0xaa: {  	[dreg:$0x4] =	wrdreg $0xC0  }
0xab: {  	_ =	task [dreg:s6], $0x5FFFF  }
0xac: {  	[dreg:$0x1] =	wrdreg $0xFFFFFFFF  }
0xad: {  	[dreg:$0x0] =	wrdreg $0x60  }
0xae: {  	[dreg:$0x2] =	wrdreg s24  }
0xaf: {  	[dreg:$0x3] =	wrdreg $0x0  }
0xb0: {  	[dreg:$0x4] =	wrdreg $0x9  }
0xb1: {  	_ =	task.clear_ibuf [dreg:s6], $0x5FFFF;
	_ =	strace $0x9000004C  }
0xb2: {  	s29 =	simm.s32 $0x9;
	_ =	strace $0x8000004E  }
0xb3: {  	_ =	swait.ge [sflag:s29], $0x1  }
0xb4: {  	[sflag:s29] =	ssyncadd.s32 $0xFFFFFFFF  }
0xb5: {  	_ =	strace $0x9000004E  }
0xb6: {  	_ =	sfence  }
0xb7: {  	s30 =	sld [smem:$0x0];
	_ =	sdelay $0x2  }
0xb8: {  	s31 =	sshll.u32 s1, $0xD;
	s1 =	sshrl.u32 s1, $0x2  }
0xb9: {  	s3 =	sand.u32 $0x4000, s31;
	s1 =	sadd.s32 s1, s30  }
0xba: {  	s0 =	sor.u32 s3, s0;
	s1 =	sshll.u32 s1, $0x11  }
0xbb: {  	s0 =	sor.u32 s1, s0  }
0xbc: {  	s0 =	sadd.s32 $0x8F2B, s0  }
0xbd: {  	[sflag:s0] =	ssyncadd.remote.s32 $0x1  }
0xbe: {  	_ =	sfence.sel $0xFFFF  }
0xbf: {  	[dreg:$0x0] =	wrdreg $0xFFFFFFFF;
	(pc) =	sbr.abs _section_cstart, $3  }
0xc0: {  	[dreg:$0x1] =	wrdreg $0xFFFFFFFF  }
0xc1: {  	_ =	task.clear_ibuf [dreg:s6], $0x2FFFF;
	_ =	strace $0x9FFFFFFF  }
0xc2: {  	(tm) =	ssettm $0x7FFFFFFF  }
0xc3: {  	_ =	shalt  }
tec
execute0_lowered:
.L_overlay_start_1:
0x0: {  	(tag) =	ssettag $0x1  }
0x1: {  	s1 =	srdreg.scid;
	s6 =	rddreg [dreg:$0x0]  }
0x2: {  	s0 =	stileid.u32;
	s2 =	rddreg [dreg:$0x1]  }
0x3: {  	s3 =	simm.s32 $0x0;
	s14 =	simm.s32 $0x80;
	s15 =	simm.s32 $0x16800  }
0x4: {  	s16 =	simm.s32 $0x14100;
	s17 =	simm.s32 $0x1A800;
	s18 =	simm.s32 $0x1  }
0x5: {  	s19 =	simm.s32 $0x14080;
	s20 =	simm.s32 $0x3;
	s21 =	simm.s32 $0x14200  }
0x6: {  	s22 =	simm.s32 $0x2;
	s23 =	simm.s32 $0x14180;
	s28 =	simm.s32 $0x16780  }
0x7: {  	s29 =	simm.s32 $0x0;
	s5 =	sand.u32 $0x1, s1;
	s7 =	smul.u32 $0x14000, s0  }
0x8: {  	s24 =	sshll.u32 s0, $0x1;
	[smem:$0x7FF] =	sst s3;
	s25 =	smul.u32 $0x50000, s0  }
0x9: {  	s31 =	sshll.u32 s0, $0x6;
	s1 =	sor.u32 s5, s24;
	s9 =	smul.u32 $0x140000, s5  }
0xa: {  	_ =	strace $0x8000004D;
	s5 =	ssub.s32 $0x2, s5;
	s24 =	simm.s32 $0x4  }
0xb: {  	s4 =	smul.u32 $0x5000, s1;
	s10 =	sshrl.u32 s7, $0x3;
	s26 =	sshrl.u32 s5, $0x1  }
0xc: {  	s30 =	sshrl.u32 s25, $0x2;
	s25 =	simm.s32 $0x16700;
	s7 =	sadd.s32 s7, s9  }
0xd: {  	s10 =	sadd.s32 s10, s6;
	s12 =	ssub.s32 s5, s26;
	s13 =	sadd.s32 s30, s2  }
0xe: {  	s26 =	simm.s32 $0x16680;
	s8 =	sshrl.u32 s4, $0x3;
	s4 =	sadd.s32 $0x1AA00, s6  }
0xf: {  	s7 =	sshrl.u32 s7, $0x3;
	s5 =	sadd.s32 $0x6AA00, s10;
	s10 =	smax.u32 s12, $0x1  }
0x10: {  	s12 =	simm.s32 $0x5;
	s8 =	sadd.s32 s8, s6;
	s11 =	sadd.s32 s7, s6  }
0x11: {  	s6 =	sor.u32 $0x1C05, s31;
	s7 =	sadd.s32 $0x6A00, s8;
	s8 =	sadd.s32 $0x6F00, s8  }
0x12: {  	s9 =	sadd.s32 $0x92A00, s11;
	s11 =	sshrl.u32 s13, $0x3;
	s13 =	simm.s32 $0x14000  }
.LBB2_1:
0x13: {  	[spmem:s11], [sflag:s6] =	dma.local [hbm:s5], $0x2800  }
0x14: {  	_ =	swait.ge [sflag:s12], $0x2800  }
0x15: {  	[sflag:s12] =	ssyncset.done $0x0  }
0x16: {  	[sflag:s12] =	ssyncadd.s32 $0xFFFFD800  }
0x17: {  	[bflag:$0x0] =	sbarrier.arrive $0xFFFF  }
0x18: {  	[tilespmem:s13], [sflag:$0x5] =	stream.linear.gather [hbm4b:s7+s3], $0x2800, $0x38;
	[tilespmem:$0x1E800] =	vst v63  }
0x19: {  	_ =	swait.ge [sflag:s12], $0x2800  }
0x1a: {  	[sflag:s12] =	ssyncset.done $0x0  }
0x1b: {  	[sflag:s12] =	ssyncadd.s32 $0xFFFFD800  }
0x1c: {  	[tilespmem:s15], [sflag:$0x1] =	stream.indirect.gather [hbm4b:s4+s14], $0x80, s13, s14, $0xb8;
	[tilespmem:$0x1E800] =	vst v63  }
0x1d: {  	_ = 	snop  }
0x1e: {  	[tilespmem:s17], [sflag:$0x2] =	stream.indirect.gather [hbm4b:s4+s14], $0x80, s16, s14, $0xb8;
	[tilespmem:$0x1E800] =	vst v63  }
0x1f: {  	_ =	swait.ge [sflag:s18], $0x4000  }
0x20: {  	[sflag:s18] =	ssyncset.done $0x0  }
0x21: {  	[sflag:s18] =	ssyncadd.s32 $0xFFFFC000  }
0x22: {  	[spmem:s2] =	stream.indirect.scatter.add.f32 [tilespmem:s15], [sflag:$0x3], $0x80, s19, s14, $0xb8;
	[tilespmem:$0x1E800] =	vst v63  }
0x23: {  	_ =	swait.ge [sflag:s20], $0x4000  }
0x24: {  	[sflag:s20] =	ssyncset.done $0x0  }
0x25: {  	[sflag:s20] =	ssyncadd.s32 $0xFFFFC000  }
0x26: {  	[tilespmem:s15], [sflag:$0x1] =	stream.indirect.gather [hbm4b:s4+s14], $0x80, s21, s14, $0xb8;
	[tilespmem:$0x1E800] =	vst v63  }
0x27: {  	_ =	swait.ge [sflag:s22], $0x4000  }
0x28: {  	[sflag:s22] =	ssyncset.done $0x0  }
0x29: {  	[sflag:s22] =	ssyncadd.s32 $0xFFFFC000  }
0x2a: {  	[spmem:s2] =	stream.indirect.scatter.add.f32 [tilespmem:s17], [sflag:$0x4], $0x80, s23, s14, $0xb8;
	[tilespmem:$0x1E800] =	vst v63  }
0x2b: {  	_ =	swait.ge [sflag:s24], $0x4000  }
0x2c: {  	[sflag:s24] =	ssyncset.done $0x0  }
0x2d: {  	s30 =	simm.s32 $0x14300;
	[sflag:s24] =	ssyncadd.s32 $0xFFFFC000  }
0x2e: {  	[tilespmem:s17], [sflag:$0x2] =	stream.indirect.gather [hbm4b:s4+s14], $0x80, s30, s14, $0xb8;
	[tilespmem:$0x1E800] =	vst v63  }
0x2f: {  	_ =	swait.ge [sflag:s18], $0x4000  }
0x30: {  	[sflag:s18] =	ssyncset.done $0x0  }
0x31: {  	s30 =	simm.s32 $0x14280;
	[sflag:s18] =	ssyncadd.s32 $0xFFFFC000  }
0x32: {  	[spmem:s2] =	stream.indirect.scatter.add.f32 [tilespmem:s15], [sflag:$0x3], $0x80, s30, s14, $0xb8;
	[tilespmem:$0x1E800] =	vst v63  }
0x33: {  	_ =	swait.ge [sflag:s20], $0x4000  }
0x34: {  	[sflag:s20] =	ssyncset.done $0x0  }
0x35: {  	s30 =	simm.s32 $0x14400;
	[sflag:s20] =	ssyncadd.s32 $0xFFFFC000  }
0x36: {  	[tilespmem:s15], [sflag:$0x1] =	stream.indirect.gather [hbm4b:s4+s14], $0x80, s30, s14, $0xb8;
	[tilespmem:$0x1E800] =	vst v63  }
0x37: {  	_ =	swait.ge [sflag:s22], $0x4000  }
0x38: {  	[sflag:s22] =	ssyncset.done $0x0  }
0x39: {  	s31 =	simm.s32 $0x14380;
	s30 =	simm.s32 $0xFFFF7800;
	[sflag:s22] =	ssyncadd.s32 $0xFFFFC000  }
.LBB2_2:
0x3a: {  	[spmem:s2] =	stream.indirect.scatter.add.f32 [tilespmem:s17], [sflag:$0x4], $0x80, s31, s14, $0xb8;
	[tilespmem:$0x1E800] =	vst v63  }
0x3b: {  	s31 =	smov.u32 s30  }
0x3c: {  	p0 =	sne.s32 s30, $0xFFFFF800;
	s30 =	sadd.s32 $0x800, s30;
	_ =	swait.ge [sflag:s24], $0x4000  }
0x3d: {  	s31 =	sshra.s32 s31, $0x2;
	[sflag:s24] =	ssyncset.done $0x0  }
0x3e: {  	s1 =	sadd.s32 $0x16700, s31;
	[sflag:s24] =	ssyncadd.s32 $0xFFFFC000  }
0x3f: {  	[tilespmem:s17], [sflag:$0x2] =	stream.indirect.gather [hbm4b:s4+s14], $0x80, s1, s14, $0xb8;
	[tilespmem:$0x1E800] =	vst v63  }
0x40: {  	_ =	swait.ge [sflag:s18], $0x4000  }
0x41: {  	[sflag:s18] =	ssyncset.done $0x0  }
0x42: {  	s1 =	sadd.s32 $0x16680, s31;
	[sflag:s18] =	ssyncadd.s32 $0xFFFFC000  }
0x43: {  	[spmem:s2] =	stream.indirect.scatter.add.f32 [tilespmem:s15], [sflag:$0x3], $0x80, s1, s14, $0xb8;
	[tilespmem:$0x1E800] =	vst v63  }
0x44: {  	_ =	swait.ge [sflag:s20], $0x4000  }
0x45: {  	[sflag:s20] =	ssyncset.done $0x0  }
.Ltmp0:
0x46: {  	s1 =	sadd.s32 $0x16800, s31;
	[sflag:s20] =	ssyncadd.s32 $0xFFFFC000;
	(pc) =	sbr.rel @p0 .LBB2_2-.Ltmp0, $4  }
0x47: {  	[tilespmem:s15], [sflag:$0x1] =	stream.indirect.gather [hbm4b:s4+s14], $0x80, s1, s14, $0xb8;
	[tilespmem:$0x1E800] =	vst v63  }
0x48: {  	_ =	swait.ge [sflag:s22], $0x4000  }
0x49: {  	[sflag:s22] =	ssyncset.done $0x0  }
0x4a: {  	s31 =	sadd.s32 $0x16780, s31;
	[sflag:s22] =	ssyncadd.s32 $0xFFFFC000  }
0x4b: {  	[spmem:s2] =	stream.indirect.scatter.add.f32 [tilespmem:s17], [sflag:$0x4], $0x80, s31, s14, $0xb8;
	[tilespmem:$0x1E800] =	vst v63  }
0x4c: {  	_ =	swait.ge [sflag:s24], $0x4000  }
0x4d: {  	[sflag:s24] =	ssyncset.done $0x0  }
0x4e: {  	[sflag:s24] =	ssyncadd.s32 $0xFFFFC000  }
0x4f: {  	[tilespmem:s17], [sflag:$0x2] =	stream.indirect.gather [hbm4b:s4+s14], $0x80, s25, s14, $0xb8;
	[tilespmem:$0x1E800] =	vst v63  }
0x50: {  	_ =	swait.ge [sflag:s18], $0x4000  }
0x51: {  	[sflag:s18] =	ssyncset.done $0x0  }
0x52: {  	[sflag:s18] =	ssyncadd.s32 $0xFFFFC000  }
0x53: {  	[spmem:s2] =	stream.indirect.scatter.add.f32 [tilespmem:s15], [sflag:$0x3], $0x80, s26, s14, $0xb8;
	[tilespmem:$0x1E800] =	vst v63  }
0x54: {  	_ =	swait.ge [sflag:s22], $0x4000  }
0x55: {  	[sflag:s22] =	ssyncset.done $0x0  }
0x56: {  	[sflag:s22] =	ssyncadd.s32 $0xFFFFC000  }
0x57: {  	[spmem:s2] =	stream.indirect.scatter.add.f32 [tilespmem:s17], [sflag:$0x4], $0x80, s28, s14, $0xb8;
	[tilespmem:$0x1E800] =	vst v63  }
0x58: {  	_ =	swait.ge [sflag:s20], $0x4000  }
0x59: {  	[sflag:s20] =	ssyncset.done $0x0  }
0x5a: {  	[sflag:s20] =	ssyncadd.s32 $0xFFFFC000  }
0x5b: {  	_ =	swait.ge [sflag:s24], $0x4000  }
0x5c: {  	[sflag:s24] =	ssyncset.done $0x0  }
0x5d: {  	[sflag:s24] =	ssyncadd.s32 $0xFFFFC000  }
0x5e: {  	[tilespmem:s13], [sflag:$0x5] =	stream.linear.gather [hbm4b:s8+s3], $0x2800, $0x38;
	[tilespmem:$0x1E800] =	vst v63  }
0x5f: {  	_ =	swait.ge [sflag:s12], $0x2800  }
0x60: {  	[sflag:s12] =	ssyncset.done $0x0  }
0x61: {  	[sflag:s12] =	ssyncadd.s32 $0xFFFFD800  }
0x62: {  	[tilespmem:s15], [sflag:$0x1] =	stream.indirect.gather [hbm4b:s4+s14], $0x80, s13, s14, $0xb8;
	[tilespmem:$0x1E800] =	vst v63  }
0x63: {  	_ = 	snop  }
0x64: {  	[tilespmem:s17], [sflag:$0x2] =	stream.indirect.gather [hbm4b:s4+s14], $0x80, s16, s14, $0xb8;
	[tilespmem:$0x1E800] =	vst v63  }
0x65: {  	_ =	swait.ge [sflag:s18], $0x4000  }
0x66: {  	[sflag:s18] =	ssyncset.done $0x0  }
0x67: {  	[sflag:s18] =	ssyncadd.s32 $0xFFFFC000  }
0x68: {  	[spmem:s2] =	stream.indirect.scatter.add.f32 [tilespmem:s15], [sflag:$0x3], $0x80, s19, s14, $0xb8;
	[tilespmem:$0x1E800] =	vst v63  }
0x69: {  	_ =	swait.ge [sflag:s20], $0x4000  }
0x6a: {  	[sflag:s20] =	ssyncset.done $0x0  }
0x6b: {  	[sflag:s20] =	ssyncadd.s32 $0xFFFFC000  }
0x6c: {  	[tilespmem:s15], [sflag:$0x1] =	stream.indirect.gather [hbm4b:s4+s14], $0x80, s21, s14, $0xb8;
	[tilespmem:$0x1E800] =	vst v63  }
0x6d: {  	_ =	swait.ge [sflag:s22], $0x4000  }
0x6e: {  	[sflag:s22] =	ssyncset.done $0x0  }
0x6f: {  	[sflag:s22] =	ssyncadd.s32 $0xFFFFC000  }
0x70: {  	[spmem:s2] =	stream.indirect.scatter.add.f32 [tilespmem:s17], [sflag:$0x4], $0x80, s23, s14, $0xb8;
	[tilespmem:$0x1E800] =	vst v63  }
0x71: {  	_ =	swait.ge [sflag:s24], $0x4000  }
0x72: {  	[sflag:s24] =	ssyncset.done $0x0  }
0x73: {  	s1 =	simm.s32 $0x14300;
	[sflag:s24] =	ssyncadd.s32 $0xFFFFC000  }
0x74: {  	[tilespmem:s17], [sflag:$0x2] =	stream.indirect.gather [hbm4b:s4+s14], $0x80, s1, s14, $0xb8;
	[tilespmem:$0x1E800] =	vst v63  }
0x75: {  	_ =	swait.ge [sflag:s18], $0x4000  }
0x76: {  	[sflag:s18] =	ssyncset.done $0x0  }
0x77: {  	s1 =	simm.s32 $0x14280;
	[sflag:s18] =	ssyncadd.s32 $0xFFFFC000  }
0x78: {  	[spmem:s2] =	stream.indirect.scatter.add.f32 [tilespmem:s15], [sflag:$0x3], $0x80, s1, s14, $0xb8;
	[tilespmem:$0x1E800] =	vst v63  }
0x79: {  	_ =	swait.ge [sflag:s20], $0x4000  }
0x7a: {  	[sflag:s20] =	ssyncset.done $0x0  }
0x7b: {  	s1 =	simm.s32 $0x14400;
	[sflag:s20] =	ssyncadd.s32 $0xFFFFC000  }
0x7c: {  	[tilespmem:s15], [sflag:$0x1] =	stream.indirect.gather [hbm4b:s4+s14], $0x80, s1, s14, $0xb8;
	[tilespmem:$0x1E800] =	vst v63  }
0x7d: {  	_ =	swait.ge [sflag:s22], $0x4000  }
0x7e: {  	[sflag:s22] =	ssyncset.done $0x0  }
0x7f: {  	s30 =	simm.s32 $0xFFFF7800;
	s31 =	simm.s32 $0x14380;
	[sflag:s22] =	ssyncadd.s32 $0xFFFFC000  }
.LBB2_4:
0x80: {  	[spmem:s2] =	stream.indirect.scatter.add.f32 [tilespmem:s17], [sflag:$0x4], $0x80, s31, s14, $0xb8;
	[tilespmem:$0x1E800] =	vst v63  }
0x81: {  	s1 =	smov.u32 s30  }
0x82: {  	p0 =	sne.s32 s30, $0xFFFFF800;
	s30 =	sadd.s32 $0x800, s30;
	_ =	swait.ge [sflag:s24], $0x4000  }
0x83: {  	s1 =	sshra.s32 s1, $0x2;
	[sflag:s24] =	ssyncset.done $0x0  }
0x84: {  	s31 =	sadd.s32 $0x16700, s1;
	[sflag:s24] =	ssyncadd.s32 $0xFFFFC000  }
0x85: {  	[tilespmem:s17], [sflag:$0x2] =	stream.indirect.gather [hbm4b:s4+s14], $0x80, s31, s14, $0xb8;
	[tilespmem:$0x1E800] =	vst v63  }
0x86: {  	_ =	swait.ge [sflag:s18], $0x4000  }
0x87: {  	[sflag:s18] =	ssyncset.done $0x0  }
0x88: {  	s31 =	sadd.s32 $0x16680, s1;
	[sflag:s18] =	ssyncadd.s32 $0xFFFFC000  }
0x89: {  	[spmem:s2] =	stream.indirect.scatter.add.f32 [tilespmem:s15], [sflag:$0x3], $0x80, s31, s14, $0xb8;
	[tilespmem:$0x1E800] =	vst v63  }
0x8a: {  	_ =	swait.ge [sflag:s20], $0x4000  }
0x8b: {  	[sflag:s20] =	ssyncset.done $0x0  }
.Ltmp1:
0x8c: {  	s31 =	sadd.s32 $0x16800, s1;
	[sflag:s20] =	ssyncadd.s32 $0xFFFFC000;
	(pc) =	sbr.rel @p0 .LBB2_4-.Ltmp1, $4  }
0x8d: {  	[tilespmem:s15], [sflag:$0x1] =	stream.indirect.gather [hbm4b:s4+s14], $0x80, s31, s14, $0xb8;
	[tilespmem:$0x1E800] =	vst v63  }
0x8e: {  	_ =	swait.ge [sflag:s22], $0x4000  }
0x8f: {  	[sflag:s22] =	ssyncset.done $0x0  }
0x90: {  	s31 =	sadd.s32 $0x16780, s1;
	[sflag:s22] =	ssyncadd.s32 $0xFFFFC000  }
0x91: {  	[spmem:s2] =	stream.indirect.scatter.add.f32 [tilespmem:s17], [sflag:$0x4], $0x80, s31, s14, $0xb8;
	[tilespmem:$0x1E800] =	vst v63  }
0x92: {  	_ =	swait.ge [sflag:s24], $0x4000  }
0x93: {  	[sflag:s24] =	ssyncset.done $0x0  }
0x94: {  	[sflag:s24] =	ssyncadd.s32 $0xFFFFC000  }
0x95: {  	[tilespmem:s17], [sflag:$0x2] =	stream.indirect.gather [hbm4b:s4+s14], $0x80, s25, s14, $0xb8;
	[tilespmem:$0x1E800] =	vst v63  }
0x96: {  	_ =	swait.ge [sflag:s18], $0x4000  }
0x97: {  	[sflag:s18] =	ssyncset.done $0x0  }
0x98: {  	[sflag:s18] =	ssyncadd.s32 $0xFFFFC000  }
0x99: {  	[spmem:s2] =	stream.indirect.scatter.add.f32 [tilespmem:s15], [sflag:$0x3], $0x80, s26, s14, $0xb8;
	[tilespmem:$0x1E800] =	vst v63  }
0x9a: {  	_ =	swait.ge [sflag:s22], $0x4000  }
0x9b: {  	[sflag:s22] =	ssyncset.done $0x0  }
0x9c: {  	[sflag:s22] =	ssyncadd.s32 $0xFFFFC000  }
0x9d: {  	[spmem:s2] =	stream.indirect.scatter.add.f32 [tilespmem:s17], [sflag:$0x4], $0x80, s28, s14, $0xb8;
	[tilespmem:$0x1E800] =	vst v63  }
0x9e: {  	_ =	swait.ge [sflag:s20], $0x4000  }
0x9f: {  	[sflag:s20] =	ssyncset.done $0x0  }
0xa0: {  	[sflag:s20] =	ssyncadd.s32 $0xFFFFC000  }
0xa1: {  	_ =	swait.ge [sflag:s24], $0x4000  }
0xa2: {  	s29 =	sadd.s32 $0x1, s29;
	[sflag:s24] =	ssyncset.done $0x0  }
0xa3: {  	p0 =	sne.s32 s29, s10;
	[sflag:s24] =	ssyncadd.s32 $0xFFFFC000  }
.Ltmp2:
0xa4: {  	[bflag:$0x0] =	sbarrier.arrive $0xFFFF;
	(pc) =	sbr.rel @p0 .LBB2_1-.Ltmp2, $4  }
0xa5: {  	[hbm:s9], [sflag:s6] =	dma.local [spmem:s11], $0x2800  }
0xa6: {  	_ =	swait.ge [sflag:s12], $0x2800  }
0xa7: {  	[sflag:s12] =	ssyncset.done $0x0  }
0xa8: {  	[sflag:s12] =	ssyncadd.s32 $0xFFFFD800  }
0xa9: {  	_ =	sfence.sel $0x180000  }
0xaa: {  	[bflag:$0x0] =	sbarrier.arrive $0xFFFF  }
0xab: {  	_ =	strace $0x9000004D  }
0xac: {  	[bflag:$0x2] =	sbarrier.arrive $0xFFFF  }
0xad: {  	p0 =	sne.s32 s0, $0x0;
	s0 =	rddreg [dreg:$0x2]  }
0xae: {  	s0 =	sadd.s32 @!p0 $0x100000, s0  }
0xaf: {  	[sflag:s0] =	ssyncadd.tile.s32 @!p0 $0x1;
	_ =	shalt  }
.Lfunc_end2:
_tile_overlayer_lowered:
.L_overlay_start_2:
0xb0: {  	(tag) =	ssettag $0x2  }
0xb1: {  	s0 =	rddreg [dreg:$0x0];
	s2 =	stileid.u32  }
0xb2: {  	s1 =	rddreg [dreg:$0x1];
	p0 =	sne.s32 s2, $0x0  }
0xb3: {  	s3 =	rddreg [dreg:$0x2];
	[bflag:$0x3] =	sbarrier.arrive $0xFFFF;
	s2 =	simm.s32 @!p0 $0x1C05  }
0xb4: {  	[timem:s3], [sflag:s2] =	dma.local @!p0 [hbm:s0], s1  }
0xb5: {  	s0 =	simm.s32 @!p0 $0x5  }
0xb6: {  	_ =	swait.ge @!p0 [sflag:s0], s1  }
0xb7: {  	s1 =	ssub.s32 @!p0 $0x0, s1;
	[sflag:s0] =	ssyncset.done @!p0 $0x0  }
0xb8: {  	[sflag:s0] =	ssyncadd.s32 @!p0 s1  }
0xb9: {  	[bflag:$0x3] =	sbarrier.arrive $0xFFFF  }
0xba: {  	_ =	shalt  }

// kernel: kernel.21.cloned.1.call-start
scs
__scs_entry_jumppad:
0x0: {  	(pc) =	sbr.rel $0x88, $3  }
0x1: {  	(tag) =	ssettag $0x0;
	lr =	simm.s32 $0x1  }
0x2: {  	[smem:$0x3F91] =	sst lr;
	_ =	strace $0xD0000000  }
0x3: {  	_ = 	snop  }
0x4: {  	_ = 	snop  }
0x5: {  	_ = 	snop  }
0x6: {  	_ = 	snop  }
0x7: {  	_ = 	snop  }
__scs_overlays_trampoline_lowered:
0x8: {  	[smem:$0x3FA0] =	sst s0  }
0x9: {  	[smem:$0x3FA1] =	sst s1  }
0xa: {  	[smem:$0x3FA2] =	sst s2  }
0xb: {  	[smem:$0x3FA3] =	sst s3  }
0xc: {  	[smem:$0x3FA4] =	sst s4  }
0xd: {  	[smem:$0x3FA5] =	sst s5  }
0xe: {  	[smem:$0x3FA6] =	sst s6  }
0xf: {  	[smem:$0x3FA7] =	sst s7  }
0x10: {  	[smem:$0x3FA8] =	sst s8  }
0x11: {  	[smem:$0x3FA9] =	sst s9;
	s0 =	simm.s32 @!p0 $0x0  }
0x12: {  	s1 =	sld [smem:$0x3F8F];
	s0 =	simm.s32 @p0 $0x1  }
0x13: {  	[smem:$0x3FAA] =	sst s0;
	s0 =	simm.s32 @!p1 $0x0  }
0x14: {  	s2 =	sld [smem:$0x3F8E];
	s0 =	simm.s32 @p1 $0x1  }
0x15: {  	[smem:$0x3FAB] =	sst s0;
	s0 =	simm.s32 @!p2 $0x0  }
0x16: {  	s3 =	sld [smem:$0x3FDB];
	s0 =	simm.s32 @p2 $0x1  }
0x17: {  	s4 =	simm.s32 $0x1BF5;
	[smem:$0x3FAD] =	sst s0  }
0x18: {  	s0 =	sld [smem:$0x3F90];
	_ =	swait.ge [sflag:s4], $0x0  }
0x19: {  	s7 =	sld [smem:$0x3F91]  }
0x1a: {  	s8 =	sadd.s32 $0xFFFFE003, lr  }
0x1b: {  	s9 =	sadd.s32 $0xFFFFFEF7, lr;
	s5 =	simm.s32 $0xFFFFFFFF;
	p2 =	slt.u32 s8, $0xFFFFF086  }
0x1c: {  	p1 =	slt.u32 s9, $0xF7A;
	s5 =	simm.s32 @!p2 $0x0  }
0x1d: {  	s5 =	simm.s32 @p1 $0x1;
	p0 =	seq.s32 s7, s2  }
0x1e: {  	s7 =	smul.u32 @!p0 $0xF7A, s2;
	p2 =	seq.s32 @!p0 s5, $0x0  }
0x1f: {  	s9 =	smul.u32 $0xF7A, s1;
	s8 =	simm.s32 @!p0 $0x1BF5;
	p2 =	por !p2, p0  }
0x20: {  	[sflag:s8] =	ssyncset.s32 @!p0 $0xFFFFF086;
	s6 =	sadd.s32 @!p0 s3, s7;
	s7 =	simm.s32 @!p0 $0x108  }
0x21: {  	s3 =	sadd.s32 s3, s9;
	s6 =	sadd.s32 @!p0 $0x88, s6;
	s7 =	simm.s32 @p2 $0x1082  }
0x22: {  	[simem:s7], [sflag:s8] =	dma.local @!p0 [hbm:s6], $0xF7A  }
0x23: {  	s9 =	sor.u32 $0xD0000000, s2;
	s6 =	simm.s32 $0x108;
	_ =	swait.ge @!p0 [sflag:s8], $0x0  }
0x24: {  	s3 =	sadd.s32 $0x88, s3;
	s6 =	simm.s32 @!p1 $0x1082;
	[sflag:s4] =	ssyncset.s32 $0xFFFFF086  }
0x25: {  	[simem:s6], [sflag:s4] =	dma.local [hbm:s3], $0xF7A  }
0x26: {  	[smem:$0x3F91] =	sst s1;
	(tag) =	ssettag s2;
	_ =	strace s9  }
0x27: {  	s1 =	sld [smem:$0x3FA1]  }
0x28: {  	s2 =	sld [smem:$0x3FA2]  }
0x29: {  	s4 =	sld [smem:$0x3FA4]  }
0x2a: {  	p0 =	seq.s32 s5, $0x0;
	s5 =	sld [smem:$0x3FA5]  }
0x2b: {  	s6 =	sld [smem:$0x3FA6]  }
0x2c: {  	s7 =	sld [smem:$0x3FA7]  }
0x2d: {  	s3 =	simm.s32 $0x108;
	s8 =	sld [smem:$0x3FA8]  }
0x2e: {  	s3 =	simm.s32 @!p0 $0x1082;
	s9 =	sld [smem:$0x3FA9]  }
0x2f: {  	lr =	sadd.s32 s0, s3;
	s0 =	sld [smem:$0x3FA0]  }
0x30: {  	s3 =	sld [smem:$0x3FA3]  }
0x31: {  	[smem:$0x3FAC] =	sst s10  }
0x32: {  	s10 =	sld [smem:$0x3FAA];
	_ =	sdelay $0x3  }
0x33: {  	p0 =	seq.s32 s10, $0x1;
	s10 =	sld [smem:$0x3FAC];
	_ =	sdelay $0x3  }
0x34: {  	[smem:$0x3FAC] =	sst s10  }
0x35: {  	s10 =	sld [smem:$0x3FAB];
	_ =	sdelay $0x3  }
0x36: {  	p1 =	seq.s32 s10, $0x1;
	s10 =	sld [smem:$0x3FAC];
	_ =	sdelay $0x3  }
0x37: {  	[smem:$0x3FAC] =	sst s10  }
0x38: {  	s10 =	sld [smem:$0x3FAD]  }
0x39: {  	_ = 	snop;
	(pc) =	sbr.ind lr, $3  }
0x3a: {  	_ = 	snop  }
0x3b: {  	_ = 	snop  }
0x3c: {  	p2 =	seq.s32 s10, $0x1;
	s10 =	sld [smem:$0x3FAC]  }
0x3d: {  	_ =	shalt  }
0x3e: {  	_ =	shalt  }
0x3f: {  	_ =	shalt  }
0x40: {  	_ =	shalt  }
0x41: {  	_ =	shalt  }
0x42: {  	_ =	shalt  }
0x43: {  	_ =	shalt  }
0x44: {  	_ =	shalt  }
0x45: {  	_ =	shalt  }
0x46: {  	_ =	shalt  }
0x47: {  	_ =	shalt  }
0x48: {  	_ =	shalt  }
0x49: {  	_ =	shalt  }
0x4a: {  	_ =	shalt  }
0x4b: {  	_ =	shalt  }
0x4c: {  	_ =	shalt  }
0x4d: {  	_ =	shalt  }
0x4e: {  	_ =	shalt  }
0x4f: {  	_ =	shalt  }
0x50: {  	_ =	shalt  }
0x51: {  	_ =	shalt  }
0x52: {  	_ =	shalt  }
0x53: {  	_ =	shalt  }
0x54: {  	_ =	shalt  }
0x55: {  	_ =	shalt  }
0x56: {  	_ =	shalt  }
0x57: {  	_ =	shalt  }
0x58: {  	_ =	shalt  }
0x59: {  	_ =	shalt  }
0x5a: {  	_ =	shalt  }
0x5b: {  	_ =	shalt  }
0x5c: {  	_ =	shalt  }
0x5d: {  	_ =	shalt  }
0x5e: {  	_ =	shalt  }
0x5f: {  	_ =	shalt  }
0x60: {  	_ =	shalt  }
0x61: {  	_ =	shalt  }
0x62: {  	_ =	shalt  }
0x63: {  	_ =	shalt  }
0x64: {  	_ =	shalt  }
0x65: {  	_ =	shalt  }
0x66: {  	_ =	shalt  }
0x67: {  	_ =	shalt  }
0x68: {  	_ =	shalt  }
0x69: {  	_ =	shalt  }
0x6a: {  	_ =	shalt  }
0x6b: {  	_ =	shalt  }
0x6c: {  	_ =	shalt  }
0x6d: {  	_ =	shalt  }
0x6e: {  	_ =	shalt  }
0x6f: {  	_ =	shalt  }
0x70: {  	_ =	shalt  }
0x71: {  	_ =	shalt  }
0x72: {  	_ =	shalt  }
0x73: {  	_ =	shalt  }
0x74: {  	_ =	shalt  }
0x75: {  	_ =	shalt  }
0x76: {  	_ =	shalt  }
0x77: {  	_ =	shalt  }
0x78: {  	_ =	shalt  }
0x79: {  	_ =	shalt  }
0x7a: {  	_ =	shalt  }
0x7b: {  	_ =	shalt  }
0x7c: {  	_ =	shalt  }
0x7d: {  	_ =	shalt  }
0x7e: {  	_ =	shalt  }
0x7f: {  	_ =	shalt  }
0x80: {  	_ =	shalt  }
0x81: {  	_ =	shalt  }
0x82: {  	_ =	shalt  }
0x83: {  	_ =	shalt  }
0x84: {  	_ =	shalt  }
0x85: {  	_ =	shalt  }
0x86: {  	_ =	shalt  }
0x87: {  	_ =	shalt  }
.Lfunc_end0:
.L_simem_size_0:
called_computation.3_lowered:
.L_overlay_start_0:
0x88: {  	s2 =	sld [smem:$0x3FD9]  }
0x89: {  	s3 =	sld [smem:$0x3FFE];
	_ =	sdelay $0x1  }
0x8a: {  	s1 =	srdreg.scid  }
0x8b: {  	s0 =	sand.u32 $0x1, s1  }
0x8c: {  	s16 =	sshll.u32 s0, $0xA;
	s2 =	sadd.s32 s3, s2  }
0x8d: {  	s2 =	sadd.s32 s2, s16  }
0x8e: {  	[smem:$0x3FB8] =	sst s2  }
0x8f: {  	_ = 	snop  }
0x90: {  	(tm) =	ssettm $0x1  }
0x91: {  	s17 =	sld [smem:$0x3FFB];
	_ =	sdelay $0x3  }
0x92: {  	_ =	strace s17  }
0x93: {  	s2 =	sld [smem:$0x3FFC];
	_ =	sdelay $0x3  }
0x94: {  	_ =	strace s2  }
0x95: {  	s2 =	sld [smem:$0x3FFD];
	_ =	sdelay $0x3  }
0x96: {  	_ =	strace s2  }
0x97: {  	_ =	strace $0x8FFFFFFF  }
0x98: {  	s18 =	sld [smem:$0x3FDB];
	_ =	sdelay $0x1  }
0x99: {  	s19 =	simm.s32 $_scs_section_size  }
0x9a: {  	s4 =	simm.s32 $_size__tile_overlayer_lowered;
	s5 =	simm.s32 $_tile_overlayer_lowered  }
0x9b: {  	s22 =	simm.s32 $0x1BFF;
	s21 =	sshll.u32 s5, $0x1;
	s2 =	sadd.s32 s19, s18  }
0x9c: {  	s6 =	simm.s32 $0x0;
	s20 =	sshll.u32 s4, $0x1;
	s4 =	sadd.s32 s21, s2  }
0x9d: {  	[timem:s6], [sflag:s22] =	dma.local [hbm:s4], s20  }
0x9e: {  	_ =	swait.ge [sflag:s22], s20  }
0x9f: {  	s3 =	ssub.s32 $0x0, s20;
	[sflag:s22] =	ssyncset.done $0x0  }
0xa0: {  	[sflag:s22] =	ssyncadd.s32 s3;
	_ =	sdelay $0x1  }
0xa1: {  	s23 =	simm.s32 $0x1B8B  }
0xa2: {  	_ =	swait.ge [sflag:s23], $0x1  }
0xa3: {  	[sflag:s23] =	ssyncset.done $0x0  }
0xa4: {  	s25 =	simm.s32 $0x1B8E;
	s24 =	sld [smem:$0x3FFE];
	[sflag:s23] =	ssyncadd.s32 $0xFFFFFFFF  }
0xa5: {  	s26 =	simm.s32 $execute0_lowered;
	[smem:$0x3FD2] =	sst s25  }
0xa6: {  	s4 =	sshll.u32 s26, $0x1;
	_ =	strace $0x8000004F;
	[dreg:$0x1] =	wrdreg $0xFFFFFFFF  }
0xa7: {  	s28 =	simm.s32 $_size_execute0_lowered;
	s2 =	sadd.s32 s2, s4;
	[dreg:$0x0] =	wrdreg $0x0  }
0xa8: {  	s4 =	sshll.u32 s28, $0x1;
	[dreg:$0x2] =	wrdreg s2  }
0xa9: {  	[dreg:$0x3] =	wrdreg s4  }
0xaa: {  	[dreg:$0x4] =	wrdreg $0xC0  }
0xab: {  	_ =	task [dreg:s6], $0x5FFFF  }
0xac: {  	[dreg:$0x1] =	wrdreg $0xFFFFFFFF  }
0xad: {  	[dreg:$0x0] =	wrdreg $0x60  }
0xae: {  	[dreg:$0x2] =	wrdreg s24  }
0xaf: {  	[dreg:$0x3] =	wrdreg $0x0  }
0xb0: {  	[dreg:$0x4] =	wrdreg $0x9  }
0xb1: {  	_ =	task.clear_ibuf [dreg:s6], $0x5FFFF;
	_ =	strace $0x9000004F  }
0xb2: {  	s29 =	simm.s32 $0x9;
	_ =	strace $0x80000051  }
0xb3: {  	_ =	swait.ge [sflag:s29], $0x1  }
0xb4: {  	[sflag:s29] =	ssyncadd.s32 $0xFFFFFFFF  }
0xb5: {  	_ =	strace $0x90000051  }
0xb6: {  	_ =	sfence  }
0xb7: {  	s30 =	sld [smem:$0x0];
	_ =	sdelay $0x2  }
0xb8: {  	s31 =	sshll.u32 s1, $0xD;
	s1 =	sshrl.u32 s1, $0x2  }
0xb9: {  	s3 =	sand.u32 $0x4000, s31;
	s1 =	sadd.s32 s1, s30  }
0xba: {  	s0 =	sor.u32 s3, s0;
	s1 =	sshll.u32 s1, $0x11  }
0xbb: {  	s0 =	sor.u32 s1, s0  }
0xbc: {  	s0 =	sadd.s32 $0x8F2B, s0  }
0xbd: {  	[sflag:s0] =	ssyncadd.remote.s32 $0x1  }
0xbe: {  	_ =	sfence.sel $0xFFFF  }
0xbf: {  	[dreg:$0x0] =	wrdreg $0xFFFFFFFF;
	(pc) =	sbr.abs _section_cstart, $3  }
0xc0: {  	[dreg:$0x1] =	wrdreg $0xFFFFFFFF  }
0xc1: {  	_ =	task.clear_ibuf [dreg:s6], $0x2FFFF;
	_ =	strace $0x9FFFFFFF  }
0xc2: {  	(tm) =	ssettm $0x7FFFFFFF  }
0xc3: {  	_ =	shalt  }
tec
execute0_lowered:
.L_overlay_start_1:
0x0: {  	(tag) =	ssettag $0x1  }
0x1: {  	s1 =	srdreg.scid;
	s6 =	rddreg [dreg:$0x0]  }
0x2: {  	s0 =	stileid.u32;
	s2 =	rddreg [dreg:$0x1]  }
0x3: {  	s3 =	simm.s32 $0x0;
	s14 =	simm.s32 $0x80;
	s15 =	simm.s32 $0x16800  }
0x4: {  	s16 =	simm.s32 $0x14100;
	s17 =	simm.s32 $0x1A800;
	s18 =	simm.s32 $0x1  }
0x5: {  	s19 =	simm.s32 $0x14080;
	s20 =	simm.s32 $0x3;
	s21 =	simm.s32 $0x14200  }
0x6: {  	s22 =	simm.s32 $0x2;
	s23 =	simm.s32 $0x14180;
	s28 =	simm.s32 $0x16780  }
0x7: {  	s29 =	simm.s32 $0x0;
	s5 =	sand.u32 $0x1, s1;
	s7 =	smul.u32 $0x14000, s0  }
0x8: {  	s24 =	sshll.u32 s0, $0x1;
	[smem:$0x7FF] =	sst s3;
	s25 =	smul.u32 $0x50000, s0  }
0x9: {  	s31 =	sshll.u32 s0, $0x6;
	s1 =	sor.u32 s5, s24;
	s9 =	smul.u32 $0x140000, s5  }
0xa: {  	_ =	strace $0x80000050;
	s5 =	ssub.s32 $0x2, s5;
	s24 =	simm.s32 $0x4  }
0xb: {  	s4 =	smul.u32 $0x5000, s1;
	s10 =	sshrl.u32 s7, $0x3;
	s26 =	sshrl.u32 s5, $0x1  }
0xc: {  	s30 =	sshrl.u32 s25, $0x2;
	s25 =	simm.s32 $0x16700;
	s7 =	sadd.s32 s7, s9  }
0xd: {  	s10 =	sadd.s32 s10, s6;
	s12 =	ssub.s32 s5, s26;
	s13 =	sadd.s32 s30, s2  }
0xe: {  	s26 =	simm.s32 $0x16680;
	s8 =	sshrl.u32 s4, $0x3;
	s4 =	sadd.s32 $0x1AA00, s6  }
0xf: {  	s7 =	sshrl.u32 s7, $0x3;
	s5 =	sadd.s32 $0x6AA00, s10;
	s10 =	smax.u32 s12, $0x1  }
0x10: {  	s12 =	simm.s32 $0x5;
	s8 =	sadd.s32 s8, s6;
	s11 =	sadd.s32 s7, s6  }
0x11: {  	s6 =	sor.u32 $0x1C05, s31;
	s7 =	sadd.s32 $0x6A00, s8;
	s8 =	sadd.s32 $0x6F00, s8  }
0x12: {  	s9 =	sadd.s32 $0x92A00, s11;
	s11 =	sshrl.u32 s13, $0x3;
	s13 =	simm.s32 $0x14000  }
.LBB2_1:
0x13: {  	[spmem:s11], [sflag:s6] =	dma.local [hbm:s5], $0x2800  }
0x14: {  	_ =	swait.ge [sflag:s12], $0x2800  }
0x15: {  	[sflag:s12] =	ssyncset.done $0x0  }
0x16: {  	[sflag:s12] =	ssyncadd.s32 $0xFFFFD800  }
0x17: {  	[bflag:$0x0] =	sbarrier.arrive $0xFFFF  }
0x18: {  	[tilespmem:s13], [sflag:$0x5] =	stream.linear.gather [hbm4b:s7+s3], $0x2800, $0x38;
	[tilespmem:$0x1E800] =	vst v63  }
0x19: {  	_ =	swait.ge [sflag:s12], $0x2800  }
0x1a: {  	[sflag:s12] =	ssyncset.done $0x0  }
0x1b: {  	[sflag:s12] =	ssyncadd.s32 $0xFFFFD800  }
0x1c: {  	[tilespmem:s15], [sflag:$0x1] =	stream.indirect.gather [hbm4b:s4+s14], $0x80, s13, s14, $0xb8;
	[tilespmem:$0x1E800] =	vst v63  }
0x1d: {  	_ = 	snop  }
0x1e: {  	[tilespmem:s17], [sflag:$0x2] =	stream.indirect.gather [hbm4b:s4+s14], $0x80, s16, s14, $0xb8;
	[tilespmem:$0x1E800] =	vst v63  }
0x1f: {  	_ =	swait.ge [sflag:s18], $0x4000  }
0x20: {  	[sflag:s18] =	ssyncset.done $0x0  }
0x21: {  	[sflag:s18] =	ssyncadd.s32 $0xFFFFC000  }
0x22: {  	[spmem:s2] =	stream.indirect.scatter.add.f32 [tilespmem:s15], [sflag:$0x3], $0x80, s19, s14, $0xb8;
	[tilespmem:$0x1E800] =	vst v63  }
0x23: {  	_ =	swait.ge [sflag:s20], $0x4000  }
0x24: {  	[sflag:s20] =	ssyncset.done $0x0  }
0x25: {  	[sflag:s20] =	ssyncadd.s32 $0xFFFFC000  }
0x26: {  	[tilespmem:s15], [sflag:$0x1] =	stream.indirect.gather [hbm4b:s4+s14], $0x80, s21, s14, $0xb8;
	[tilespmem:$0x1E800] =	vst v63  }
0x27: {  	_ =	swait.ge [sflag:s22], $0x4000  }
0x28: {  	[sflag:s22] =	ssyncset.done $0x0  }
0x29: {  	[sflag:s22] =	ssyncadd.s32 $0xFFFFC000  }
0x2a: {  	[spmem:s2] =	stream.indirect.scatter.add.f32 [tilespmem:s17], [sflag:$0x4], $0x80, s23, s14, $0xb8;
	[tilespmem:$0x1E800] =	vst v63  }
0x2b: {  	_ =	swait.ge [sflag:s24], $0x4000  }
0x2c: {  	[sflag:s24] =	ssyncset.done $0x0  }
0x2d: {  	s30 =	simm.s32 $0x14300;
	[sflag:s24] =	ssyncadd.s32 $0xFFFFC000  }
0x2e: {  	[tilespmem:s17], [sflag:$0x2] =	stream.indirect.gather [hbm4b:s4+s14], $0x80, s30, s14, $0xb8;
	[tilespmem:$0x1E800] =	vst v63  }
0x2f: {  	_ =	swait.ge [sflag:s18], $0x4000  }
0x30: {  	[sflag:s18] =	ssyncset.done $0x0  }
0x31: {  	s30 =	simm.s32 $0x14280;
	[sflag:s18] =	ssyncadd.s32 $0xFFFFC000  }
0x32: {  	[spmem:s2] =	stream.indirect.scatter.add.f32 [tilespmem:s15], [sflag:$0x3], $0x80, s30, s14, $0xb8;
	[tilespmem:$0x1E800] =	vst v63  }
0x33: {  	_ =	swait.ge [sflag:s20], $0x4000  }
0x34: {  	[sflag:s20] =	ssyncset.done $0x0  }
0x35: {  	s30 =	simm.s32 $0x14400;
	[sflag:s20] =	ssyncadd.s32 $0xFFFFC000  }
0x36: {  	[tilespmem:s15], [sflag:$0x1] =	stream.indirect.gather [hbm4b:s4+s14], $0x80, s30, s14, $0xb8;
	[tilespmem:$0x1E800] =	vst v63  }
0x37: {  	_ =	swait.ge [sflag:s22], $0x4000  }
0x38: {  	[sflag:s22] =	ssyncset.done $0x0  }
0x39: {  	s31 =	simm.s32 $0x14380;
	s30 =	simm.s32 $0xFFFF7800;
	[sflag:s22] =	ssyncadd.s32 $0xFFFFC000  }
.LBB2_2:
0x3a: {  	[spmem:s2] =	stream.indirect.scatter.add.f32 [tilespmem:s17], [sflag:$0x4], $0x80, s31, s14, $0xb8;
	[tilespmem:$0x1E800] =	vst v63  }
0x3b: {  	s31 =	smov.u32 s30  }
0x3c: {  	p0 =	sne.s32 s30, $0xFFFFF800;
	s30 =	sadd.s32 $0x800, s30;
	_ =	swait.ge [sflag:s24], $0x4000  }
0x3d: {  	s31 =	sshra.s32 s31, $0x2;
	[sflag:s24] =	ssyncset.done $0x0  }
0x3e: {  	s1 =	sadd.s32 $0x16700, s31;
	[sflag:s24] =	ssyncadd.s32 $0xFFFFC000  }
0x3f: {  	[tilespmem:s17], [sflag:$0x2] =	stream.indirect.gather [hbm4b:s4+s14], $0x80, s1, s14, $0xb8;
	[tilespmem:$0x1E800] =	vst v63  }
0x40: {  	_ =	swait.ge [sflag:s18], $0x4000  }
0x41: {  	[sflag:s18] =	ssyncset.done $0x0  }
0x42: {  	s1 =	sadd.s32 $0x16680, s31;
	[sflag:s18] =	ssyncadd.s32 $0xFFFFC000  }
0x43: {  	[spmem:s2] =	stream.indirect.scatter.add.f32 [tilespmem:s15], [sflag:$0x3], $0x80, s1, s14, $0xb8;
	[tilespmem:$0x1E800] =	vst v63  }
0x44: {  	_ =	swait.ge [sflag:s20], $0x4000  }
0x45: {  	[sflag:s20] =	ssyncset.done $0x0  }
.Ltmp0:
0x46: {  	s1 =	sadd.s32 $0x16800, s31;
	[sflag:s20] =	ssyncadd.s32 $0xFFFFC000;
	(pc) =	sbr.rel @p0 .LBB2_2-.Ltmp0, $4  }
0x47: {  	[tilespmem:s15], [sflag:$0x1] =	stream.indirect.gather [hbm4b:s4+s14], $0x80, s1, s14, $0xb8;
	[tilespmem:$0x1E800] =	vst v63  }
0x48: {  	_ =	swait.ge [sflag:s22], $0x4000  }
0x49: {  	[sflag:s22] =	ssyncset.done $0x0  }
0x4a: {  	s31 =	sadd.s32 $0x16780, s31;
	[sflag:s22] =	ssyncadd.s32 $0xFFFFC000  }
0x4b: {  	[spmem:s2] =	stream.indirect.scatter.add.f32 [tilespmem:s17], [sflag:$0x4], $0x80, s31, s14, $0xb8;
	[tilespmem:$0x1E800] =	vst v63  }
0x4c: {  	_ =	swait.ge [sflag:s24], $0x4000  }
0x4d: {  	[sflag:s24] =	ssyncset.done $0x0  }
0x4e: {  	[sflag:s24] =	ssyncadd.s32 $0xFFFFC000  }
0x4f: {  	[tilespmem:s17], [sflag:$0x2] =	stream.indirect.gather [hbm4b:s4+s14], $0x80, s25, s14, $0xb8;
	[tilespmem:$0x1E800] =	vst v63  }
0x50: {  	_ =	swait.ge [sflag:s18], $0x4000  }
0x51: {  	[sflag:s18] =	ssyncset.done $0x0  }
0x52: {  	[sflag:s18] =	ssyncadd.s32 $0xFFFFC000  }
0x53: {  	[spmem:s2] =	stream.indirect.scatter.add.f32 [tilespmem:s15], [sflag:$0x3], $0x80, s26, s14, $0xb8;
	[tilespmem:$0x1E800] =	vst v63  }
0x54: {  	_ =	swait.ge [sflag:s22], $0x4000  }
0x55: {  	[sflag:s22] =	ssyncset.done $0x0  }
0x56: {  	[sflag:s22] =	ssyncadd.s32 $0xFFFFC000  }
0x57: {  	[spmem:s2] =	stream.indirect.scatter.add.f32 [tilespmem:s17], [sflag:$0x4], $0x80, s28, s14, $0xb8;
	[tilespmem:$0x1E800] =	vst v63  }
0x58: {  	_ =	swait.ge [sflag:s20], $0x4000  }
0x59: {  	[sflag:s20] =	ssyncset.done $0x0  }
0x5a: {  	[sflag:s20] =	ssyncadd.s32 $0xFFFFC000  }
0x5b: {  	_ =	swait.ge [sflag:s24], $0x4000  }
0x5c: {  	[sflag:s24] =	ssyncset.done $0x0  }
0x5d: {  	[sflag:s24] =	ssyncadd.s32 $0xFFFFC000  }
0x5e: {  	[tilespmem:s13], [sflag:$0x5] =	stream.linear.gather [hbm4b:s8+s3], $0x2800, $0x38;
	[tilespmem:$0x1E800] =	vst v63  }
0x5f: {  	_ =	swait.ge [sflag:s12], $0x2800  }
0x60: {  	[sflag:s12] =	ssyncset.done $0x0  }
0x61: {  	[sflag:s12] =	ssyncadd.s32 $0xFFFFD800  }
0x62: {  	[tilespmem:s15], [sflag:$0x1] =	stream.indirect.gather [hbm4b:s4+s14], $0x80, s13, s14, $0xb8;
	[tilespmem:$0x1E800] =	vst v63  }
0x63: {  	_ = 	snop  }
0x64: {  	[tilespmem:s17], [sflag:$0x2] =	stream.indirect.gather [hbm4b:s4+s14], $0x80, s16, s14, $0xb8;
	[tilespmem:$0x1E800] =	vst v63  }
0x65: {  	_ =	swait.ge [sflag:s18], $0x4000  }
0x66: {  	[sflag:s18] =	ssyncset.done $0x0  }
0x67: {  	[sflag:s18] =	ssyncadd.s32 $0xFFFFC000  }
0x68: {  	[spmem:s2] =	stream.indirect.scatter.add.f32 [tilespmem:s15], [sflag:$0x3], $0x80, s19, s14, $0xb8;
	[tilespmem:$0x1E800] =	vst v63  }
0x69: {  	_ =	swait.ge [sflag:s20], $0x4000  }
0x6a: {  	[sflag:s20] =	ssyncset.done $0x0  }
0x6b: {  	[sflag:s20] =	ssyncadd.s32 $0xFFFFC000  }
0x6c: {  	[tilespmem:s15], [sflag:$0x1] =	stream.indirect.gather [hbm4b:s4+s14], $0x80, s21, s14, $0xb8;
	[tilespmem:$0x1E800] =	vst v63  }
0x6d: {  	_ =	swait.ge [sflag:s22], $0x4000  }
0x6e: {  	[sflag:s22] =	ssyncset.done $0x0  }
0x6f: {  	[sflag:s22] =	ssyncadd.s32 $0xFFFFC000  }
0x70: {  	[spmem:s2] =	stream.indirect.scatter.add.f32 [tilespmem:s17], [sflag:$0x4], $0x80, s23, s14, $0xb8;
	[tilespmem:$0x1E800] =	vst v63  }
0x71: {  	_ =	swait.ge [sflag:s24], $0x4000  }
0x72: {  	[sflag:s24] =	ssyncset.done $0x0  }
0x73: {  	s1 =	simm.s32 $0x14300;
	[sflag:s24] =	ssyncadd.s32 $0xFFFFC000  }
0x74: {  	[tilespmem:s17], [sflag:$0x2] =	stream.indirect.gather [hbm4b:s4+s14], $0x80, s1, s14, $0xb8;
	[tilespmem:$0x1E800] =	vst v63  }
0x75: {  	_ =	swait.ge [sflag:s18], $0x4000  }
0x76: {  	[sflag:s18] =	ssyncset.done $0x0  }
0x77: {  	s1 =	simm.s32 $0x14280;
	[sflag:s18] =	ssyncadd.s32 $0xFFFFC000  }
0x78: {  	[spmem:s2] =	stream.indirect.scatter.add.f32 [tilespmem:s15], [sflag:$0x3], $0x80, s1, s14, $0xb8;
	[tilespmem:$0x1E800] =	vst v63  }
0x79: {  	_ =	swait.ge [sflag:s20], $0x4000  }
0x7a: {  	[sflag:s20] =	ssyncset.done $0x0  }
0x7b: {  	s1 =	simm.s32 $0x14400;
	[sflag:s20] =	ssyncadd.s32 $0xFFFFC000  }
0x7c: {  	[tilespmem:s15], [sflag:$0x1] =	stream.indirect.gather [hbm4b:s4+s14], $0x80, s1, s14, $0xb8;
	[tilespmem:$0x1E800] =	vst v63  }
0x7d: {  	_ =	swait.ge [sflag:s22], $0x4000  }
0x7e: {  	[sflag:s22] =	ssyncset.done $0x0  }
0x7f: {  	s30 =	simm.s32 $0xFFFF7800;
	s31 =	simm.s32 $0x14380;
	[sflag:s22] =	ssyncadd.s32 $0xFFFFC000  }
.LBB2_4:
0x80: {  	[spmem:s2] =	stream.indirect.scatter.add.f32 [tilespmem:s17], [sflag:$0x4], $0x80, s31, s14, $0xb8;
	[tilespmem:$0x1E800] =	vst v63  }
0x81: {  	s1 =	smov.u32 s30  }
0x82: {  	p0 =	sne.s32 s30, $0xFFFFF800;
	s30 =	sadd.s32 $0x800, s30;
	_ =	swait.ge [sflag:s24], $0x4000  }
0x83: {  	s1 =	sshra.s32 s1, $0x2;
	[sflag:s24] =	ssyncset.done $0x0  }
0x84: {  	s31 =	sadd.s32 $0x16700, s1;
	[sflag:s24] =	ssyncadd.s32 $0xFFFFC000  }
0x85: {  	[tilespmem:s17], [sflag:$0x2] =	stream.indirect.gather [hbm4b:s4+s14], $0x80, s31, s14, $0xb8;
	[tilespmem:$0x1E800] =	vst v63  }
0x86: {  	_ =	swait.ge [sflag:s18], $0x4000  }
0x87: {  	[sflag:s18] =	ssyncset.done $0x0  }
0x88: {  	s31 =	sadd.s32 $0x16680, s1;
	[sflag:s18] =	ssyncadd.s32 $0xFFFFC000  }
0x89: {  	[spmem:s2] =	stream.indirect.scatter.add.f32 [tilespmem:s15], [sflag:$0x3], $0x80, s31, s14, $0xb8;
	[tilespmem:$0x1E800] =	vst v63  }
0x8a: {  	_ =	swait.ge [sflag:s20], $0x4000  }
0x8b: {  	[sflag:s20] =	ssyncset.done $0x0  }
.Ltmp1:
0x8c: {  	s31 =	sadd.s32 $0x16800, s1;
	[sflag:s20] =	ssyncadd.s32 $0xFFFFC000;
	(pc) =	sbr.rel @p0 .LBB2_4-.Ltmp1, $4  }
0x8d: {  	[tilespmem:s15], [sflag:$0x1] =	stream.indirect.gather [hbm4b:s4+s14], $0x80, s31, s14, $0xb8;
	[tilespmem:$0x1E800] =	vst v63  }
0x8e: {  	_ =	swait.ge [sflag:s22], $0x4000  }
0x8f: {  	[sflag:s22] =	ssyncset.done $0x0  }
0x90: {  	s31 =	sadd.s32 $0x16780, s1;
	[sflag:s22] =	ssyncadd.s32 $0xFFFFC000  }
0x91: {  	[spmem:s2] =	stream.indirect.scatter.add.f32 [tilespmem:s17], [sflag:$0x4], $0x80, s31, s14, $0xb8;
	[tilespmem:$0x1E800] =	vst v63  }
0x92: {  	_ =	swait.ge [sflag:s24], $0x4000  }
0x93: {  	[sflag:s24] =	ssyncset.done $0x0  }
0x94: {  	[sflag:s24] =	ssyncadd.s32 $0xFFFFC000  }
0x95: {  	[tilespmem:s17], [sflag:$0x2] =	stream.indirect.gather [hbm4b:s4+s14], $0x80, s25, s14, $0xb8;
	[tilespmem:$0x1E800] =	vst v63  }
0x96: {  	_ =	swait.ge [sflag:s18], $0x4000  }
0x97: {  	[sflag:s18] =	ssyncset.done $0x0  }
0x98: {  	[sflag:s18] =	ssyncadd.s32 $0xFFFFC000  }
0x99: {  	[spmem:s2] =	stream.indirect.scatter.add.f32 [tilespmem:s15], [sflag:$0x3], $0x80, s26, s14, $0xb8;
	[tilespmem:$0x1E800] =	vst v63  }
0x9a: {  	_ =	swait.ge [sflag:s22], $0x4000  }
0x9b: {  	[sflag:s22] =	ssyncset.done $0x0  }
0x9c: {  	[sflag:s22] =	ssyncadd.s32 $0xFFFFC000  }
0x9d: {  	[spmem:s2] =	stream.indirect.scatter.add.f32 [tilespmem:s17], [sflag:$0x4], $0x80, s28, s14, $0xb8;
	[tilespmem:$0x1E800] =	vst v63  }
0x9e: {  	_ =	swait.ge [sflag:s20], $0x4000  }
0x9f: {  	[sflag:s20] =	ssyncset.done $0x0  }
0xa0: {  	[sflag:s20] =	ssyncadd.s32 $0xFFFFC000  }
0xa1: {  	_ =	swait.ge [sflag:s24], $0x4000  }
0xa2: {  	s29 =	sadd.s32 $0x1, s29;
	[sflag:s24] =	ssyncset.done $0x0  }
0xa3: {  	p0 =	sne.s32 s29, s10;
	[sflag:s24] =	ssyncadd.s32 $0xFFFFC000  }
.Ltmp2:
0xa4: {  	[bflag:$0x0] =	sbarrier.arrive $0xFFFF;
	(pc) =	sbr.rel @p0 .LBB2_1-.Ltmp2, $4  }
0xa5: {  	[hbm:s9], [sflag:s6] =	dma.local [spmem:s11], $0x2800  }
0xa6: {  	_ =	swait.ge [sflag:s12], $0x2800  }
0xa7: {  	[sflag:s12] =	ssyncset.done $0x0  }
0xa8: {  	[sflag:s12] =	ssyncadd.s32 $0xFFFFD800  }
0xa9: {  	_ =	sfence.sel $0x180000  }
0xaa: {  	[bflag:$0x0] =	sbarrier.arrive $0xFFFF  }
0xab: {  	_ =	strace $0x90000050  }
0xac: {  	[bflag:$0x2] =	sbarrier.arrive $0xFFFF  }
0xad: {  	p0 =	sne.s32 s0, $0x0;
	s0 =	rddreg [dreg:$0x2]  }
0xae: {  	s0 =	sadd.s32 @!p0 $0x100000, s0  }
0xaf: {  	[sflag:s0] =	ssyncadd.tile.s32 @!p0 $0x1;
	_ =	shalt  }
.Lfunc_end2:
_tile_overlayer_lowered:
.L_overlay_start_2:
0xb0: {  	(tag) =	ssettag $0x2  }
0xb1: {  	s0 =	rddreg [dreg:$0x0];
	s2 =	stileid.u32  }
0xb2: {  	s1 =	rddreg [dreg:$0x1];
	p0 =	sne.s32 s2, $0x0  }
0xb3: {  	s3 =	rddreg [dreg:$0x2];
	[bflag:$0x3] =	sbarrier.arrive $0xFFFF;
	s2 =	simm.s32 @!p0 $0x1C05  }
0xb4: {  	[timem:s3], [sflag:s2] =	dma.local @!p0 [hbm:s0], s1  }
0xb5: {  	s0 =	simm.s32 @!p0 $0x5  }
0xb6: {  	_ =	swait.ge @!p0 [sflag:s0], s1  }
0xb7: {  	s1 =	ssub.s32 @!p0 $0x0, s1;
	[sflag:s0] =	ssyncset.done @!p0 $0x0  }
0xb8: {  	[sflag:s0] =	ssyncadd.s32 @!p0 s1  }
0xb9: {  	[bflag:$0x3] =	sbarrier.arrive $0xFFFF  }
0xba: {  	_ =	shalt  }

</sc_bundles>
